<compile_context>
chip_gen: v7x
topology: tpu7x:2x2x1
jax: 0.10.2.dev20260603
libtpu: 0.0.44.dev20260713+nightly
codegen_flags: <defaults>
</compile_context>

<pallas_src>
import functools

import jax
import jax.numpy as jnp
from jax import lax
from jax.experimental import pallas as pl
from jax.experimental.pallas import tpu as pltpu
from jax.experimental.pallas import tpu_sc as plsc

NCORE = 2
NSUB = 16
NNODE = 10000
NEDGE = 320000
NGRAPH = 512
RB = 1000
NB = NNODE // RB
CH = 80
EPT = NEDGE // NSUB
ZR = NNODE // 10

@functools.cache
def _mesh():
    return plsc.VectorSubcoreMesh(core_axis_name="c", subcore_axis_name="s",
                                  num_cores=NCORE, num_subcores=NSUB)



def _sc_prep_body(dst2_hbm, eidx_hbm, zer_hbm, ones_hbm, etab_hbm,
                  deg_hbm, ent_hbm,
                  idx_v, ones_v, eidx_v, erows_v, acc_sh, sem):
    c = lax.axis_index("c")
    s = lax.axis_index("s")

    @pl.when(s < 10)
    def _():
        pltpu.sync_copy(zer_hbm, acc_sh.at[pl.ds(s * ZR, ZR)])

    pltpu.sync_copy(ones_hbm, ones_v)
    plsc.subcore_barrier()

    def body(k, carry):
        base = c * NEDGE + s * EPT + k * CH
        pltpu.sync_copy(dst2_hbm.at[pl.ds(base, CH)], idx_v)
        pltpu.sync_copy(ones_v, acc_sh.at[idx_v], add=True)
        return carry

    lax.fori_loop(0, EPT // CH, body, 0)
    plsc.subcore_barrier()

    @pl.when(s < 10)
    def _():
        pltpu.sync_copy(acc_sh.at[pl.ds(s * ZR, ZR)],
                        deg_hbm.at[pl.ds(c * NNODE + s * ZR, ZR)])

    w = c * NSUB + s
    pltpu.sync_copy(eidx_hbm.at[pl.ds(w * 32, 32)], eidx_v)
    pltpu.async_copy(etab_hbm.at[eidx_v], erows_v, sem).wait()
    pltpu.sync_copy(erows_v, ent_hbm.at[pl.ds(w * 32, 32)])


@functools.cache
def _sc_prep_call():
    return functools.partial(
        pl.kernel,
        out_type=(jax.ShapeDtypeStruct((NCORE * NNODE, 128), jnp.float32),
                  jax.ShapeDtypeStruct((2 * NGRAPH, 128), jnp.float32)),
        mesh=_mesh(),
        scratch_types=[
            pltpu.VMEM((CH,), jnp.int32),
            pltpu.VMEM((CH, 128), jnp.float32),
            pltpu.VMEM((32,), jnp.int32),
            pltpu.VMEM((32, 128), jnp.float32),
            pltpu.VMEM_SHARED((NNODE, 128), jnp.float32),
            pltpu.SemaphoreType.DMA,
        ],
    )(_sc_prep_body)


def _sc_prep(*args):
    return _sc_prep_call()(*args)


def _sc_scatter_body(u_hbm, src_hbm, dst_hbm, zer128_hbm,
                     sout_hbm,
                     isrc_v, gidx_v, idst_v, rows_v, acc_sh, sem):
    c = lax.axis_index("c")
    s = lax.axis_index("s")

    @pl.when(s < 10)
    def _():
        pltpu.sync_copy(zer128_hbm, acc_sh.at[pl.ds(s * ZR, ZR)])

    plsc.subcore_barrier()
    coff = c * NNODE

    def body(k, carry):
        base = s * EPT + k * CH
        pltpu.sync_copy(src_hbm.at[pl.ds(base, CH)], isrc_v)
        pltpu.sync_copy(dst_hbm.at[pl.ds(base, CH)], idst_v)
        for j in range(CH // 16):
            gidx_v[pl.ds(j * 16, 16)] = isrc_v[pl.ds(j * 16, 16)] + coff
        pltpu.async_copy(u_hbm.at[gidx_v], rows_v, sem).wait()
        pltpu.sync_copy(rows_v, acc_sh.at[idst_v], add=True)
        return carry

    lax.fori_loop(0, EPT // CH, body, 0)
    plsc.subcore_barrier()

    @pl.when(s < 10)
    def _():
        pltpu.sync_copy(acc_sh.at[pl.ds(s * ZR, ZR)],
                        sout_hbm.at[pl.ds(coff + s * ZR, ZR)])


@functools.cache
def _sc_scatter_call():
    return functools.partial(
        pl.kernel,
        out_type=jax.ShapeDtypeStruct((NCORE * NNODE, 128), jnp.float32),
        mesh=_mesh(),
        scratch_types=[
            pltpu.VMEM((CH,), jnp.int32),
            pltpu.VMEM((CH,), jnp.int32),
            pltpu.VMEM((CH,), jnp.int32),
            pltpu.VMEM((CH, 128), jnp.float32),
            pltpu.VMEM_SHARED((NNODE, 128), jnp.float32),
            pltpu.SemaphoreType.DMA,
        ],
    )(_sc_scatter_body)


def _sc_scatter(*args):
    return _sc_scatter_call()(*args)



def _dinv_of(deg_counts):
    return lax.rsqrt(jnp.maximum(deg_counts + 1.0, 1e-12))


def _k1_body(xidx_ref, deg_ref, aemb_ref, gW1_ref, u_ref):
    idx = xidx_ref[0, 0, 0, :]
    dinv = _dinv_of(deg_ref[0, 0, 0, :])
    oh = (idx[:, None] == lax.broadcasted_iota(jnp.int32, (RB, 16), 1)
          ).astype(jnp.float32)
    Wc = jnp.dot(aemb_ref[...], gW1_ref[...],
                 preferred_element_type=jnp.float32)
    u_ref[0] = dinv[:, None] * jnp.dot(oh, Wc,
                                       preferred_element_type=jnp.float32)


def _k2_body(Sa_ref, Sb_ref, ua_ref, ub_ref, deg_ref, gb1_ref, gW2_ref,
             u2_ref):
    dinv = _dinv_of(deg_ref[0, 0, 0, :])
    z = jnp.concatenate([Sa_ref[0] + ua_ref[0], Sb_ref[0] + ub_ref[0]],
                        axis=1)
    z = jnp.maximum(dinv[:, None] * z + gb1_ref[0][None, :], 0.0)
    u2_ref[0] = dinv[:, None] * jnp.dot(z, gW2_ref[...],
                                        preferred_element_type=jnp.float32)


def _k3_body(Sa_ref, Sb_ref, ua_ref, ub_ref, deg_ref, gb2_ref, bat_ref,
             pool_ref):
    i = pl.program_id(1)
    dinv = _dinv_of(deg_ref[0, 0, 0, :])
    h2 = jnp.concatenate([Sa_ref[0] + ua_ref[0], Sb_ref[0] + ub_ref[0]],
                         axis=1)
    h2 = jnp.maximum(dinv[:, None] * h2 + gb2_ref[0][None, :], 0.0)
    bat = bat_ref[0, 0, 0, :]
    ohT = (lax.broadcasted_iota(jnp.int32, (NGRAPH, RB), 0) == bat[None, :]
           ).astype(jnp.float32)
    sums = jnp.dot(ohT, h2, preferred_element_type=jnp.float32)
    cnts = jnp.dot(ohT, jnp.ones((RB, 128), jnp.float32),
                   preferred_element_type=jnp.float32)
    blk = jnp.concatenate([sums, cnts], axis=1)

    @pl.when(i == 0)
    def _():
        pool_ref[0] = blk

    @pl.when(i != 0)
    def _():
        pool_ref[0] = pool_ref[0] + blk


def _k4_body(pool_ref, ent_ref, fcW_ref, fcb_ref, eW1_ref, eb1_ref,
             eW2_ref, eb2_ref, dW1_ref, db1_ref, dW2_ref, db2_ref,
             dW3_ref, db3_ref, out_ref):
    dot = lambda a, b: jnp.dot(a, b, preferred_element_type=jnp.float32)
    egs = None
    for g in range(2):
        pg = pool_ref[g]
        mean = pg[:, :256] / jnp.maximum(pg[:, 256:257], 1.0)
        gf = dot(mean, fcW_ref[...]) + fcb_ref[0][None, :]
        e = jnp.maximum(ent_ref[g], 0.0)
        e = jnp.maximum(dot(e, eW1_ref[...]) + eb1_ref[0][None, :], 0.0)
        e = jnp.maximum(dot(e, eW2_ref[...]) + eb2_ref[0][None, :], 0.0)
        eg = jnp.concatenate([gf, e], axis=1)
        egs = eg if g == 0 else egs + eg
    hh = jnp.maximum(dot(egs, dW1_ref[...]) + db1_ref[0][None, :], 0.0)
    hh = jnp.maximum(dot(hh, dW2_ref[...]) + db2_ref[0][None, :], 0.0)
    out_ref[...] = dot(hh, dW3_ref[...]) + db3_ref[0][None, :]


def _meta_spec():
    return pl.BlockSpec((1, 1, 1, RB), lambda g, h, i: (g, i, 0, 0))


def _meta_spec2():
    return pl.BlockSpec((1, 1, 1, RB), lambda g, i: (g, i, 0, 0))


def _half_view(h_fixed=None):
    if h_fixed is None:
        return pl.BlockSpec((1, RB, 128), lambda g, h, i: (g, h * NB + i, 0))
    return pl.BlockSpec((1, RB, 128),
                        lambda g, i, _h=h_fixed: (g, _h * NB + i, 0))



def kernel(x1, edge_index1, ent1, batch1, x2, edge_index2, ent2, batch2,
           atom_emb, gW1, gb1, gW2, gb2, fcW, fcb,
           ent_emb, eW1, eb1, eW2, eb2,
           dW1, db1, dW2, db2, dW3, db3):
    f32 = jnp.float32
    i32 = jnp.int32

    dst2 = jnp.concatenate([edge_index1[1], edge_index2[1]]).astype(i32)
    eidx = jnp.concatenate([ent1, ent2]).astype(i32)
    zer128 = jnp.zeros((ZR, 128), f32)
    ones128 = jnp.ones((CH, 128), f32)

    deg3, ent_rows = _sc_prep(dst2, eidx, zer128, ones128, ent_emb)
    deg4 = deg3[:, 0].reshape(2, NB, 1, RB)

    xidx4 = jnp.stack([x1, x2]).astype(i32).reshape(2, NB, 1, RB)
    bat4 = jnp.stack([batch1, batch2]).astype(i32).reshape(2, NB, 1, RB)
    aemb_p = jnp.concatenate([atom_emb, jnp.zeros((5, 128), f32)], axis=0)

    u1 = pl.pallas_call(
        _k1_body,
        grid=(2, 2, NB),
        in_specs=[
            _meta_spec(), _meta_spec(),
            pl.BlockSpec((16, 128), lambda g, h, i: (0, 0)),
            pl.BlockSpec((128, 128), lambda g, h, i: (0, h)),
        ],
        out_specs=_half_view(),
        out_shape=jax.ShapeDtypeStruct((2, 2 * NNODE, 128), f32),
    )(xidx4, deg4, aemb_p, gW1)

    def conv_scatter(u):
        s0 = _sc_scatter(u[0], edge_index1[0].astype(i32),
                         edge_index1[1].astype(i32), zer128)
        s1 = _sc_scatter(u[1], edge_index2[0].astype(i32),
                         edge_index2[1].astype(i32), zer128)
        return jnp.stack([s0, s1])

    S1 = conv_scatter(u1)

    gb1r = gb1.reshape(1, 256)
    u2 = pl.pallas_call(
        _k2_body,
        grid=(2, 2, NB),
        in_specs=[
            pl.BlockSpec((1, RB, 128), lambda g, h, i: (g, i, 0)),
            pl.BlockSpec((1, RB, 128), lambda g, h, i: (g, NB + i, 0)),
            pl.BlockSpec((1, RB, 128), lambda g, h, i: (g, i, 0)),
            pl.BlockSpec((1, RB, 128), lambda g, h, i: (g, NB + i, 0)),
            _meta_spec(),
            pl.BlockSpec((1, 256), lambda g, h, i: (0, 0)),
            pl.BlockSpec((256, 128), lambda g, h, i: (0, h)),
        ],
        out_specs=_half_view(),
        out_shape=jax.ShapeDtypeStruct((2, 2 * NNODE, 128), f32),
    )(S1, S1, u1, u1, deg4, gb1r, gW2)

    S2 = conv_scatter(u2)

    gb2r = gb2.reshape(1, 256)
    pooled = pl.pallas_call(
        _k3_body,
        grid=(2, NB),
        in_specs=[
            pl.BlockSpec((1, RB, 128), lambda g, i: (g, i, 0)),
            pl.BlockSpec((1, RB, 128), lambda g, i: (g, NB + i, 0)),
            pl.BlockSpec((1, RB, 128), lambda g, i: (g, i, 0)),
            pl.BlockSpec((1, RB, 128), lambda g, i: (g, NB + i, 0)),
            _meta_spec2(),
            pl.BlockSpec((1, 256), lambda g, i: (0, 0)),
            _meta_spec2(),
        ],
        out_specs=pl.BlockSpec((1, NGRAPH, 384), lambda g, i: (g, 0, 0)),
        out_shape=jax.ShapeDtypeStruct((2, NGRAPH, 384), f32),
    )(S2, S2, u2, u2, deg4, gb2r, bat4)

    ent3 = ent_rows.reshape(2, NGRAPH, 128)
    full = lambda *s: pl.BlockSpec(s, lambda: tuple(0 for _ in s))
    out = pl.pallas_call(
        _k4_body,
        grid=(),
        in_specs=[
            full(2, NGRAPH, 384), full(2, NGRAPH, 128),
            full(256, 256), full(1, 256),
            full(128, 256), full(1, 256), full(256, 256), full(1, 256),
            full(512, 512), full(1, 512), full(512, 512), full(1, 512),
            full(512, 128), full(1, 128),
        ],
        out_specs=full(NGRAPH, 128),
        out_shape=jax.ShapeDtypeStruct((NGRAPH, 128), f32),
    )(pooled, ent3, fcW, fcb.reshape(1, 256),
      eW1, eb1.reshape(1, 256), eW2, eb2.reshape(1, 256),
      dW1, db1.reshape(1, 512), dW2, db2.reshape(1, 512),
      dW3, db3.reshape(1, 128))
    return out

# --- scband reference (transcript-rebuilt; emitter-appended) ---
"""Pipeline reference for scband-gcnent-pair-18313740550829 (READ-ONLY COPY).

The authoritative reference and input builder live on the scoring server;
editing this copy changes nothing except your own understanding.
"""

import jax, jax.numpy as jnp
import numpy as np

N = 10000
E = 320000
B = 512
VOCAB = 100000
ED = 128
GH = 256
EH = 256
OUT = 128


def _gcn_conv(x, src, dst, W, b, n):
    # PyG-style GCNConv: add self-loops, symmetric degree normalization
    h = x @ W
    loop = jnp.arange(n, dtype=src.dtype)
    s = jnp.concatenate([src, loop])
    d = jnp.concatenate([dst, loop])
    deg = jnp.zeros((n,), x.dtype).at[d].add(1.0)
    dinv = jax.lax.rsqrt(jnp.maximum(deg, 1e-12))
    norm = dinv[s] * dinv[d]
    msg = h[s] * norm[:, None]
    out = jnp.zeros((n, h.shape[1]), x.dtype).at[d].add(msg)
    return out + b


def _basic_gcn(x_idx, edge_index, batch_ids, atom_emb, gW1, gb1, gW2, gb2, fcW, fcb):
    x = atom_emb[x_idx]
    src, dst = edge_index[0], edge_index[1]
    x = jax.nn.relu(_gcn_conv(x, src, dst, gW1, gb1, N))
    x = jax.nn.relu(_gcn_conv(x, src, dst, gW2, gb2, N))
    sums = jax.ops.segment_sum(x, batch_ids, num_segments=B)
    cnts = jax.ops.segment_sum(jnp.ones((x.shape[0], 1), x.dtype), batch_ids, num_segments=B)
    pooled = sums / jnp.maximum(cnts, 1.0)
    return pooled @ fcW + fcb


def _enc(ent_idx, ent_emb, eW1, eb1, eW2, eb2):
    e = jax.nn.relu(ent_emb[ent_idx])
    e = jax.nn.relu(e @ eW1 + eb1)
    e = jax.nn.relu(e @ eW2 + eb2)
    return e


def setup_inputs(seed: int = 0) -> dict:
    key = jax.random.key(seed)
    ks = jax.random.split(key, 32)
    inp = {}
    inp['x1'] = jax.random.randint(ks[0], (N,), 0, 11, dtype=jnp.int64) if jax.config.jax_enable_x64 else jax.random.randint(ks[0], (N,), 0, 11)
    inp['edge_index1'] = jax.random.randint(ks[1], (2, E), 0, N)
    inp['ent1'] = jax.random.randint(ks[2], (B,), 0, VOCAB)
    inp['batch1'] = jnp.sort(jax.random.randint(ks[3], (N,), 0, B))
    inp['x2'] = jax.random.randint(ks[4], (N,), 0, 11)
    inp['edge_index2'] = jax.random.randint(ks[5], (2, E), 0, N)
    inp['ent2'] = jax.random.randint(ks[6], (B,), 0, VOCAB)
    inp['batch2'] = jnp.sort(jax.random.randint(ks[7], (N,), 0, B))
    # parameters (shared model applied to both graphs)
    inp['atom_emb'] = jax.random.normal(ks[8], (11, ED), jnp.float32) * 0.05
    inp['gW1'] = jax.random.normal(ks[9], (ED, GH), jnp.float32) * (1.0 / np.sqrt(ED))
    inp['gb1'] = jnp.zeros((GH,), jnp.float32)
    inp['gW2'] = jax.random.normal(ks[10], (GH, GH), jnp.float32) * (1.0 / np.sqrt(GH))
    inp['gb2'] = jnp.zeros((GH,), jnp.float32)
    inp['fcW'] = jax.random.normal(ks[11], (GH, GH), jnp.float32) * (1.0 / np.sqrt(GH))
    inp['fcb'] = jnp.zeros((GH,), jnp.float32)
    inp['ent_emb'] = jax.random.normal(ks[12], (VOCAB, ED), jnp.float32) * 0.05
    inp['eW1'] = jax.random.normal(ks[13], (ED, EH), jnp.float32) * (1.0 / np.sqrt(ED))
    inp['eb1'] = jnp.zeros((EH,), jnp.float32)
    inp['eW2'] = jax.random.normal(ks[14], (EH, EH), jnp.float32) * (1.0 / np.sqrt(EH))
    inp['eb2'] = jnp.zeros((EH,), jnp.float32)
    HID = GH + EH
    inp['dW1'] = jax.random.normal(ks[15], (HID, HID), jnp.float32) * (1.0 / np.sqrt(HID))
    inp['db1'] = jnp.zeros((HID,), jnp.float32)
    inp['dW2'] = jax.random.normal(ks[16], (HID, HID), jnp.float32) * (1.0 / np.sqrt(HID))
    inp['db2'] = jnp.zeros((HID,), jnp.float32)
    inp['dW3'] = jax.random.normal(ks[17], (HID, OUT), jnp.float32) * (1.0 / np.sqrt(HID))
    inp['db3'] = jnp.zeros((OUT,), jnp.float32)
    return inp


def reference(x1, edge_index1, ent1, batch1, x2, edge_index2, ent2, batch2,
              atom_emb, gW1, gb1, gW2, gb2, fcW, fcb,
              ent_emb, eW1, eb1, eW2, eb2,
              dW1, db1, dW2, db2, dW3, db3):
    g1 = _basic_gcn(x1, edge_index1, batch1, atom_emb, gW1, gb1, gW2, gb2, fcW, fcb)
    g2 = _basic_gcn(x2, edge_index2, batch2, atom_emb, gW1, gb1, gW2, gb2, fcW, fcb)
    e1 = _enc(ent1, ent_emb, eW1, eb1, eW2, eb2)
    e2 = _enc(ent2, ent_emb, eW1, eb1, eW2, eb2)
    eg1 = jnp.concatenate([g1, e1], axis=1)
    eg2 = jnp.concatenate([g2, e2], axis=1)
    egs = eg1 + eg2
    h = jax.nn.relu(egs @ dW1 + db1)
    h = jax.nn.relu(h @ dW2 + db2)
    out = h @ dW3 + db3
    return out

if __name__ == "__main__":
    import jax
    _d = setup_inputs()
    print(jax.jit(kernel)(*tuple(_d.values())))

</pallas_src>

<mosaic_0001>
#map = affine_map<(d0, d1) -> (0, 0)>
#map1 = affine_map<(d0, d1) -> (0)>
module attributes {stable_mosaic.version = 14 : i64} {
  func.func @_sc_scatter_body(%arg0: i32, %arg1: i32, %arg2: memref<20000x128xf32, #tpu.memory_space<hbm>>, %arg3: memref<320000xi32, #tpu.memory_space<hbm>>, %arg4: memref<320000xi32, #tpu.memory_space<hbm>>, %arg5: memref<1000x128xf32, #tpu.memory_space<hbm>>, %arg6: memref<20000x128xf32, #tpu.memory_space<hbm>>, %arg7: memref<80xi32, #tpu.memory_space<vmem>>, %arg8: memref<80xi32, #tpu.memory_space<vmem>>, %arg9: memref<80xi32, #tpu.memory_space<vmem>>, %arg10: memref<80x128xf32, #tpu.memory_space<vmem>>, %arg11: memref<10000x128xf32, #tpu.memory_space<vmem_shared>>, %arg12: memref<!tpu.dma_semaphore, #tpu.memory_space<semaphore_mem>>) attributes {dimension_semantics = [#tpu.dimension_semantics<core_parallel>, #tpu.dimension_semantics<subcore_parallel>], iteration_bounds = array<i64: 2, 16>, scalar_prefetch = 0 : i64, scratch_operands = 6 : i64, tpu.core_type = #tpu.core_type<sc_vector_subcore>, window_params = [{transform_indices = #map}, {transform_indices = #map1}, {transform_indices = #map1}, {transform_indices = #map}, {transform_indices = #map}]} {
    %lt3A = arith.constant 10 : i32
    %lt3A_0 = arith.cmpi slt, %arg1, %lt3A : i32
    %convert_element_type3A = arith.extui %lt3A_0 : i1 to i32
    %cond3A = arith.constant 0 : i32
    %cond3A_1 = arith.cmpi ne, %convert_element_type3A, %cond3A : i32
    scf.if %cond3A_1 {
      %mul3A_14 = arith.constant 1000 : i32
      %mul3A_15 = arith.muli %arg1, %mul3A_14 : i32
      "tpu.region"() ({
        %run_scoped3A = tpu.sem_alloc : memref<!tpu.dma_semaphore, #tpu.memory_space<semaphore_mem>>
        %dma_start3A = arith.constant 0 : i32
        %dma_start3A_16 = tpu.memref_slice %arg11[%mul3A_15, %dma_start3A] : memref<10000x128xf32, #tpu.memory_space<vmem_shared>> -> memref<1000x128xf32, #tpu.memory_space<vmem_shared>>
        tpu.enqueue_dma source(%arg5 : memref<1000x128xf32, #tpu.memory_space<hbm>>) target(%dma_start3A_16 : memref<1000x128xf32, #tpu.memory_space<vmem_shared>>) target_semaphore(%run_scoped3A : memref<!tpu.dma_semaphore, #tpu.memory_space<semaphore_mem>>)
        %dma_wait3A = arith.constant 0 : i32
        %dma_wait3A_17 = tpu.memref_slice %arg11[%mul3A_15, %dma_wait3A] : memref<10000x128xf32, #tpu.memory_space<vmem_shared>> -> memref<1000x128xf32, #tpu.memory_space<vmem_shared>>
        tpu.wait_dma2 semaphore(%run_scoped3A : memref<!tpu.dma_semaphore, #tpu.memory_space<semaphore_mem>>) src(%arg5 : memref<1000x128xf32, #tpu.memory_space<hbm>>) dst(%dma_wait3A_17 : memref<1000x128xf32, #tpu.memory_space<vmem_shared>>)
        tpu.yield
      }) : () -> ()
    } else {
    }
    %barrier3A = arith.constant 0 : index
    tpu.barrier barrier_id(%barrier3A)
    %mul3A = arith.constant 10000 : i32
    %mul3A_2 = arith.muli %arg0, %mul3A : i32
    %scan3A = arith.constant 0 : i32
    %scan3A_3 = arith.constant 0 : i32
    %scan3A_4 = arith.constant 250 : i32
    %scan3A_5 = arith.addi %scan3A_3, %scan3A_4 : i32
    %scan3A_6 = arith.constant 1 : i32
    scf.for %scan3A_14 = %scan3A_3 to %scan3A_5 step %scan3A_6  : i32 {
      %mul3A_15 = arith.constant 20000 : i32
      %mul3A_16 = arith.muli %arg1, %mul3A_15 : i32
      %mul3A_17 = arith.constant 80 : i32
      %mul3A_18 = arith.muli %scan3A_14, %mul3A_17 : i32
      %add3A = arith.addi %mul3A_16, %mul3A_18 : i32
      "tpu.region"() ({
        %run_scoped3A = tpu.sem_alloc : memref<!tpu.dma_semaphore, #tpu.memory_space<semaphore_mem>>
        %dma_start3A_66 = tpu.memref_slice %arg3[%add3A] : memref<320000xi32, #tpu.memory_space<hbm>> -> memref<80xi32, #tpu.memory_space<hbm>>
        %dma_start3A_67 = tpu.memref_slice %arg3[%add3A] : memref<320000xi32, #tpu.memory_space<hbm>> -> memref<80xi32, #tpu.memory_space<hbm>>
        tpu.enqueue_dma source(%dma_start3A_67 : memref<80xi32, #tpu.memory_space<hbm>>) target(%arg7 : memref<80xi32, #tpu.memory_space<vmem>>) target_semaphore(%run_scoped3A : memref<!tpu.dma_semaphore, #tpu.memory_space<semaphore_mem>>)
        %dma_wait3A_68 = tpu.memref_slice %arg3[%add3A] : memref<320000xi32, #tpu.memory_space<hbm>> -> memref<80xi32, #tpu.memory_space<hbm>>
        %dma_wait3A_69 = tpu.memref_slice %arg3[%add3A] : memref<320000xi32, #tpu.memory_space<hbm>> -> memref<80xi32, #tpu.memory_space<hbm>>
        tpu.wait_dma2 semaphore(%run_scoped3A : memref<!tpu.dma_semaphore, #tpu.memory_space<semaphore_mem>>) src(%dma_wait3A_69 : memref<80xi32, #tpu.memory_space<hbm>>) dst(%arg7 : memref<80xi32, #tpu.memory_space<vmem>>)
        tpu.yield
      }) : () -> ()
      "tpu.region"() ({
        %run_scoped3A = tpu.sem_alloc : memref<!tpu.dma_semaphore, #tpu.memory_space<semaphore_mem>>
        %dma_start3A_66 = tpu.memref_slice %arg4[%add3A] : memref<320000xi32, #tpu.memory_space<hbm>> -> memref<80xi32, #tpu.memory_space<hbm>>
        %dma_start3A_67 = tpu.memref_slice %arg4[%add3A] : memref<320000xi32, #tpu.memory_space<hbm>> -> memref<80xi32, #tpu.memory_space<hbm>>
        tpu.enqueue_dma source(%dma_start3A_67 : memref<80xi32, #tpu.memory_space<hbm>>) target(%arg9 : memref<80xi32, #tpu.memory_space<vmem>>) target_semaphore(%run_scoped3A : memref<!tpu.dma_semaphore, #tpu.memory_space<semaphore_mem>>)
        %dma_wait3A_68 = tpu.memref_slice %arg4[%add3A] : memref<320000xi32, #tpu.memory_space<hbm>> -> memref<80xi32, #tpu.memory_space<hbm>>
        %dma_wait3A_69 = tpu.memref_slice %arg4[%add3A] : memref<320000xi32, #tpu.memory_space<hbm>> -> memref<80xi32, #tpu.memory_space<hbm>>
        tpu.wait_dma2 semaphore(%run_scoped3A : memref<!tpu.dma_semaphore, #tpu.memory_space<semaphore_mem>>) src(%dma_wait3A_69 : memref<80xi32, #tpu.memory_space<hbm>>) dst(%arg9 : memref<80xi32, #tpu.memory_space<vmem>>)
        tpu.yield
      }) : () -> ()
      %get3A = arith.constant 0 : index
      %get3A_19 = tpu.vector_load %arg7[%get3A] {strides = array<i32>} : memref<80xi32, #tpu.memory_space<vmem>>, vector<16xi32>,
      %get3A_20 = vector.shape_cast %get3A_19 : vector<16xi32> to vector<16xi32>
      %add3A_21 = vector.broadcast %mul3A_2 : i32 to vector<16xi32>
      %add3A_22 = arith.addi %get3A_20, %add3A_21 : vector<16xi32>
      %swap3A = arith.constant 0 : index
      %swap3A_23 = tpu.vector_load %arg8[%swap3A] {strides = array<i32>} : memref<80xi32, #tpu.memory_space<vmem>>, vector<16xi32>,
      %swap3A_24 = vector.shape_cast %swap3A_23 : vector<16xi32> to vector<16xi32>
      %swap3A_25 = vector.shape_cast %add3A_22 : vector<16xi32> to vector<16xi32>
      tpu.vector_store %arg8[%swap3A], %swap3A_25 {strides = array<i32>} : memref<80xi32, #tpu.memory_space<vmem>>, vector<16xi32>,
      %get3A_26 = arith.constant 16 : index
      %get3A_27 = tpu.vector_load %arg7[%get3A_26] {strides = array<i32>} : memref<80xi32, #tpu.memory_space<vmem>>, vector<16xi32>,
      %get3A_28 = vector.shape_cast %get3A_27 : vector<16xi32> to vector<16xi32>
      %add3A_29 = vector.broadcast %mul3A_2 : i32 to vector<16xi32>
      %add3A_30 = arith.addi %get3A_28, %add3A_29 : vector<16xi32>
      %swap3A_31 = arith.constant 16 : index
      %swap3A_32 = tpu.vector_load %arg8[%swap3A_31] {strides = array<i32>} : memref<80xi32, #tpu.memory_space<vmem>>, vector<16xi32>,
      %swap3A_33 = vector.shape_cast %swap3A_32 : vector<16xi32> to vector<16xi32>
      %swap3A_34 = vector.shape_cast %add3A_30 : vector<16xi32> to vector<16xi32>
      tpu.vector_store %arg8[%swap3A_31], %swap3A_34 {strides = array<i32>} : memref<80xi32, #tpu.memory_space<vmem>>, vector<16xi32>,
      %get3A_35 = arith.constant 32 : index
      %get3A_36 = tpu.vector_load %arg7[%get3A_35] {strides = array<i32>} : memref<80xi32, #tpu.memory_space<vmem>>, vector<16xi32>,
      %get3A_37 = vector.shape_cast %get3A_36 : vector<16xi32> to vector<16xi32>
      %add3A_38 = vector.broadcast %mul3A_2 : i32 to vector<16xi32>
      %add3A_39 = arith.addi %get3A_37, %add3A_38 : vector<16xi32>
      %swap3A_40 = arith.constant 32 : index
      %swap3A_41 = tpu.vector_load %arg8[%swap3A_40] {strides = array<i32>} : memref<80xi32, #tpu.memory_space<vmem>>, vector<16xi32>,
      %swap3A_42 = vector.shape_cast %swap3A_41 : vector<16xi32> to vector<16xi32>
      %swap3A_43 = vector.shape_cast %add3A_39 : vector<16xi32> to vector<16xi32>
      tpu.vector_store %arg8[%swap3A_40], %swap3A_43 {strides = array<i32>} : memref<80xi32, #tpu.memory_space<vmem>>, vector<16xi32>,
      %get3A_44 = arith.constant 48 : index
      %get3A_45 = tpu.vector_load %arg7[%get3A_44] {strides = array<i32>} : memref<80xi32, #tpu.memory_space<vmem>>, vector<16xi32>,
      %get3A_46 = vector.shape_cast %get3A_45 : vector<16xi32> to vector<16xi32>
      %add3A_47 = vector.broadcast %mul3A_2 : i32 to vector<16xi32>
      %add3A_48 = arith.addi %get3A_46, %add3A_47 : vector<16xi32>
      %swap3A_49 = arith.constant 48 : index
      %swap3A_50 = tpu.vector_load %arg8[%swap3A_49] {strides = array<i32>} : memref<80xi32, #tpu.memory_space<vmem>>, vector<16xi32>,
      %swap3A_51 = vector.shape_cast %swap3A_50 : vector<16xi32> to vector<16xi32>
      %swap3A_52 = vector.shape_cast %add3A_48 : vector<16xi32> to vector<16xi32>
      tpu.vector_store %arg8[%swap3A_49], %swap3A_52 {strides = array<i32>} : memref<80xi32, #tpu.memory_space<vmem>>, vector<16xi32>,
      %get3A_53 = arith.constant 64 : index
      %get3A_54 = tpu.vector_load %arg7[%get3A_53] {strides = array<i32>} : memref<80xi32, #tpu.memory_space<vmem>>, vector<16xi32>,
      %get3A_55 = vector.shape_cast %get3A_54 : vector<16xi32> to vector<16xi32>
      %add3A_56 = vector.broadcast %mul3A_2 : i32 to vector<16xi32>
      %add3A_57 = arith.addi %get3A_55, %add3A_56 : vector<16xi32>
      %swap3A_58 = arith.constant 64 : index
      %swap3A_59 = tpu.vector_load %arg8[%swap3A_58] {strides = array<i32>} : memref<80xi32, #tpu.memory_space<vmem>>, vector<16xi32>,
      %swap3A_60 = vector.shape_cast %swap3A_59 : vector<16xi32> to vector<16xi32>
      %swap3A_61 = vector.shape_cast %add3A_57 : vector<16xi32> to vector<16xi32>
      tpu.vector_store %arg8[%swap3A_58], %swap3A_61 {strides = array<i32>} : memref<80xi32, #tpu.memory_space<vmem>>, vector<16xi32>,
      %dma_start3A = arith.constant 0 : i32
      %dma_start3A_62 = arith.constant 0 : i32
      %dma_start3A_63 = tpu.memref_slice %arg2[%dma_start3A, %dma_start3A_62] : memref<20000x128xf32, #tpu.memory_space<hbm>> -> memref<20000x128xf32, #tpu.memory_space<hbm>>
      tpu.enqueue_indirect_dma source(%dma_start3A_63 : memref<20000x128xf32, #tpu.memory_space<hbm>>) target(%arg10 : memref<80x128xf32, #tpu.memory_space<vmem>>) offsets(%arg8 : memref<80xi32, #tpu.memory_space<vmem>>) semaphore(%arg12 : memref<!tpu.dma_semaphore, #tpu.memory_space<semaphore_mem>>)
      %dma_wait3A = arith.constant 0 : i32
      %dma_wait3A_64 = arith.constant 0 : i32
      %dma_wait3A_65 = tpu.memref_slice %arg2[%dma_wait3A, %dma_wait3A_64] : memref<20000x128xf32, #tpu.memory_space<hbm>> -> memref<20000x128xf32, #tpu.memory_space<hbm>>
      tpu.wait_indirect_dma semaphore(%arg12 : memref<!tpu.dma_semaphore, #tpu.memory_space<semaphore_mem>>) src(%dma_wait3A_65 : memref<20000x128xf32, #tpu.memory_space<hbm>>) dst(%arg10 : memref<80x128xf32, #tpu.memory_space<vmem>>)
      "tpu.region"() ({
        %run_scoped3A = tpu.sem_alloc : memref<!tpu.dma_semaphore, #tpu.memory_space<semaphore_mem>>
        %dma_start3A_66 = arith.constant 0 : i32
        %dma_start3A_67 = arith.constant 0 : i32
        %dma_start3A_68 = tpu.memref_slice %arg11[%dma_start3A_66, %dma_start3A_67] : memref<10000x128xf32, #tpu.memory_space<vmem_shared>> -> memref<10000x128xf32, #tpu.memory_space<vmem_shared>>
        tpu.enqueue_indirect_dma source(%arg10 : memref<80x128xf32, #tpu.memory_space<vmem>>) target(%dma_start3A_68 : memref<10000x128xf32, #tpu.memory_space<vmem_shared>>) offsets(%arg9 : memref<80xi32, #tpu.memory_space<vmem>>) semaphore(%run_scoped3A : memref<!tpu.dma_semaphore, #tpu.memory_space<semaphore_mem>>) {add = true}
        %dma_wait3A_69 = arith.constant 0 : i32
        %dma_wait3A_70 = arith.constant 0 : i32
        %dma_wait3A_71 = tpu.memref_slice %arg11[%dma_wait3A_69, %dma_wait3A_70] : memref<10000x128xf32, #tpu.memory_space<vmem_shared>> -> memref<10000x128xf32, #tpu.memory_space<vmem_shared>>
        tpu.wait_indirect_dma semaphore(%run_scoped3A : memref<!tpu.dma_semaphore, #tpu.memory_space<semaphore_mem>>) src(%arg10 : memref<80x128xf32, #tpu.memory_space<vmem>>) dst(%dma_wait3A_71 : memref<10000x128xf32, #tpu.memory_space<vmem_shared>>)
        tpu.yield
      }) : () -> ()
    }
    %scan3A_7 = arith.constant 250 : i32
    %barrier3A_8 = arith.constant 0 : index
    tpu.barrier barrier_id(%barrier3A_8)
    %lt3A_9 = arith.constant 10 : i32
    %lt3A_10 = arith.cmpi slt, %arg1, %lt3A_9 : i32
    %convert_element_type3A_11 = arith.extui %lt3A_10 : i1 to i32
    %cond3A_12 = arith.constant 0 : i32
    %cond3A_13 = arith.cmpi ne, %convert_element_type3A_11, %cond3A_12 : i32
    scf.if %cond3A_13 {
      %mul3A_14 = arith.constant 1000 : i32
      %mul3A_15 = arith.muli %arg1, %mul3A_14 : i32
      %mul3A_16 = arith.constant 1000 : i32
      %mul3A_17 = arith.muli %arg1, %mul3A_16 : i32
      %add3A = arith.addi %mul3A_2, %mul3A_17 : i32
      "tpu.region"() ({
        %run_scoped3A = tpu.sem_alloc : memref<!tpu.dma_semaphore, #tpu.memory_space<semaphore_mem>>
        %dma_start3A = arith.constant 0 : i32
        %dma_start3A_18 = tpu.memref_slice %arg6[%add3A, %dma_start3A] : memref<20000x128xf32, #tpu.memory_space<hbm>> -> memref<1000x128xf32, #tpu.memory_space<hbm>>
        %dma_start3A_19 = arith.constant 0 : i32
        %dma_start3A_20 = tpu.memref_slice %arg11[%mul3A_15, %dma_start3A_19] : memref<10000x128xf32, #tpu.memory_space<vmem_shared>> -> memref<1000x128xf32, #tpu.memory_space<vmem_shared>>
        tpu.enqueue_dma source(%dma_start3A_20 : memref<1000x128xf32, #tpu.memory_space<vmem_shared>>) target(%dma_start3A_18 : memref<1000x128xf32, #tpu.memory_space<hbm>>) target_semaphore(%run_scoped3A : memref<!tpu.dma_semaphore, #tpu.memory_space<semaphore_mem>>)
        %dma_wait3A = arith.constant 0 : i32
        %dma_wait3A_21 = tpu.memref_slice %arg6[%add3A, %dma_wait3A] : memref<20000x128xf32, #tpu.memory_space<hbm>> -> memref<1000x128xf32, #tpu.memory_space<hbm>>
        %dma_wait3A_22 = arith.constant 0 : i32
        %dma_wait3A_23 = tpu.memref_slice %arg11[%mul3A_15, %dma_wait3A_22] : memref<10000x128xf32, #tpu.memory_space<vmem_shared>> -> memref<1000x128xf32, #tpu.memory_space<vmem_shared>>
        tpu.wait_dma2 semaphore(%run_scoped3A : memref<!tpu.dma_semaphore, #tpu.memory_space<semaphore_mem>>) src(%dma_wait3A_23 : memref<1000x128xf32, #tpu.memory_space<vmem_shared>>) dst(%dma_wait3A_21 : memref<1000x128xf32, #tpu.memory_space<hbm>>)
        tpu.yield
      }) : () -> ()
    } else {
    }
    return
  }
}

#map = affine_map<(d0, d1) -> (0, 0)>
#map1 = affine_map<(d0, d1) -> (0)>
module attributes {stable_mosaic.version = 14 : i64} {
  func.func @_sc_scatter_body(%arg0: i32, %arg1: i32, %arg2: memref<20000x128xf32, #tpu.memory_space<hbm>>, %arg3: memref<320000xi32, #tpu.memory_space<hbm>>, %arg4: memref<320000xi32, #tpu.memory_space<hbm>>, %arg5: memref<1000x128xf32, #tpu.memory_space<hbm>>, %arg6: memref<20000x128xf32, #tpu.memory_space<hbm>>, %arg7: memref<80xi32, #tpu.memory_space<vmem>>, %arg8: memref<80xi32, #tpu.memory_space<vmem>>, %arg9: memref<80xi32, #tpu.memory_space<vmem>>, %arg10: memref<80x128xf32, #tpu.memory_space<vmem>>, %arg11: memref<10000x128xf32, #tpu.memory_space<vmem_shared>>, %arg12: memref<!tpu.dma_semaphore, #tpu.memory_space<semaphore_mem>>) attributes {dimension_semantics = [#tpu.dimension_semantics<core_parallel>, #tpu.dimension_semantics<subcore_parallel>], iteration_bounds = array<i64: 2, 16>, scalar_prefetch = 0 : i64, scratch_operands = 6 : i64, tpu.core_type = #tpu.core_type<sc_vector_subcore>, window_params = [{transform_indices = #map}, {transform_indices = #map1}, {transform_indices = #map1}, {transform_indices = #map}, {transform_indices = #map}]} {
    %lt3A = arith.constant 10 : i32
    %lt3A_0 = arith.cmpi slt, %arg1, %lt3A : i32
    %convert_element_type3A = arith.extui %lt3A_0 : i1 to i32
    %cond3A = arith.constant 0 : i32
    %cond3A_1 = arith.cmpi ne, %convert_element_type3A, %cond3A : i32
    scf.if %cond3A_1 {
      %mul3A_14 = arith.constant 1000 : i32
      %mul3A_15 = arith.muli %arg1, %mul3A_14 : i32
      "tpu.region"() ({
        %run_scoped3A = tpu.sem_alloc : memref<!tpu.dma_semaphore, #tpu.memory_space<semaphore_mem>>
        %dma_start3A = arith.constant 0 : i32
        %dma_start3A_16 = tpu.memref_slice %arg11[%mul3A_15, %dma_start3A] : memref<10000x128xf32, #tpu.memory_space<vmem_shared>> -> memref<1000x128xf32, #tpu.memory_space<vmem_shared>>
        tpu.enqueue_dma source(%arg5 : memref<1000x128xf32, #tpu.memory_space<hbm>>) target(%dma_start3A_16 : memref<1000x128xf32, #tpu.memory_space<vmem_shared>>) target_semaphore(%run_scoped3A : memref<!tpu.dma_semaphore, #tpu.memory_space<semaphore_mem>>)
        %dma_wait3A = arith.constant 0 : i32
        %dma_wait3A_17 = tpu.memref_slice %arg11[%mul3A_15, %dma_wait3A] : memref<10000x128xf32, #tpu.memory_space<vmem_shared>> -> memref<1000x128xf32, #tpu.memory_space<vmem_shared>>
        tpu.wait_dma2 semaphore(%run_scoped3A : memref<!tpu.dma_semaphore, #tpu.memory_space<semaphore_mem>>) src(%arg5 : memref<1000x128xf32, #tpu.memory_space<hbm>>) dst(%dma_wait3A_17 : memref<1000x128xf32, #tpu.memory_space<vmem_shared>>)
        tpu.yield
      }) : () -> ()
    } else {
    }
    %barrier3A = arith.constant 0 : index
    tpu.barrier barrier_id(%barrier3A)
    %mul3A = arith.constant 10000 : i32
    %mul3A_2 = arith.muli %arg0, %mul3A : i32
    %scan3A = arith.constant 0 : i32
    %scan3A_3 = arith.constant 0 : i32
    %scan3A_4 = arith.constant 250 : i32
    %scan3A_5 = arith.addi %scan3A_3, %scan3A_4 : i32
    %scan3A_6 = arith.constant 1 : i32
    scf.for %scan3A_14 = %scan3A_3 to %scan3A_5 step %scan3A_6  : i32 {
      %mul3A_15 = arith.constant 20000 : i32
      %mul3A_16 = arith.muli %arg1, %mul3A_15 : i32
      %mul3A_17 = arith.constant 80 : i32
      %mul3A_18 = arith.muli %scan3A_14, %mul3A_17 : i32
      %add3A = arith.addi %mul3A_16, %mul3A_18 : i32
      "tpu.region"() ({
        %run_scoped3A = tpu.sem_alloc : memref<!tpu.dma_semaphore, #tpu.memory_space<semaphore_mem>>
        %dma_start3A_66 = tpu.memref_slice %arg3[%add3A] : memref<320000xi32, #tpu.memory_space<hbm>> -> memref<80xi32, #tpu.memory_space<hbm>>
        %dma_start3A_67 = tpu.memref_slice %arg3[%add3A] : memref<320000xi32, #tpu.memory_space<hbm>> -> memref<80xi32, #tpu.memory_space<hbm>>
        tpu.enqueue_dma source(%dma_start3A_67 : memref<80xi32, #tpu.memory_space<hbm>>) target(%arg7 : memref<80xi32, #tpu.memory_space<vmem>>) target_semaphore(%run_scoped3A : memref<!tpu.dma_semaphore, #tpu.memory_space<semaphore_mem>>)
        %dma_wait3A_68 = tpu.memref_slice %arg3[%add3A] : memref<320000xi32, #tpu.memory_space<hbm>> -> memref<80xi32, #tpu.memory_space<hbm>>
        %dma_wait3A_69 = tpu.memref_slice %arg3[%add3A] : memref<320000xi32, #tpu.memory_space<hbm>> -> memref<80xi32, #tpu.memory_space<hbm>>
        tpu.wait_dma2 semaphore(%run_scoped3A : memref<!tpu.dma_semaphore, #tpu.memory_space<semaphore_mem>>) src(%dma_wait3A_69 : memref<80xi32, #tpu.memory_space<hbm>>) dst(%arg7 : memref<80xi32, #tpu.memory_space<vmem>>)
        tpu.yield
      }) : () -> ()
      "tpu.region"() ({
        %run_scoped3A = tpu.sem_alloc : memref<!tpu.dma_semaphore, #tpu.memory_space<semaphore_mem>>
        %dma_start3A_66 = tpu.memref_slice %arg4[%add3A] : memref<320000xi32, #tpu.memory_space<hbm>> -> memref<80xi32, #tpu.memory_space<hbm>>
        %dma_start3A_67 = tpu.memref_slice %arg4[%add3A] : memref<320000xi32, #tpu.memory_space<hbm>> -> memref<80xi32, #tpu.memory_space<hbm>>
        tpu.enqueue_dma source(%dma_start3A_67 : memref<80xi32, #tpu.memory_space<hbm>>) target(%arg9 : memref<80xi32, #tpu.memory_space<vmem>>) target_semaphore(%run_scoped3A : memref<!tpu.dma_semaphore, #tpu.memory_space<semaphore_mem>>)
        %dma_wait3A_68 = tpu.memref_slice %arg4[%add3A] : memref<320000xi32, #tpu.memory_space<hbm>> -> memref<80xi32, #tpu.memory_space<hbm>>
        %dma_wait3A_69 = tpu.memref_slice %arg4[%add3A] : memref<320000xi32, #tpu.memory_space<hbm>> -> memref<80xi32, #tpu.memory_space<hbm>>
        tpu.wait_dma2 semaphore(%run_scoped3A : memref<!tpu.dma_semaphore, #tpu.memory_space<semaphore_mem>>) src(%dma_wait3A_69 : memref<80xi32, #tpu.memory_space<hbm>>) dst(%arg9 : memref<80xi32, #tpu.memory_space<vmem>>)
        tpu.yield
      }) : () -> ()
      %get3A = arith.constant 0 : index
      %get3A_19 = tpu.vector_load %arg7[%get3A] {strides = array<i32>} : memref<80xi32, #tpu.memory_space<vmem>>, vector<16xi32>,
      %get3A_20 = vector.shape_cast %get3A_19 : vector<16xi32> to vector<16xi32>
      %add3A_21 = vector.broadcast %mul3A_2 : i32 to vector<16xi32>
      %add3A_22 = arith.addi %get3A_20, %add3A_21 : vector<16xi32>
      %swap3A = arith.constant 0 : index
      %swap3A_23 = tpu.vector_load %arg8[%swap3A] {strides = array<i32>} : memref<80xi32, #tpu.memory_space<vmem>>, vector<16xi32>,
      %swap3A_24 = vector.shape_cast %swap3A_23 : vector<16xi32> to vector<16xi32>
      %swap3A_25 = vector.shape_cast %add3A_22 : vector<16xi32> to vector<16xi32>
      tpu.vector_store %arg8[%swap3A], %swap3A_25 {strides = array<i32>} : memref<80xi32, #tpu.memory_space<vmem>>, vector<16xi32>,
      %get3A_26 = arith.constant 16 : index
      %get3A_27 = tpu.vector_load %arg7[%get3A_26] {strides = array<i32>} : memref<80xi32, #tpu.memory_space<vmem>>, vector<16xi32>,
      %get3A_28 = vector.shape_cast %get3A_27 : vector<16xi32> to vector<16xi32>
      %add3A_29 = vector.broadcast %mul3A_2 : i32 to vector<16xi32>
      %add3A_30 = arith.addi %get3A_28, %add3A_29 : vector<16xi32>
      %swap3A_31 = arith.constant 16 : index
      %swap3A_32 = tpu.vector_load %arg8[%swap3A_31] {strides = array<i32>} : memref<80xi32, #tpu.memory_space<vmem>>, vector<16xi32>,
      %swap3A_33 = vector.shape_cast %swap3A_32 : vector<16xi32> to vector<16xi32>
      %swap3A_34 = vector.shape_cast %add3A_30 : vector<16xi32> to vector<16xi32>
      tpu.vector_store %arg8[%swap3A_31], %swap3A_34 {strides = array<i32>} : memref<80xi32, #tpu.memory_space<vmem>>, vector<16xi32>,
      %get3A_35 = arith.constant 32 : index
      %get3A_36 = tpu.vector_load %arg7[%get3A_35] {strides = array<i32>} : memref<80xi32, #tpu.memory_space<vmem>>, vector<16xi32>,
      %get3A_37 = vector.shape_cast %get3A_36 : vector<16xi32> to vector<16xi32>
      %add3A_38 = vector.broadcast %mul3A_2 : i32 to vector<16xi32>
      %add3A_39 = arith.addi %get3A_37, %add3A_38 : vector<16xi32>
      %swap3A_40 = arith.constant 32 : index
      %swap3A_41 = tpu.vector_load %arg8[%swap3A_40] {strides = array<i32>} : memref<80xi32, #tpu.memory_space<vmem>>, vector<16xi32>,
      %swap3A_42 = vector.shape_cast %swap3A_41 : vector<16xi32> to vector<16xi32>
      %swap3A_43 = vector.shape_cast %add3A_39 : vector<16xi32> to vector<16xi32>
      tpu.vector_store %arg8[%swap3A_40], %swap3A_43 {strides = array<i32>} : memref<80xi32, #tpu.memory_space<vmem>>, vector<16xi32>,
      %get3A_44 = arith.constant 48 : index
      %get3A_45 = tpu.vector_load %arg7[%get3A_44] {strides = array<i32>} : memref<80xi32, #tpu.memory_space<vmem>>, vector<16xi32>,
      %get3A_46 = vector.shape_cast %get3A_45 : vector<16xi32> to vector<16xi32>
      %add3A_47 = vector.broadcast %mul3A_2 : i32 to vector<16xi32>
      %add3A_48 = arith.addi %get3A_46, %add3A_47 : vector<16xi32>
      %swap3A_49 = arith.constant 48 : index
      %swap3A_50 = tpu.vector_load %arg8[%swap3A_49] {strides = array<i32>} : memref<80xi32, #tpu.memory_space<vmem>>, vector<16xi32>,
      %swap3A_51 = vector.shape_cast %swap3A_50 : vector<16xi32> to vector<16xi32>
      %swap3A_52 = vector.shape_cast %add3A_48 : vector<16xi32> to vector<16xi32>
      tpu.vector_store %arg8[%swap3A_49], %swap3A_52 {strides = array<i32>} : memref<80xi32, #tpu.memory_space<vmem>>, vector<16xi32>,
      %get3A_53 = arith.constant 64 : index
      %get3A_54 = tpu.vector_load %arg7[%get3A_53] {strides = array<i32>} : memref<80xi32, #tpu.memory_space<vmem>>, vector<16xi32>,
      %get3A_55 = vector.shape_cast %get3A_54 : vector<16xi32> to vector<16xi32>
      %add3A_56 = vector.broadcast %mul3A_2 : i32 to vector<16xi32>
      %add3A_57 = arith.addi %get3A_55, %add3A_56 : vector<16xi32>
      %swap3A_58 = arith.constant 64 : index
      %swap3A_59 = tpu.vector_load %arg8[%swap3A_58] {strides = array<i32>} : memref<80xi32, #tpu.memory_space<vmem>>, vector<16xi32>,
      %swap3A_60 = vector.shape_cast %swap3A_59 : vector<16xi32> to vector<16xi32>
      %swap3A_61 = vector.shape_cast %add3A_57 : vector<16xi32> to vector<16xi32>
      tpu.vector_store %arg8[%swap3A_58], %swap3A_61 {strides = array<i32>} : memref<80xi32, #tpu.memory_space<vmem>>, vector<16xi32>,
      %dma_start3A = arith.constant 0 : i32
      %dma_start3A_62 = arith.constant 0 : i32
      %dma_start3A_63 = tpu.memref_slice %arg2[%dma_start3A, %dma_start3A_62] : memref<20000x128xf32, #tpu.memory_space<hbm>> -> memref<20000x128xf32, #tpu.memory_space<hbm>>
      tpu.enqueue_indirect_dma source(%dma_start3A_63 : memref<20000x128xf32, #tpu.memory_space<hbm>>) target(%arg10 : memref<80x128xf32, #tpu.memory_space<vmem>>) offsets(%arg8 : memref<80xi32, #tpu.memory_space<vmem>>) semaphore(%arg12 : memref<!tpu.dma_semaphore, #tpu.memory_space<semaphore_mem>>)
      %dma_wait3A = arith.constant 0 : i32
      %dma_wait3A_64 = arith.constant 0 : i32
      %dma_wait3A_65 = tpu.memref_slice %arg2[%dma_wait3A, %dma_wait3A_64] : memref<20000x128xf32, #tpu.memory_space<hbm>> -> memref<20000x128xf32, #tpu.memory_space<hbm>>
      tpu.wait_indirect_dma semaphore(%arg12 : memref<!tpu.dma_semaphore, #tpu.memory_space<semaphore_mem>>) src(%dma_wait3A_65 : memref<20000x128xf32, #tpu.memory_space<hbm>>) dst(%arg10 : memref<80x128xf32, #tpu.memory_space<vmem>>)
      "tpu.region"() ({
        %run_scoped3A = tpu.sem_alloc : memref<!tpu.dma_semaphore, #tpu.memory_space<semaphore_mem>>
        %dma_start3A_66 = arith.constant 0 : i32
        %dma_start3A_67 = arith.constant 0 : i32
        %dma_start3A_68 = tpu.memref_slice %arg11[%dma_start3A_66, %dma_start3A_67] : memref<10000x128xf32, #tpu.memory_space<vmem_shared>> -> memref<10000x128xf32, #tpu.memory_space<vmem_shared>>
        tpu.enqueue_indirect_dma source(%arg10 : memref<80x128xf32, #tpu.memory_space<vmem>>) target(%dma_start3A_68 : memref<10000x128xf32, #tpu.memory_space<vmem_shared>>) offsets(%arg9 : memref<80xi32, #tpu.memory_space<vmem>>) semaphore(%run_scoped3A : memref<!tpu.dma_semaphore, #tpu.memory_space<semaphore_mem>>) {add = true}
        %dma_wait3A_69 = arith.constant 0 : i32
        %dma_wait3A_70 = arith.constant 0 : i32
        %dma_wait3A_71 = tpu.memref_slice %arg11[%dma_wait3A_69, %dma_wait3A_70] : memref<10000x128xf32, #tpu.memory_space<vmem_shared>> -> memref<10000x128xf32, #tpu.memory_space<vmem_shared>>
        tpu.wait_indirect_dma semaphore(%run_scoped3A : memref<!tpu.dma_semaphore, #tpu.memory_space<semaphore_mem>>) src(%arg10 : memref<80x128xf32, #tpu.memory_space<vmem>>) dst(%dma_wait3A_71 : memref<10000x128xf32, #tpu.memory_space<vmem_shared>>)
        tpu.yield
      }) : () -> ()
    }
    %scan3A_7 = arith.constant 250 : i32
    %barrier3A_8 = arith.constant 0 : index
    tpu.barrier barrier_id(%barrier3A_8)
    %lt3A_9 = arith.constant 10 : i32
    %lt3A_10 = arith.cmpi slt, %arg1, %lt3A_9 : i32
    %convert_element_type3A_11 = arith.extui %lt3A_10 : i1 to i32
    %cond3A_12 = arith.constant 0 : i32
    %cond3A_13 = arith.cmpi ne, %convert_element_type3A_11, %cond3A_12 : i32
    scf.if %cond3A_13 {
      %mul3A_14 = arith.constant 1000 : i32
      %mul3A_15 = arith.muli %arg1, %mul3A_14 : i32
      %mul3A_16 = arith.constant 1000 : i32
      %mul3A_17 = arith.muli %arg1, %mul3A_16 : i32
      %add3A = arith.addi %mul3A_2, %mul3A_17 : i32
      "tpu.region"() ({
        %run_scoped3A = tpu.sem_alloc : memref<!tpu.dma_semaphore, #tpu.memory_space<semaphore_mem>>
        %dma_start3A = arith.constant 0 : i32
        %dma_start3A_18 = tpu.memref_slice %arg6[%add3A, %dma_start3A] : memref<20000x128xf32, #tpu.memory_space<hbm>> -> memref<1000x128xf32, #tpu.memory_space<hbm>>
        %dma_start3A_19 = arith.constant 0 : i32
        %dma_start3A_20 = tpu.memref_slice %arg11[%mul3A_15, %dma_start3A_19] : memref<10000x128xf32, #tpu.memory_space<vmem_shared>> -> memref<1000x128xf32, #tpu.memory_space<vmem_shared>>
        tpu.enqueue_dma source(%dma_start3A_20 : memref<1000x128xf32, #tpu.memory_space<vmem_shared>>) target(%dma_start3A_18 : memref<1000x128xf32, #tpu.memory_space<hbm>>) target_semaphore(%run_scoped3A : memref<!tpu.dma_semaphore, #tpu.memory_space<semaphore_mem>>)
        %dma_wait3A = arith.constant 0 : i32
        %dma_wait3A_21 = tpu.memref_slice %arg6[%add3A, %dma_wait3A] : memref<20000x128xf32, #tpu.memory_space<hbm>> -> memref<1000x128xf32, #tpu.memory_space<hbm>>
        %dma_wait3A_22 = arith.constant 0 : i32
        %dma_wait3A_23 = tpu.memref_slice %arg11[%mul3A_15, %dma_wait3A_22] : memref<10000x128xf32, #tpu.memory_space<vmem_shared>> -> memref<1000x128xf32, #tpu.memory_space<vmem_shared>>
        tpu.wait_dma2 semaphore(%run_scoped3A : memref<!tpu.dma_semaphore, #tpu.memory_space<semaphore_mem>>) src(%dma_wait3A_23 : memref<1000x128xf32, #tpu.memory_space<vmem_shared>>) dst(%dma_wait3A_21 : memref<1000x128xf32, #tpu.memory_space<hbm>>)
        tpu.yield
      }) : () -> ()
    } else {
    }
    return
  }
}

#map = affine_map<(d0, d1) -> (0)>
#map1 = affine_map<(d0, d1) -> (0, 0)>
module attributes {stable_mosaic.version = 14 : i64} {
  func.func @_sc_prep_body(%arg0: i32, %arg1: i32, %arg2: memref<640000xi32, #tpu.memory_space<hbm>>, %arg3: memref<1024xi32, #tpu.memory_space<hbm>>, %arg4: memref<1000x128xf32, #tpu.memory_space<hbm>>, %arg5: memref<80x128xf32, #tpu.memory_space<hbm>>, %arg6: memref<100000x128xf32, #tpu.memory_space<hbm>>, %arg7: memref<20000x128xf32, #tpu.memory_space<hbm>>, %arg8: memref<1024x128xf32, #tpu.memory_space<hbm>>, %arg9: memref<80xi32, #tpu.memory_space<vmem>>, %arg10: memref<80x128xf32, #tpu.memory_space<vmem>>, %arg11: memref<32xi32, #tpu.memory_space<vmem>>, %arg12: memref<32x128xf32, #tpu.memory_space<vmem>>, %arg13: memref<10000x128xf32, #tpu.memory_space<vmem_shared>>, %arg14: memref<!tpu.dma_semaphore, #tpu.memory_space<semaphore_mem>>) attributes {dimension_semantics = [#tpu.dimension_semantics<core_parallel>, #tpu.dimension_semantics<subcore_parallel>], iteration_bounds = array<i64: 2, 16>, scalar_prefetch = 0 : i64, scratch_operands = 6 : i64, tpu.core_type = #tpu.core_type<sc_vector_subcore>, window_params = [{transform_indices = #map}, {transform_indices = #map}, {transform_indices = #map1}, {transform_indices = #map1}, {transform_indices = #map1}, {transform_indices = #map1}, {transform_indices = #map1}]} {
    %lt3A = arith.constant 10 : i32
    %lt3A_0 = arith.cmpi slt, %arg1, %lt3A : i32
    %convert_element_type3A = arith.extui %lt3A_0 : i1 to i32
    %cond3A = arith.constant 0 : i32
    %cond3A_1 = arith.cmpi ne, %convert_element_type3A, %cond3A : i32
    scf.if %cond3A_1 {
      %mul3A_22 = arith.constant 1000 : i32
      %mul3A_23 = arith.muli %arg1, %mul3A_22 : i32
      "tpu.region"() ({
        %run_scoped3A = tpu.sem_alloc : memref<!tpu.dma_semaphore, #tpu.memory_space<semaphore_mem>>
        %dma_start3A_24 = arith.constant 0 : i32
        %dma_start3A_25 = tpu.memref_slice %arg13[%mul3A_23, %dma_start3A_24] : memref<10000x128xf32, #tpu.memory_space<vmem_shared>> -> memref<1000x128xf32, #tpu.memory_space<vmem_shared>>
        tpu.enqueue_dma source(%arg4 : memref<1000x128xf32, #tpu.memory_space<hbm>>) target(%dma_start3A_25 : memref<1000x128xf32, #tpu.memory_space<vmem_shared>>) target_semaphore(%run_scoped3A : memref<!tpu.dma_semaphore, #tpu.memory_space<semaphore_mem>>)
        %dma_wait3A_26 = arith.constant 0 : i32
        %dma_wait3A_27 = tpu.memref_slice %arg13[%mul3A_23, %dma_wait3A_26] : memref<10000x128xf32, #tpu.memory_space<vmem_shared>> -> memref<1000x128xf32, #tpu.memory_space<vmem_shared>>
        tpu.wait_dma2 semaphore(%run_scoped3A : memref<!tpu.dma_semaphore, #tpu.memory_space<semaphore_mem>>) src(%arg4 : memref<1000x128xf32, #tpu.memory_space<hbm>>) dst(%dma_wait3A_27 : memref<1000x128xf32, #tpu.memory_space<vmem_shared>>)
        tpu.yield
      }) : () -> ()
    } else {
    }
    "tpu.region"() ({
      %run_scoped3A = tpu.sem_alloc : memref<!tpu.dma_semaphore, #tpu.memory_space<semaphore_mem>>
      tpu.enqueue_dma source(%arg5 : memref<80x128xf32, #tpu.memory_space<hbm>>) target(%arg10 : memref<80x128xf32, #tpu.memory_space<vmem>>) target_semaphore(%run_scoped3A : memref<!tpu.dma_semaphore, #tpu.memory_space<semaphore_mem>>)
      tpu.wait_dma2 semaphore(%run_scoped3A : memref<!tpu.dma_semaphore, #tpu.memory_space<semaphore_mem>>) src(%arg5 : memref<80x128xf32, #tpu.memory_space<hbm>>) dst(%arg10 : memref<80x128xf32, #tpu.memory_space<vmem>>)
      tpu.yield
    }) : () -> ()
    %barrier3A = arith.constant 0 : index
    tpu.barrier barrier_id(%barrier3A)
    %scan3A = arith.constant 0 : i32
    %scan3A_2 = arith.constant 0 : i32
    %scan3A_3 = arith.constant 250 : i32
    %scan3A_4 = arith.addi %scan3A_2, %scan3A_3 : i32
    %scan3A_5 = arith.constant 1 : i32
    scf.for %scan3A_22 = %scan3A_2 to %scan3A_4 step %scan3A_5  : i32 {
      %mul3A_23 = arith.constant 320000 : i32
      %mul3A_24 = arith.muli %arg0, %mul3A_23 : i32
      %mul3A_25 = arith.constant 20000 : i32
      %mul3A_26 = arith.muli %arg1, %mul3A_25 : i32
      %add3A_27 = arith.addi %mul3A_24, %mul3A_26 : i32
      %mul3A_28 = arith.constant 80 : i32
      %mul3A_29 = arith.muli %scan3A_22, %mul3A_28 : i32
      %add3A_30 = arith.addi %add3A_27, %mul3A_29 : i32
      "tpu.region"() ({
        %run_scoped3A = tpu.sem_alloc : memref<!tpu.dma_semaphore, #tpu.memory_space<semaphore_mem>>
        %dma_start3A_31 = tpu.memref_slice %arg2[%add3A_30] : memref<640000xi32, #tpu.memory_space<hbm>> -> memref<80xi32, #tpu.memory_space<hbm>>
        %dma_start3A_32 = tpu.memref_slice %arg2[%add3A_30] : memref<640000xi32, #tpu.memory_space<hbm>> -> memref<80xi32, #tpu.memory_space<hbm>>
        tpu.enqueue_dma source(%dma_start3A_32 : memref<80xi32, #tpu.memory_space<hbm>>) target(%arg9 : memref<80xi32, #tpu.memory_space<vmem>>) target_semaphore(%run_scoped3A : memref<!tpu.dma_semaphore, #tpu.memory_space<semaphore_mem>>)
        %dma_wait3A_33 = tpu.memref_slice %arg2[%add3A_30] : memref<640000xi32, #tpu.memory_space<hbm>> -> memref<80xi32, #tpu.memory_space<hbm>>
        %dma_wait3A_34 = tpu.memref_slice %arg2[%add3A_30] : memref<640000xi32, #tpu.memory_space<hbm>> -> memref<80xi32, #tpu.memory_space<hbm>>
        tpu.wait_dma2 semaphore(%run_scoped3A : memref<!tpu.dma_semaphore, #tpu.memory_space<semaphore_mem>>) src(%dma_wait3A_34 : memref<80xi32, #tpu.memory_space<hbm>>) dst(%arg9 : memref<80xi32, #tpu.memory_space<vmem>>)
        tpu.yield
      }) : () -> ()
      "tpu.region"() ({
        %run_scoped3A = tpu.sem_alloc : memref<!tpu.dma_semaphore, #tpu.memory_space<semaphore_mem>>
        %dma_start3A_31 = arith.constant 0 : i32
        %dma_start3A_32 = arith.constant 0 : i32
        %dma_start3A_33 = tpu.memref_slice %arg13[%dma_start3A_31, %dma_start3A_32] : memref<10000x128xf32, #tpu.memory_space<vmem_shared>> -> memref<10000x128xf32, #tpu.memory_space<vmem_shared>>
        tpu.enqueue_indirect_dma source(%arg10 : memref<80x128xf32, #tpu.memory_space<vmem>>) target(%dma_start3A_33 : memref<10000x128xf32, #tpu.memory_space<vmem_shared>>) offsets(%arg9 : memref<80xi32, #tpu.memory_space<vmem>>) semaphore(%run_scoped3A : memref<!tpu.dma_semaphore, #tpu.memory_space<semaphore_mem>>) {add = true}
        %dma_wait3A_34 = arith.constant 0 : i32
        %dma_wait3A_35 = arith.constant 0 : i32
        %dma_wait3A_36 = tpu.memref_slice %arg13[%dma_wait3A_34, %dma_wait3A_35] : memref<10000x128xf32, #tpu.memory_space<vmem_shared>> -> memref<10000x128xf32, #tpu.memory_space<vmem_shared>>
        tpu.wait_indirect_dma semaphore(%run_scoped3A : memref<!tpu.dma_semaphore, #tpu.memory_space<semaphore_mem>>) src(%arg10 : memref<80x128xf32, #tpu.memory_space<vmem>>) dst(%dma_wait3A_36 : memref<10000x128xf32, #tpu.memory_space<vmem_shared>>)
        tpu.yield
      }) : () -> ()
    }
    %scan3A_6 = arith.constant 250 : i32
    %barrier3A_7 = arith.constant 0 : index
    tpu.barrier barrier_id(%barrier3A_7)
    %lt3A_8 = arith.constant 10 : i32
    %lt3A_9 = arith.cmpi slt, %arg1, %lt3A_8 : i32
    %convert_element_type3A_10 = arith.extui %lt3A_9 : i1 to i32
    %cond3A_11 = arith.constant 0 : i32
    %cond3A_12 = arith.cmpi ne, %convert_element_type3A_10, %cond3A_11 : i32
    scf.if %cond3A_12 {
      %mul3A_22 = arith.constant 1000 : i32
      %mul3A_23 = arith.muli %arg1, %mul3A_22 : i32
      %mul3A_24 = arith.constant 10000 : i32
      %mul3A_25 = arith.muli %arg0, %mul3A_24 : i32
      %mul3A_26 = arith.constant 1000 : i32
      %mul3A_27 = arith.muli %arg1, %mul3A_26 : i32
      %add3A_28 = arith.addi %mul3A_25, %mul3A_27 : i32
      "tpu.region"() ({
        %run_scoped3A = tpu.sem_alloc : memref<!tpu.dma_semaphore, #tpu.memory_space<semaphore_mem>>
        %dma_start3A_29 = arith.constant 0 : i32
        %dma_start3A_30 = tpu.memref_slice %arg7[%add3A_28, %dma_start3A_29] : memref<20000x128xf32, #tpu.memory_space<hbm>> -> memref<1000x128xf32, #tpu.memory_space<hbm>>
        %dma_start3A_31 = arith.constant 0 : i32
        %dma_start3A_32 = tpu.memref_slice %arg13[%mul3A_23, %dma_start3A_31] : memref<10000x128xf32, #tpu.memory_space<vmem_shared>> -> memref<1000x128xf32, #tpu.memory_space<vmem_shared>>
        tpu.enqueue_dma source(%dma_start3A_32 : memref<1000x128xf32, #tpu.memory_space<vmem_shared>>) target(%dma_start3A_30 : memref<1000x128xf32, #tpu.memory_space<hbm>>) target_semaphore(%run_scoped3A : memref<!tpu.dma_semaphore, #tpu.memory_space<semaphore_mem>>)
        %dma_wait3A_33 = arith.constant 0 : i32
        %dma_wait3A_34 = tpu.memref_slice %arg7[%add3A_28, %dma_wait3A_33] : memref<20000x128xf32, #tpu.memory_space<hbm>> -> memref<1000x128xf32, #tpu.memory_space<hbm>>
        %dma_wait3A_35 = arith.constant 0 : i32
        %dma_wait3A_36 = tpu.memref_slice %arg13[%mul3A_23, %dma_wait3A_35] : memref<10000x128xf32, #tpu.memory_space<vmem_shared>> -> memref<1000x128xf32, #tpu.memory_space<vmem_shared>>
        tpu.wait_dma2 semaphore(%run_scoped3A : memref<!tpu.dma_semaphore, #tpu.memory_space<semaphore_mem>>) src(%dma_wait3A_36 : memref<1000x128xf32, #tpu.memory_space<vmem_shared>>) dst(%dma_wait3A_34 : memref<1000x128xf32, #tpu.memory_space<hbm>>)
        tpu.yield
      }) : () -> ()
    } else {
    }
    %mul3A = arith.constant 16 : i32
    %mul3A_13 = arith.muli %arg0, %mul3A : i32
    %add3A = arith.addi %mul3A_13, %arg1 : i32
    %mul3A_14 = arith.constant 32 : i32
    %mul3A_15 = arith.muli %add3A, %mul3A_14 : i32
    "tpu.region"() ({
      %run_scoped3A = tpu.sem_alloc : memref<!tpu.dma_semaphore, #tpu.memory_space<semaphore_mem>>
      %dma_start3A_22 = tpu.memref_slice %arg3[%mul3A_15] : memref<1024xi32, #tpu.memory_space<hbm>> -> memref<32xi32, #tpu.memory_space<hbm>>
      %dma_start3A_23 = tpu.memref_slice %arg3[%mul3A_15] : memref<1024xi32, #tpu.memory_space<hbm>> -> memref<32xi32, #tpu.memory_space<hbm>>
      tpu.enqueue_dma source(%dma_start3A_23 : memref<32xi32, #tpu.memory_space<hbm>>) target(%arg11 : memref<32xi32, #tpu.memory_space<vmem>>) target_semaphore(%run_scoped3A : memref<!tpu.dma_semaphore, #tpu.memory_space<semaphore_mem>>)
      %dma_wait3A_24 = tpu.memref_slice %arg3[%mul3A_15] : memref<1024xi32, #tpu.memory_space<hbm>> -> memref<32xi32, #tpu.memory_space<hbm>>
      %dma_wait3A_25 = tpu.memref_slice %arg3[%mul3A_15] : memref<1024xi32, #tpu.memory_space<hbm>> -> memref<32xi32, #tpu.memory_space<hbm>>
      tpu.wait_dma2 semaphore(%run_scoped3A : memref<!tpu.dma_semaphore, #tpu.memory_space<semaphore_mem>>) src(%dma_wait3A_25 : memref<32xi32, #tpu.memory_space<hbm>>) dst(%arg11 : memref<32xi32, #tpu.memory_space<vmem>>)
      tpu.yield
    }) : () -> ()
    %dma_start3A = arith.constant 0 : i32
    %dma_start3A_16 = arith.constant 0 : i32
    %dma_start3A_17 = tpu.memref_slice %arg6[%dma_start3A, %dma_start3A_16] : memref<100000x128xf32, #tpu.memory_space<hbm>> -> memref<100000x128xf32, #tpu.memory_space<hbm>>
    tpu.enqueue_indirect_dma source(%dma_start3A_17 : memref<100000x128xf32, #tpu.memory_space<hbm>>) target(%arg12 : memref<32x128xf32, #tpu.memory_space<vmem>>) offsets(%arg11 : memref<32xi32, #tpu.memory_space<vmem>>) semaphore(%arg14 : memref<!tpu.dma_semaphore, #tpu.memory_space<semaphore_mem>>)
    %dma_wait3A = arith.constant 0 : i32
    %dma_wait3A_18 = arith.constant 0 : i32
    %dma_wait3A_19 = tpu.memref_slice %arg6[%dma_wait3A, %dma_wait3A_18] : memref<100000x128xf32, #tpu.memory_space<hbm>> -> memref<100000x128xf32, #tpu.memory_space<hbm>>
    tpu.wait_indirect_dma semaphore(%arg14 : memref<!tpu.dma_semaphore, #tpu.memory_space<semaphore_mem>>) src(%dma_wait3A_19 : memref<100000x128xf32, #tpu.memory_space<hbm>>) dst(%arg12 : memref<32x128xf32, #tpu.memory_space<vmem>>)
    %mul3A_20 = arith.constant 32 : i32
    %mul3A_21 = arith.muli %add3A, %mul3A_20 : i32
    "tpu.region"() ({
      %run_scoped3A = tpu.sem_alloc : memref<!tpu.dma_semaphore, #tpu.memory_space<semaphore_mem>>
      %dma_start3A_22 = arith.constant 0 : i32
      %dma_start3A_23 = tpu.memref_slice %arg8[%mul3A_21, %dma_start3A_22] : memref<1024x128xf32, #tpu.memory_space<hbm>> -> memref<32x128xf32, #tpu.memory_space<hbm>>
      %dma_start3A_24 = arith.constant 0 : i32
      %dma_start3A_25 = tpu.memref_slice %arg8[%mul3A_21, %dma_start3A_24] : memref<1024x128xf32, #tpu.memory_space<hbm>> -> memref<32x128xf32, #tpu.memory_space<hbm>>
      tpu.enqueue_dma source(%arg12 : memref<32x128xf32, #tpu.memory_space<vmem>>) target(%dma_start3A_25 : memref<32x128xf32, #tpu.memory_space<hbm>>) target_semaphore(%run_scoped3A : memref<!tpu.dma_semaphore, #tpu.memory_space<semaphore_mem>>)
      %dma_wait3A_26 = arith.constant 0 : i32
      %dma_wait3A_27 = tpu.memref_slice %arg8[%mul3A_21, %dma_wait3A_26] : memref<1024x128xf32, #tpu.memory_space<hbm>> -> memref<32x128xf32, #tpu.memory_space<hbm>>
      %dma_wait3A_28 = arith.constant 0 : i32
      %dma_wait3A_29 = tpu.memref_slice %arg8[%mul3A_21, %dma_wait3A_28] : memref<1024x128xf32, #tpu.memory_space<hbm>> -> memref<32x128xf32, #tpu.memory_space<hbm>>
      tpu.wait_dma2 semaphore(%run_scoped3A : memref<!tpu.dma_semaphore, #tpu.memory_space<semaphore_mem>>) src(%arg12 : memref<32x128xf32, #tpu.memory_space<vmem>>) dst(%dma_wait3A_29 : memref<32x128xf32, #tpu.memory_space<hbm>>)
      tpu.yield
    }) : () -> ()
    return
  }
}

#map = affine_map<(d0, d1) -> (0, 0)>
#map1 = affine_map<(d0, d1) -> (0)>
module attributes {stable_mosaic.version = 14 : i64} {
  func.func @_sc_scatter_body(%arg0: i32, %arg1: i32, %arg2: memref<20000x128xf32, #tpu.memory_space<hbm>>, %arg3: memref<320000xi32, #tpu.memory_space<hbm>>, %arg4: memref<320000xi32, #tpu.memory_space<hbm>>, %arg5: memref<1000x128xf32, #tpu.memory_space<hbm>>, %arg6: memref<20000x128xf32, #tpu.memory_space<hbm>>, %arg7: memref<80xi32, #tpu.memory_space<vmem>>, %arg8: memref<80xi32, #tpu.memory_space<vmem>>, %arg9: memref<80xi32, #tpu.memory_space<vmem>>, %arg10: memref<80x128xf32, #tpu.memory_space<vmem>>, %arg11: memref<10000x128xf32, #tpu.memory_space<vmem_shared>>, %arg12: memref<!tpu.dma_semaphore, #tpu.memory_space<semaphore_mem>>) attributes {dimension_semantics = [#tpu.dimension_semantics<core_parallel>, #tpu.dimension_semantics<subcore_parallel>], iteration_bounds = array<i64: 2, 16>, scalar_prefetch = 0 : i64, scratch_operands = 6 : i64, tpu.core_type = #tpu.core_type<sc_vector_subcore>, window_params = [{transform_indices = #map}, {transform_indices = #map1}, {transform_indices = #map1}, {transform_indices = #map}, {transform_indices = #map}]} {
    %lt3A = arith.constant 10 : i32
    %lt3A_0 = arith.cmpi slt, %arg1, %lt3A : i32
    %convert_element_type3A = arith.extui %lt3A_0 : i1 to i32
    %cond3A = arith.constant 0 : i32
    %cond3A_1 = arith.cmpi ne, %convert_element_type3A, %cond3A : i32
    scf.if %cond3A_1 {
      %mul3A_14 = arith.constant 1000 : i32
      %mul3A_15 = arith.muli %arg1, %mul3A_14 : i32
      "tpu.region"() ({
        %run_scoped3A = tpu.sem_alloc : memref<!tpu.dma_semaphore, #tpu.memory_space<semaphore_mem>>
        %dma_start3A = arith.constant 0 : i32
        %dma_start3A_16 = tpu.memref_slice %arg11[%mul3A_15, %dma_start3A] : memref<10000x128xf32, #tpu.memory_space<vmem_shared>> -> memref<1000x128xf32, #tpu.memory_space<vmem_shared>>
        tpu.enqueue_dma source(%arg5 : memref<1000x128xf32, #tpu.memory_space<hbm>>) target(%dma_start3A_16 : memref<1000x128xf32, #tpu.memory_space<vmem_shared>>) target_semaphore(%run_scoped3A : memref<!tpu.dma_semaphore, #tpu.memory_space<semaphore_mem>>)
        %dma_wait3A = arith.constant 0 : i32
        %dma_wait3A_17 = tpu.memref_slice %arg11[%mul3A_15, %dma_wait3A] : memref<10000x128xf32, #tpu.memory_space<vmem_shared>> -> memref<1000x128xf32, #tpu.memory_space<vmem_shared>>
        tpu.wait_dma2 semaphore(%run_scoped3A : memref<!tpu.dma_semaphore, #tpu.memory_space<semaphore_mem>>) src(%arg5 : memref<1000x128xf32, #tpu.memory_space<hbm>>) dst(%dma_wait3A_17 : memref<1000x128xf32, #tpu.memory_space<vmem_shared>>)
        tpu.yield
      }) : () -> ()
    } else {
    }
    %barrier3A = arith.constant 0 : index
    tpu.barrier barrier_id(%barrier3A)
    %mul3A = arith.constant 10000 : i32
    %mul3A_2 = arith.muli %arg0, %mul3A : i32
    %scan3A = arith.constant 0 : i32
    %scan3A_3 = arith.constant 0 : i32
    %scan3A_4 = arith.constant 250 : i32
    %scan3A_5 = arith.addi %scan3A_3, %scan3A_4 : i32
    %scan3A_6 = arith.constant 1 : i32
    scf.for %scan3A_14 = %scan3A_3 to %scan3A_5 step %scan3A_6  : i32 {
      %mul3A_15 = arith.constant 20000 : i32
      %mul3A_16 = arith.muli %arg1, %mul3A_15 : i32
      %mul3A_17 = arith.constant 80 : i32
      %mul3A_18 = arith.muli %scan3A_14, %mul3A_17 : i32
      %add3A = arith.addi %mul3A_16, %mul3A_18 : i32
      "tpu.region"() ({
        %run_scoped3A = tpu.sem_alloc : memref<!tpu.dma_semaphore, #tpu.memory_space<semaphore_mem>>
        %dma_start3A_66 = tpu.memref_slice %arg3[%add3A] : memref<320000xi32, #tpu.memory_space<hbm>> -> memref<80xi32, #tpu.memory_space<hbm>>
        %dma_start3A_67 = tpu.memref_slice %arg3[%add3A] : memref<320000xi32, #tpu.memory_space<hbm>> -> memref<80xi32, #tpu.memory_space<hbm>>
        tpu.enqueue_dma source(%dma_start3A_67 : memref<80xi32, #tpu.memory_space<hbm>>) target(%arg7 : memref<80xi32, #tpu.memory_space<vmem>>) target_semaphore(%run_scoped3A : memref<!tpu.dma_semaphore, #tpu.memory_space<semaphore_mem>>)
        %dma_wait3A_68 = tpu.memref_slice %arg3[%add3A] : memref<320000xi32, #tpu.memory_space<hbm>> -> memref<80xi32, #tpu.memory_space<hbm>>
        %dma_wait3A_69 = tpu.memref_slice %arg3[%add3A] : memref<320000xi32, #tpu.memory_space<hbm>> -> memref<80xi32, #tpu.memory_space<hbm>>
        tpu.wait_dma2 semaphore(%run_scoped3A : memref<!tpu.dma_semaphore, #tpu.memory_space<semaphore_mem>>) src(%dma_wait3A_69 : memref<80xi32, #tpu.memory_space<hbm>>) dst(%arg7 : memref<80xi32, #tpu.memory_space<vmem>>)
        tpu.yield
      }) : () -> ()
      "tpu.region"() ({
        %run_scoped3A = tpu.sem_alloc : memref<!tpu.dma_semaphore, #tpu.memory_space<semaphore_mem>>
        %dma_start3A_66 = tpu.memref_slice %arg4[%add3A] : memref<320000xi32, #tpu.memory_space<hbm>> -> memref<80xi32, #tpu.memory_space<hbm>>
        %dma_start3A_67 = tpu.memref_slice %arg4[%add3A] : memref<320000xi32, #tpu.memory_space<hbm>> -> memref<80xi32, #tpu.memory_space<hbm>>
        tpu.enqueue_dma source(%dma_start3A_67 : memref<80xi32, #tpu.memory_space<hbm>>) target(%arg9 : memref<80xi32, #tpu.memory_space<vmem>>) target_semaphore(%run_scoped3A : memref<!tpu.dma_semaphore, #tpu.memory_space<semaphore_mem>>)
        %dma_wait3A_68 = tpu.memref_slice %arg4[%add3A] : memref<320000xi32, #tpu.memory_space<hbm>> -> memref<80xi32, #tpu.memory_space<hbm>>
        %dma_wait3A_69 = tpu.memref_slice %arg4[%add3A] : memref<320000xi32, #tpu.memory_space<hbm>> -> memref<80xi32, #tpu.memory_space<hbm>>
        tpu.wait_dma2 semaphore(%run_scoped3A : memref<!tpu.dma_semaphore, #tpu.memory_space<semaphore_mem>>) src(%dma_wait3A_69 : memref<80xi32, #tpu.memory_space<hbm>>) dst(%arg9 : memref<80xi32, #tpu.memory_space<vmem>>)
        tpu.yield
      }) : () -> ()
      %get3A = arith.constant 0 : index
      %get3A_19 = tpu.vector_load %arg7[%get3A] {strides = array<i32>} : memref<80xi32, #tpu.memory_space<vmem>>, vector<16xi32>,
      %get3A_20 = vector.shape_cast %get3A_19 : vector<16xi32> to vector<16xi32>
      %add3A_21 = vector.broadcast %mul3A_2 : i32 to vector<16xi32>
      %add3A_22 = arith.addi %get3A_20, %add3A_21 : vector<16xi32>
      %swap3A = arith.constant 0 : index
      %swap3A_23 = tpu.vector_load %arg8[%swap3A] {strides = array<i32>} : memref<80xi32, #tpu.memory_space<vmem>>, vector<16xi32>,
      %swap3A_24 = vector.shape_cast %swap3A_23 : vector<16xi32> to vector<16xi32>
      %swap3A_25 = vector.shape_cast %add3A_22 : vector<16xi32> to vector<16xi32>
      tpu.vector_store %arg8[%swap3A], %swap3A_25 {strides = array<i32>} : memref<80xi32, #tpu.memory_space<vmem>>, vector<16xi32>,
      %get3A_26 = arith.constant 16 : index
      %get3A_27 = tpu.vector_load %arg7[%get3A_26] {strides = array<i32>} : memref<80xi32, #tpu.memory_space<vmem>>, vector<16xi32>,
      %get3A_28 = vector.shape_cast %get3A_27 : vector<16xi32> to vector<16xi32>
      %add3A_29 = vector.broadcast %mul3A_2 : i32 to vector<16xi32>
      %add3A_30 = arith.addi %get3A_28, %add3A_29 : vector<16xi32>
      %swap3A_31 = arith.constant 16 : index
      %swap3A_32 = tpu.vector_load %arg8[%swap3A_31] {strides = array<i32>} : memref<80xi32, #tpu.memory_space<vmem>>, vector<16xi32>,
      %swap3A_33 = vector.shape_cast %swap3A_32 : vector<16xi32> to vector<16xi32>
      %swap3A_34 = vector.shape_cast %add3A_30 : vector<16xi32> to vector<16xi32>
      tpu.vector_store %arg8[%swap3A_31], %swap3A_34 {strides = array<i32>} : memref<80xi32, #tpu.memory_space<vmem>>, vector<16xi32>,
      %get3A_35 = arith.constant 32 : index
      %get3A_36 = tpu.vector_load %arg7[%get3A_35] {strides = array<i32>} : memref<80xi32, #tpu.memory_space<vmem>>, vector<16xi32>,
      %get3A_37 = vector.shape_cast %get3A_36 : vector<16xi32> to vector<16xi32>
      %add3A_38 = vector.broadcast %mul3A_2 : i32 to vector<16xi32>
      %add3A_39 = arith.addi %get3A_37, %add3A_38 : vector<16xi32>
      %swap3A_40 = arith.constant 32 : index
      %swap3A_41 = tpu.vector_load %arg8[%swap3A_40] {strides = array<i32>} : memref<80xi32, #tpu.memory_space<vmem>>, vector<16xi32>,
      %swap3A_42 = vector.shape_cast %swap3A_41 : vector<16xi32> to vector<16xi32>
      %swap3A_43 = vector.shape_cast %add3A_39 : vector<16xi32> to vector<16xi32>
      tpu.vector_store %arg8[%swap3A_40], %swap3A_43 {strides = array<i32>} : memref<80xi32, #tpu.memory_space<vmem>>, vector<16xi32>,
      %get3A_44 = arith.constant 48 : index
      %get3A_45 = tpu.vector_load %arg7[%get3A_44] {strides = array<i32>} : memref<80xi32, #tpu.memory_space<vmem>>, vector<16xi32>,
      %get3A_46 = vector.shape_cast %get3A_45 : vector<16xi32> to vector<16xi32>
      %add3A_47 = vector.broadcast %mul3A_2 : i32 to vector<16xi32>
      %add3A_48 = arith.addi %get3A_46, %add3A_47 : vector<16xi32>
      %swap3A_49 = arith.constant 48 : index
      %swap3A_50 = tpu.vector_load %arg8[%swap3A_49] {strides = array<i32>} : memref<80xi32, #tpu.memory_space<vmem>>, vector<16xi32>,
      %swap3A_51 = vector.shape_cast %swap3A_50 : vector<16xi32> to vector<16xi32>
      %swap3A_52 = vector.shape_cast %add3A_48 : vector<16xi32> to vector<16xi32>
      tpu.vector_store %arg8[%swap3A_49], %swap3A_52 {strides = array<i32>} : memref<80xi32, #tpu.memory_space<vmem>>, vector<16xi32>,
      %get3A_53 = arith.constant 64 : index
      %get3A_54 = tpu.vector_load %arg7[%get3A_53] {strides = array<i32>} : memref<80xi32, #tpu.memory_space<vmem>>, vector<16xi32>,
      %get3A_55 = vector.shape_cast %get3A_54 : vector<16xi32> to vector<16xi32>
      %add3A_56 = vector.broadcast %mul3A_2 : i32 to vector<16xi32>
      %add3A_57 = arith.addi %get3A_55, %add3A_56 : vector<16xi32>
      %swap3A_58 = arith.constant 64 : index
      %swap3A_59 = tpu.vector_load %arg8[%swap3A_58] {strides = array<i32>} : memref<80xi32, #tpu.memory_space<vmem>>, vector<16xi32>,
      %swap3A_60 = vector.shape_cast %swap3A_59 : vector<16xi32> to vector<16xi32>
      %swap3A_61 = vector.shape_cast %add3A_57 : vector<16xi32> to vector<16xi32>
      tpu.vector_store %arg8[%swap3A_58], %swap3A_61 {strides = array<i32>} : memref<80xi32, #tpu.memory_space<vmem>>, vector<16xi32>,
      %dma_start3A = arith.constant 0 : i32
      %dma_start3A_62 = arith.constant 0 : i32
      %dma_start3A_63 = tpu.memref_slice %arg2[%dma_start3A, %dma_start3A_62] : memref<20000x128xf32, #tpu.memory_space<hbm>> -> memref<20000x128xf32, #tpu.memory_space<hbm>>
      tpu.enqueue_indirect_dma source(%dma_start3A_63 : memref<20000x128xf32, #tpu.memory_space<hbm>>) target(%arg10 : memref<80x128xf32, #tpu.memory_space<vmem>>) offsets(%arg8 : memref<80xi32, #tpu.memory_space<vmem>>) semaphore(%arg12 : memref<!tpu.dma_semaphore, #tpu.memory_space<semaphore_mem>>)
      %dma_wait3A = arith.constant 0 : i32
      %dma_wait3A_64 = arith.constant 0 : i32
      %dma_wait3A_65 = tpu.memref_slice %arg2[%dma_wait3A, %dma_wait3A_64] : memref<20000x128xf32, #tpu.memory_space<hbm>> -> memref<20000x128xf32, #tpu.memory_space<hbm>>
      tpu.wait_indirect_dma semaphore(%arg12 : memref<!tpu.dma_semaphore, #tpu.memory_space<semaphore_mem>>) src(%dma_wait3A_65 : memref<20000x128xf32, #tpu.memory_space<hbm>>) dst(%arg10 : memref<80x128xf32, #tpu.memory_space<vmem>>)
      "tpu.region"() ({
        %run_scoped3A = tpu.sem_alloc : memref<!tpu.dma_semaphore, #tpu.memory_space<semaphore_mem>>
        %dma_start3A_66 = arith.constant 0 : i32
        %dma_start3A_67 = arith.constant 0 : i32
        %dma_start3A_68 = tpu.memref_slice %arg11[%dma_start3A_66, %dma_start3A_67] : memref<10000x128xf32, #tpu.memory_space<vmem_shared>> -> memref<10000x128xf32, #tpu.memory_space<vmem_shared>>
        tpu.enqueue_indirect_dma source(%arg10 : memref<80x128xf32, #tpu.memory_space<vmem>>) target(%dma_start3A_68 : memref<10000x128xf32, #tpu.memory_space<vmem_shared>>) offsets(%arg9 : memref<80xi32, #tpu.memory_space<vmem>>) semaphore(%run_scoped3A : memref<!tpu.dma_semaphore, #tpu.memory_space<semaphore_mem>>) {add = true}
        %dma_wait3A_69 = arith.constant 0 : i32
        %dma_wait3A_70 = arith.constant 0 : i32
        %dma_wait3A_71 = tpu.memref_slice %arg11[%dma_wait3A_69, %dma_wait3A_70] : memref<10000x128xf32, #tpu.memory_space<vmem_shared>> -> memref<10000x128xf32, #tpu.memory_space<vmem_shared>>
        tpu.wait_indirect_dma semaphore(%run_scoped3A : memref<!tpu.dma_semaphore, #tpu.memory_space<semaphore_mem>>) src(%arg10 : memref<80x128xf32, #tpu.memory_space<vmem>>) dst(%dma_wait3A_71 : memref<10000x128xf32, #tpu.memory_space<vmem_shared>>)
        tpu.yield
      }) : () -> ()
    }
    %scan3A_7 = arith.constant 250 : i32
    %barrier3A_8 = arith.constant 0 : index
    tpu.barrier barrier_id(%barrier3A_8)
    %lt3A_9 = arith.constant 10 : i32
    %lt3A_10 = arith.cmpi slt, %arg1, %lt3A_9 : i32
    %convert_element_type3A_11 = arith.extui %lt3A_10 : i1 to i32
    %cond3A_12 = arith.constant 0 : i32
    %cond3A_13 = arith.cmpi ne, %convert_element_type3A_11, %cond3A_12 : i32
    scf.if %cond3A_13 {
      %mul3A_14 = arith.constant 1000 : i32
      %mul3A_15 = arith.muli %arg1, %mul3A_14 : i32
      %mul3A_16 = arith.constant 1000 : i32
      %mul3A_17 = arith.muli %arg1, %mul3A_16 : i32
      %add3A = arith.addi %mul3A_2, %mul3A_17 : i32
      "tpu.region"() ({
        %run_scoped3A = tpu.sem_alloc : memref<!tpu.dma_semaphore, #tpu.memory_space<semaphore_mem>>
        %dma_start3A = arith.constant 0 : i32
        %dma_start3A_18 = tpu.memref_slice %arg6[%add3A, %dma_start3A] : memref<20000x128xf32, #tpu.memory_space<hbm>> -> memref<1000x128xf32, #tpu.memory_space<hbm>>
        %dma_start3A_19 = arith.constant 0 : i32
        %dma_start3A_20 = tpu.memref_slice %arg11[%mul3A_15, %dma_start3A_19] : memref<10000x128xf32, #tpu.memory_space<vmem_shared>> -> memref<1000x128xf32, #tpu.memory_space<vmem_shared>>
        tpu.enqueue_dma source(%dma_start3A_20 : memref<1000x128xf32, #tpu.memory_space<vmem_shared>>) target(%dma_start3A_18 : memref<1000x128xf32, #tpu.memory_space<hbm>>) target_semaphore(%run_scoped3A : memref<!tpu.dma_semaphore, #tpu.memory_space<semaphore_mem>>)
        %dma_wait3A = arith.constant 0 : i32
        %dma_wait3A_21 = tpu.memref_slice %arg6[%add3A, %dma_wait3A] : memref<20000x128xf32, #tpu.memory_space<hbm>> -> memref<1000x128xf32, #tpu.memory_space<hbm>>
        %dma_wait3A_22 = arith.constant 0 : i32
        %dma_wait3A_23 = tpu.memref_slice %arg11[%mul3A_15, %dma_wait3A_22] : memref<10000x128xf32, #tpu.memory_space<vmem_shared>> -> memref<1000x128xf32, #tpu.memory_space<vmem_shared>>
        tpu.wait_dma2 semaphore(%run_scoped3A : memref<!tpu.dma_semaphore, #tpu.memory_space<semaphore_mem>>) src(%dma_wait3A_23 : memref<1000x128xf32, #tpu.memory_space<vmem_shared>>) dst(%dma_wait3A_21 : memref<1000x128xf32, #tpu.memory_space<hbm>>)
        tpu.yield
      }) : () -> ()
    } else {
    }
    return
  }
}

#map = affine_map<(d0, d1) -> (0, 0)>
#map1 = affine_map<(d0, d1) -> (0)>
module attributes {stable_mosaic.version = 14 : i64} {
  func.func @_sc_scatter_body(%arg0: i32, %arg1: i32, %arg2: memref<20000x128xf32, #tpu.memory_space<hbm>>, %arg3: memref<320000xi32, #tpu.memory_space<hbm>>, %arg4: memref<320000xi32, #tpu.memory_space<hbm>>, %arg5: memref<1000x128xf32, #tpu.memory_space<hbm>>, %arg6: memref<20000x128xf32, #tpu.memory_space<hbm>>, %arg7: memref<80xi32, #tpu.memory_space<vmem>>, %arg8: memref<80xi32, #tpu.memory_space<vmem>>, %arg9: memref<80xi32, #tpu.memory_space<vmem>>, %arg10: memref<80x128xf32, #tpu.memory_space<vmem>>, %arg11: memref<10000x128xf32, #tpu.memory_space<vmem_shared>>, %arg12: memref<!tpu.dma_semaphore, #tpu.memory_space<semaphore_mem>>) attributes {dimension_semantics = [#tpu.dimension_semantics<core_parallel>, #tpu.dimension_semantics<subcore_parallel>], iteration_bounds = array<i64: 2, 16>, scalar_prefetch = 0 : i64, scratch_operands = 6 : i64, tpu.core_type = #tpu.core_type<sc_vector_subcore>, window_params = [{transform_indices = #map}, {transform_indices = #map1}, {transform_indices = #map1}, {transform_indices = #map}, {transform_indices = #map}]} {
    %lt3A = arith.constant 10 : i32
    %lt3A_0 = arith.cmpi slt, %arg1, %lt3A : i32
    %convert_element_type3A = arith.extui %lt3A_0 : i1 to i32
    %cond3A = arith.constant 0 : i32
    %cond3A_1 = arith.cmpi ne, %convert_element_type3A, %cond3A : i32
    scf.if %cond3A_1 {
      %mul3A_14 = arith.constant 1000 : i32
      %mul3A_15 = arith.muli %arg1, %mul3A_14 : i32
      "tpu.region"() ({
        %run_scoped3A = tpu.sem_alloc : memref<!tpu.dma_semaphore, #tpu.memory_space<semaphore_mem>>
        %dma_start3A = arith.constant 0 : i32
        %dma_start3A_16 = tpu.memref_slice %arg11[%mul3A_15, %dma_start3A] : memref<10000x128xf32, #tpu.memory_space<vmem_shared>> -> memref<1000x128xf32, #tpu.memory_space<vmem_shared>>
        tpu.enqueue_dma source(%arg5 : memref<1000x128xf32, #tpu.memory_space<hbm>>) target(%dma_start3A_16 : memref<1000x128xf32, #tpu.memory_space<vmem_shared>>) target_semaphore(%run_scoped3A : memref<!tpu.dma_semaphore, #tpu.memory_space<semaphore_mem>>)
        %dma_wait3A = arith.constant 0 : i32
        %dma_wait3A_17 = tpu.memref_slice %arg11[%mul3A_15, %dma_wait3A] : memref<10000x128xf32, #tpu.memory_space<vmem_shared>> -> memref<1000x128xf32, #tpu.memory_space<vmem_shared>>
        tpu.wait_dma2 semaphore(%run_scoped3A : memref<!tpu.dma_semaphore, #tpu.memory_space<semaphore_mem>>) src(%arg5 : memref<1000x128xf32, #tpu.memory_space<hbm>>) dst(%dma_wait3A_17 : memref<1000x128xf32, #tpu.memory_space<vmem_shared>>)
        tpu.yield
      }) : () -> ()
    } else {
    }
    %barrier3A = arith.constant 0 : index
    tpu.barrier barrier_id(%barrier3A)
    %mul3A = arith.constant 10000 : i32
    %mul3A_2 = arith.muli %arg0, %mul3A : i32
    %scan3A = arith.constant 0 : i32
    %scan3A_3 = arith.constant 0 : i32
    %scan3A_4 = arith.constant 250 : i32
    %scan3A_5 = arith.addi %scan3A_3, %scan3A_4 : i32
    %scan3A_6 = arith.constant 1 : i32
    scf.for %scan3A_14 = %scan3A_3 to %scan3A_5 step %scan3A_6  : i32 {
      %mul3A_15 = arith.constant 20000 : i32
      %mul3A_16 = arith.muli %arg1, %mul3A_15 : i32
      %mul3A_17 = arith.constant 80 : i32
      %mul3A_18 = arith.muli %scan3A_14, %mul3A_17 : i32
      %add3A = arith.addi %mul3A_16, %mul3A_18 : i32
      "tpu.region"() ({
        %run_scoped3A = tpu.sem_alloc : memref<!tpu.dma_semaphore, #tpu.memory_space<semaphore_mem>>
        %dma_start3A_66 = tpu.memref_slice %arg3[%add3A] : memref<320000xi32, #tpu.memory_space<hbm>> -> memref<80xi32, #tpu.memory_space<hbm>>
        %dma_start3A_67 = tpu.memref_slice %arg3[%add3A] : memref<320000xi32, #tpu.memory_space<hbm>> -> memref<80xi32, #tpu.memory_space<hbm>>
        tpu.enqueue_dma source(%dma_start3A_67 : memref<80xi32, #tpu.memory_space<hbm>>) target(%arg7 : memref<80xi32, #tpu.memory_space<vmem>>) target_semaphore(%run_scoped3A : memref<!tpu.dma_semaphore, #tpu.memory_space<semaphore_mem>>)
        %dma_wait3A_68 = tpu.memref_slice %arg3[%add3A] : memref<320000xi32, #tpu.memory_space<hbm>> -> memref<80xi32, #tpu.memory_space<hbm>>
        %dma_wait3A_69 = tpu.memref_slice %arg3[%add3A] : memref<320000xi32, #tpu.memory_space<hbm>> -> memref<80xi32, #tpu.memory_space<hbm>>
        tpu.wait_dma2 semaphore(%run_scoped3A : memref<!tpu.dma_semaphore, #tpu.memory_space<semaphore_mem>>) src(%dma_wait3A_69 : memref<80xi32, #tpu.memory_space<hbm>>) dst(%arg7 : memref<80xi32, #tpu.memory_space<vmem>>)
        tpu.yield
      }) : () -> ()
      "tpu.region"() ({
        %run_scoped3A = tpu.sem_alloc : memref<!tpu.dma_semaphore, #tpu.memory_space<semaphore_mem>>
        %dma_start3A_66 = tpu.memref_slice %arg4[%add3A] : memref<320000xi32, #tpu.memory_space<hbm>> -> memref<80xi32, #tpu.memory_space<hbm>>
        %dma_start3A_67 = tpu.memref_slice %arg4[%add3A] : memref<320000xi32, #tpu.memory_space<hbm>> -> memref<80xi32, #tpu.memory_space<hbm>>
        tpu.enqueue_dma source(%dma_start3A_67 : memref<80xi32, #tpu.memory_space<hbm>>) target(%arg9 : memref<80xi32, #tpu.memory_space<vmem>>) target_semaphore(%run_scoped3A : memref<!tpu.dma_semaphore, #tpu.memory_space<semaphore_mem>>)
        %dma_wait3A_68 = tpu.memref_slice %arg4[%add3A] : memref<320000xi32, #tpu.memory_space<hbm>> -> memref<80xi32, #tpu.memory_space<hbm>>
        %dma_wait3A_69 = tpu.memref_slice %arg4[%add3A] : memref<320000xi32, #tpu.memory_space<hbm>> -> memref<80xi32, #tpu.memory_space<hbm>>
        tpu.wait_dma2 semaphore(%run_scoped3A : memref<!tpu.dma_semaphore, #tpu.memory_space<semaphore_mem>>) src(%dma_wait3A_69 : memref<80xi32, #tpu.memory_space<hbm>>) dst(%arg9 : memref<80xi32, #tpu.memory_space<vmem>>)
        tpu.yield
      }) : () -> ()
      %get3A = arith.constant 0 : index
      %get3A_19 = tpu.vector_load %arg7[%get3A] {strides = array<i32>} : memref<80xi32, #tpu.memory_space<vmem>>, vector<16xi32>,
      %get3A_20 = vector.shape_cast %get3A_19 : vector<16xi32> to vector<16xi32>
      %add3A_21 = vector.broadcast %mul3A_2 : i32 to vector<16xi32>
      %add3A_22 = arith.addi %get3A_20, %add3A_21 : vector<16xi32>
      %swap3A = arith.constant 0 : index
      %swap3A_23 = tpu.vector_load %arg8[%swap3A] {strides = array<i32>} : memref<80xi32, #tpu.memory_space<vmem>>, vector<16xi32>,
      %swap3A_24 = vector.shape_cast %swap3A_23 : vector<16xi32> to vector<16xi32>
      %swap3A_25 = vector.shape_cast %add3A_22 : vector<16xi32> to vector<16xi32>
      tpu.vector_store %arg8[%swap3A], %swap3A_25 {strides = array<i32>} : memref<80xi32, #tpu.memory_space<vmem>>, vector<16xi32>,
      %get3A_26 = arith.constant 16 : index
      %get3A_27 = tpu.vector_load %arg7[%get3A_26] {strides = array<i32>} : memref<80xi32, #tpu.memory_space<vmem>>, vector<16xi32>,
      %get3A_28 = vector.shape_cast %get3A_27 : vector<16xi32> to vector<16xi32>
      %add3A_29 = vector.broadcast %mul3A_2 : i32 to vector<16xi32>
      %add3A_30 = arith.addi %get3A_28, %add3A_29 : vector<16xi32>
      %swap3A_31 = arith.constant 16 : index
      %swap3A_32 = tpu.vector_load %arg8[%swap3A_31] {strides = array<i32>} : memref<80xi32, #tpu.memory_space<vmem>>, vector<16xi32>,
      %swap3A_33 = vector.shape_cast %swap3A_32 : vector<16xi32> to vector<16xi32>
      %swap3A_34 = vector.shape_cast %add3A_30 : vector<16xi32> to vector<16xi32>
      tpu.vector_store %arg8[%swap3A_31], %swap3A_34 {strides = array<i32>} : memref<80xi32, #tpu.memory_space<vmem>>, vector<16xi32>,
      %get3A_35 = arith.constant 32 : index
      %get3A_36 = tpu.vector_load %arg7[%get3A_35] {strides = array<i32>} : memref<80xi32, #tpu.memory_space<vmem>>, vector<16xi32>,
      %get3A_37 = vector.shape_cast %get3A_36 : vector<16xi32> to vector<16xi32>
      %add3A_38 = vector.broadcast %mul3A_2 : i32 to vector<16xi32>
      %add3A_39 = arith.addi %get3A_37, %add3A_38 : vector<16xi32>
      %swap3A_40 = arith.constant 32 : index
      %swap3A_41 = tpu.vector_load %arg8[%swap3A_40] {strides = array<i32>} : memref<80xi32, #tpu.memory_space<vmem>>, vector<16xi32>,
      %swap3A_42 = vector.shape_cast %swap3A_41 : vector<16xi32> to vector<16xi32>
      %swap3A_43 = vector.shape_cast %add3A_39 : vector<16xi32> to vector<16xi32>
      tpu.vector_store %arg8[%swap3A_40], %swap3A_43 {strides = array<i32>} : memref<80xi32, #tpu.memory_space<vmem>>, vector<16xi32>,
      %get3A_44 = arith.constant 48 : index
      %get3A_45 = tpu.vector_load %arg7[%get3A_44] {strides = array<i32>} : memref<80xi32, #tpu.memory_space<vmem>>, vector<16xi32>,
      %get3A_46 = vector.shape_cast %get3A_45 : vector<16xi32> to vector<16xi32>
      %add3A_47 = vector.broadcast %mul3A_2 : i32 to vector<16xi32>
      %add3A_48 = arith.addi %get3A_46, %add3A_47 : vector<16xi32>
      %swap3A_49 = arith.constant 48 : index
      %swap3A_50 = tpu.vector_load %arg8[%swap3A_49] {strides = array<i32>} : memref<80xi32, #tpu.memory_space<vmem>>, vector<16xi32>,
      %swap3A_51 = vector.shape_cast %swap3A_50 : vector<16xi32> to vector<16xi32>
      %swap3A_52 = vector.shape_cast %add3A_48 : vector<16xi32> to vector<16xi32>
      tpu.vector_store %arg8[%swap3A_49], %swap3A_52 {strides = array<i32>} : memref<80xi32, #tpu.memory_space<vmem>>, vector<16xi32>,
      %get3A_53 = arith.constant 64 : index
      %get3A_54 = tpu.vector_load %arg7[%get3A_53] {strides = array<i32>} : memref<80xi32, #tpu.memory_space<vmem>>, vector<16xi32>,
      %get3A_55 = vector.shape_cast %get3A_54 : vector<16xi32> to vector<16xi32>
      %add3A_56 = vector.broadcast %mul3A_2 : i32 to vector<16xi32>
      %add3A_57 = arith.addi %get3A_55, %add3A_56 : vector<16xi32>
      %swap3A_58 = arith.constant 64 : index
      %swap3A_59 = tpu.vector_load %arg8[%swap3A_58] {strides = array<i32>} : memref<80xi32, #tpu.memory_space<vmem>>, vector<16xi32>,
      %swap3A_60 = vector.shape_cast %swap3A_59 : vector<16xi32> to vector<16xi32>
      %swap3A_61 = vector.shape_cast %add3A_57 : vector<16xi32> to vector<16xi32>
      tpu.vector_store %arg8[%swap3A_58], %swap3A_61 {strides = array<i32>} : memref<80xi32, #tpu.memory_space<vmem>>, vector<16xi32>,
      %dma_start3A = arith.constant 0 : i32
      %dma_start3A_62 = arith.constant 0 : i32
      %dma_start3A_63 = tpu.memref_slice %arg2[%dma_start3A, %dma_start3A_62] : memref<20000x128xf32, #tpu.memory_space<hbm>> -> memref<20000x128xf32, #tpu.memory_space<hbm>>
      tpu.enqueue_indirect_dma source(%dma_start3A_63 : memref<20000x128xf32, #tpu.memory_space<hbm>>) target(%arg10 : memref<80x128xf32, #tpu.memory_space<vmem>>) offsets(%arg8 : memref<80xi32, #tpu.memory_space<vmem>>) semaphore(%arg12 : memref<!tpu.dma_semaphore, #tpu.memory_space<semaphore_mem>>)
      %dma_wait3A = arith.constant 0 : i32
      %dma_wait3A_64 = arith.constant 0 : i32
      %dma_wait3A_65 = tpu.memref_slice %arg2[%dma_wait3A, %dma_wait3A_64] : memref<20000x128xf32, #tpu.memory_space<hbm>> -> memref<20000x128xf32, #tpu.memory_space<hbm>>
      tpu.wait_indirect_dma semaphore(%arg12 : memref<!tpu.dma_semaphore, #tpu.memory_space<semaphore_mem>>) src(%dma_wait3A_65 : memref<20000x128xf32, #tpu.memory_space<hbm>>) dst(%arg10 : memref<80x128xf32, #tpu.memory_space<vmem>>)
      "tpu.region"() ({
        %run_scoped3A = tpu.sem_alloc : memref<!tpu.dma_semaphore, #tpu.memory_space<semaphore_mem>>
        %dma_start3A_66 = arith.constant 0 : i32
        %dma_start3A_67 = arith.constant 0 : i32
        %dma_start3A_68 = tpu.memref_slice %arg11[%dma_start3A_66, %dma_start3A_67] : memref<10000x128xf32, #tpu.memory_space<vmem_shared>> -> memref<10000x128xf32, #tpu.memory_space<vmem_shared>>
        tpu.enqueue_indirect_dma source(%arg10 : memref<80x128xf32, #tpu.memory_space<vmem>>) target(%dma_start3A_68 : memref<10000x128xf32, #tpu.memory_space<vmem_shared>>) offsets(%arg9 : memref<80xi32, #tpu.memory_space<vmem>>) semaphore(%run_scoped3A : memref<!tpu.dma_semaphore, #tpu.memory_space<semaphore_mem>>) {add = true}
        %dma_wait3A_69 = arith.constant 0 : i32
        %dma_wait3A_70 = arith.constant 0 : i32
        %dma_wait3A_71 = tpu.memref_slice %arg11[%dma_wait3A_69, %dma_wait3A_70] : memref<10000x128xf32, #tpu.memory_space<vmem_shared>> -> memref<10000x128xf32, #tpu.memory_space<vmem_shared>>
        tpu.wait_indirect_dma semaphore(%run_scoped3A : memref<!tpu.dma_semaphore, #tpu.memory_space<semaphore_mem>>) src(%arg10 : memref<80x128xf32, #tpu.memory_space<vmem>>) dst(%dma_wait3A_71 : memref<10000x128xf32, #tpu.memory_space<vmem_shared>>)
        tpu.yield
      }) : () -> ()
    }
    %scan3A_7 = arith.constant 250 : i32
    %barrier3A_8 = arith.constant 0 : index
    tpu.barrier barrier_id(%barrier3A_8)
    %lt3A_9 = arith.constant 10 : i32
    %lt3A_10 = arith.cmpi slt, %arg1, %lt3A_9 : i32
    %convert_element_type3A_11 = arith.extui %lt3A_10 : i1 to i32
    %cond3A_12 = arith.constant 0 : i32
    %cond3A_13 = arith.cmpi ne, %convert_element_type3A_11, %cond3A_12 : i32
    scf.if %cond3A_13 {
      %mul3A_14 = arith.constant 1000 : i32
      %mul3A_15 = arith.muli %arg1, %mul3A_14 : i32
      %mul3A_16 = arith.constant 1000 : i32
      %mul3A_17 = arith.muli %arg1, %mul3A_16 : i32
      %add3A = arith.addi %mul3A_2, %mul3A_17 : i32
      "tpu.region"() ({
        %run_scoped3A = tpu.sem_alloc : memref<!tpu.dma_semaphore, #tpu.memory_space<semaphore_mem>>
        %dma_start3A = arith.constant 0 : i32
        %dma_start3A_18 = tpu.memref_slice %arg6[%add3A, %dma_start3A] : memref<20000x128xf32, #tpu.memory_space<hbm>> -> memref<1000x128xf32, #tpu.memory_space<hbm>>
        %dma_start3A_19 = arith.constant 0 : i32
        %dma_start3A_20 = tpu.memref_slice %arg11[%mul3A_15, %dma_start3A_19] : memref<10000x128xf32, #tpu.memory_space<vmem_shared>> -> memref<1000x128xf32, #tpu.memory_space<vmem_shared>>
        tpu.enqueue_dma source(%dma_start3A_20 : memref<1000x128xf32, #tpu.memory_space<vmem_shared>>) target(%dma_start3A_18 : memref<1000x128xf32, #tpu.memory_space<hbm>>) target_semaphore(%run_scoped3A : memref<!tpu.dma_semaphore, #tpu.memory_space<semaphore_mem>>)
        %dma_wait3A = arith.constant 0 : i32
        %dma_wait3A_21 = tpu.memref_slice %arg6[%add3A, %dma_wait3A] : memref<20000x128xf32, #tpu.memory_space<hbm>> -> memref<1000x128xf32, #tpu.memory_space<hbm>>
        %dma_wait3A_22 = arith.constant 0 : i32
        %dma_wait3A_23 = tpu.memref_slice %arg11[%mul3A_15, %dma_wait3A_22] : memref<10000x128xf32, #tpu.memory_space<vmem_shared>> -> memref<1000x128xf32, #tpu.memory_space<vmem_shared>>
        tpu.wait_dma2 semaphore(%run_scoped3A : memref<!tpu.dma_semaphore, #tpu.memory_space<semaphore_mem>>) src(%dma_wait3A_23 : memref<1000x128xf32, #tpu.memory_space<vmem_shared>>) dst(%dma_wait3A_21 : memref<1000x128xf32, #tpu.memory_space<hbm>>)
        tpu.yield
      }) : () -> ()
    } else {
    }
    return
  }
}

module attributes {stable_mosaic.version = 14 : i64} {
  func.func @_k1_body(%arg0: i32, %arg1: i32, %arg2: i32, %arg3: memref<1x1x1x1000xi32, #tpu.memory_space<vmem>>, %arg4: memref<1x1x1x1000xf32, #tpu.memory_space<vmem>>, %arg5: memref<16x128xf32, #tpu.memory_space<vmem>>, %arg6: memref<128x128xf32, #tpu.memory_space<vmem>>, %arg7: memref<1x1000x128xf32, #tpu.memory_space<vmem>>) attributes {dimension_semantics = [#tpu.dimension_semantics<arbitrary>, #tpu.dimension_semantics<arbitrary>, #tpu.dimension_semantics<arbitrary>], iteration_bounds = array<i64: 2, 2, 10>, scalar_prefetch = 0 : i64, scratch_operands = 0 : i64, tpu.core_type = #tpu.core_type<tc>, window_params = [{transform_indices = @transform_0, window_bounds = array<i64: 1, 1, 1, 1000>}, {transform_indices = @transform_1, window_bounds = array<i64: 1, 1, 1, 1000>}, {pipeline_mode = #tpu.pipeline_mode<synchronous>, transform_indices = @transform_2, window_bounds = array<i64: 16, 128>}, {transform_indices = @transform_3, window_bounds = array<i64: 128, 128>}, {transform_indices = @transform_4, window_bounds = array<i64: 1, 1000, 128>}]} {
    %get3A = arith.constant 0 : index
    %get3A_0 = arith.constant 0 : index
    %get3A_1 = arith.constant 0 : index
    %get3A_2 = arith.constant 0 : index
    %get3A_3 = vector.load %arg3[%get3A, %get3A_0, %get3A_1, %get3A_2] : memref<1x1x1x1000xi32, #tpu.memory_space<vmem>>, vector<1x1x1x1000xi32>
    %get3A_4 = vector.shape_cast %get3A_3 : vector<1x1x1x1000xi32> to vector<1000xi32>
    %get3A_5 = arith.constant 0 : index
    %get3A_6 = arith.constant 0 : index
    %get3A_7 = arith.constant 0 : index
    %get3A_8 = arith.constant 0 : index
    %get3A_9 = vector.load %arg4[%get3A_5, %get3A_6, %get3A_7, %get3A_8] : memref<1x1x1x1000xf32, #tpu.memory_space<vmem>>, vector<1x1x1x1000xf32>
    %get3A_10 = vector.shape_cast %get3A_9 : vector<1x1x1x1000xf32> to vector<1000xf32>
    %add3A = arith.constant 1.000000e+00 : f32
    %add3A_11 = vector.broadcast %add3A : f32 to vector<1000xf32>
    %add3A_12 = arith.addf %get3A_10, %add3A_11 : vector<1000xf32>
    %max3A = arith.constant 9.99999996E-13 : f32
    %max3A_13 = vector.broadcast %max3A : f32 to vector<1000xf32>
    %max3A_14 = arith.maximumf %add3A_12, %max3A_13 : vector<1000xf32>
    %rsqrt3A = math.rsqrt %max3A_14 : vector<1000xf32>
    %broadcast_in_dim3A = vector.shape_cast %get3A_4 : vector<1000xi32> to vector<1000x1xi32>
    %iota3A = tpu.iota {dimensions = array<i32: 1>} : vector<1000x16xi32>
    %eq3A = vector.broadcast %broadcast_in_dim3A : vector<1000x1xi32> to vector<1000x16xi32>
    %eq3A_15 = arith.cmpi eq, %eq3A, %iota3A : vector<1000x16xi32>
    %convert_element_type3A = arith.extui %eq3A_15 : vector<1000x16xi1> to vector<1000x16xi32>
    %convert_element_type3A_16 = arith.sitofp %convert_element_type3A : vector<1000x16xi32> to vector<1000x16xf32>
    %get3A_17 = arith.constant 0 : index
    %get3A_18 = arith.constant 0 : index
    %get3A_19 = vector.load %arg5[%get3A_17, %get3A_18] : memref<16x128xf32, #tpu.memory_space<vmem>>, vector<16x128xf32>
    %get3A_20 = arith.constant 0 : index
    %get3A_21 = arith.constant 0 : index
    %get3A_22 = vector.load %arg6[%get3A_20, %get3A_21] : memref<128x128xf32, #tpu.memory_space<vmem>>, vector<128x128xf32>
    %dot_general3A = arith.constant dense<0.000000e+00> : vector<16x128xf32>
    %dot_general3A_23 = tpu.matmul %get3A_19, %get3A_22, %dot_general3A {dimension_numbers = #tpu.dot_dimension_numbers<[1], [0], [0], [1], [0, 0, 1, 1], [], []>, transpose_lhs_hint = false} : vector<16x128xf32>, vector<128x128xf32>, vector<16x128xf32> -> vector<16x128xf32>
    %broadcast_in_dim3A_24 = vector.shape_cast %rsqrt3A : vector<1000xf32> to vector<1000x1xf32>
    %dot_general3A_25 = arith.constant dense<0.000000e+00> : vector<1000x128xf32>
    %dot_general3A_26 = tpu.matmul %convert_element_type3A_16, %dot_general3A_23, %dot_general3A_25 {dimension_numbers = #tpu.dot_dimension_numbers<[1], [0], [0], [1], [0, 0, 1, 1], [], []>, transpose_lhs_hint = false} : vector<1000x16xf32>, vector<16x128xf32>, vector<1000x128xf32> -> vector<1000x128xf32>
    %mul3A = vector.broadcast %broadcast_in_dim3A_24 : vector<1000x1xf32> to vector<1000x128xf32>
    %mul3A_27 = arith.mulf %mul3A, %dot_general3A_26 : vector<1000x128xf32>
    %swap3A = arith.constant 0 : index
    %swap3A_28 = arith.constant 0 : index
    %swap3A_29 = arith.constant 0 : index
    %swap3A_30 = vector.load %arg7[%swap3A, %swap3A_28, %swap3A_29] : memref<1x1000x128xf32, #tpu.memory_space<vmem>>, vector<1x1000x128xf32>
    %swap3A_31 = vector.shape_cast %swap3A_30 : vector<1x1000x128xf32> to vector<1000x128xf32>
    %swap3A_32 = vector.shape_cast %mul3A_27 : vector<1000x128xf32> to vector<1x1000x128xf32>
    tpu.vector_store %arg7[%swap3A, %swap3A_28, %swap3A_29], %swap3A_32 {strides = array<i32>} : memref<1x1000x128xf32, #tpu.memory_space<vmem>>, vector<1x1000x128xf32>,
    return
  }
  func.func @transform_0(%arg0: i32, %arg1: i32, %arg2: i32) -> (i32, i32, i32, i32) {
    %c0_i32 = arith.constant 0 : i32
    %c0_i32_0 = arith.constant 0 : i32
    %c0_i32_1 = arith.constant 0 : i32
    return %arg0, %arg2, %c0_i32, %c0_i32_0 : i32, i32, i32, i32
  }
  func.func @transform_1(%arg0: i32, %arg1: i32, %arg2: i32) -> (i32, i32, i32, i32) {
    %c0_i32 = arith.constant 0 : i32
    %c0_i32_0 = arith.constant 0 : i32
    %c0_i32_1 = arith.constant 0 : i32
    return %arg0, %arg2, %c0_i32, %c0_i32_0 : i32, i32, i32, i32
  }
  func.func @transform_2(%arg0: i32, %arg1: i32, %arg2: i32) -> (i32, i32) {
    %c0_i32 = arith.constant 0 : i32
    %c0_i32_0 = arith.constant 0 : i32
    %c0_i32_1 = arith.constant 0 : i32
    return %c0_i32, %c0_i32_0 : i32, i32
  }
  func.func @transform_3(%arg0: i32, %arg1: i32, %arg2: i32) -> (i32, i32) {
    %c0_i32 = arith.constant 0 : i32
    %c0_i32_0 = arith.constant 0 : i32
    return %c0_i32, %arg1 : i32, i32
  }
  func.func @transform_4(%arg0: i32, %arg1: i32, %arg2: i32) -> (i32, i32, i32) {
    %mul3A = arith.constant 10 : i32
    %mul3A_0 = arith.muli %arg1, %mul3A : i32
    %add3A = arith.addi %mul3A_0, %arg2 : i32
    %c0_i32 = arith.constant 0 : i32
    %c0_i32_1 = arith.constant 0 : i32
    return %arg0, %add3A, %c0_i32 : i32, i32, i32
  }
}

module attributes {stable_mosaic.version = 14 : i64} {
  func.func @_k2_body(%arg0: i32, %arg1: i32, %arg2: i32, %arg3: memref<1x1000x128xf32, #tpu.memory_space<vmem>>, %arg4: memref<1x1000x128xf32, #tpu.memory_space<vmem>>, %arg5: memref<1x1000x128xf32, #tpu.memory_space<vmem>>, %arg6: memref<1x1000x128xf32, #tpu.memory_space<vmem>>, %arg7: memref<1x1x1x1000xf32, #tpu.memory_space<vmem>>, %arg8: memref<1x256xf32, #tpu.memory_space<vmem>>, %arg9: memref<256x128xf32, #tpu.memory_space<vmem>>, %arg10: memref<1x1000x128xf32, #tpu.memory_space<vmem>>) attributes {dimension_semantics = [#tpu.dimension_semantics<arbitrary>, #tpu.dimension_semantics<arbitrary>, #tpu.dimension_semantics<arbitrary>], iteration_bounds = array<i64: 2, 2, 10>, scalar_prefetch = 0 : i64, scratch_operands = 0 : i64, tpu.core_type = #tpu.core_type<tc>, window_params = [{transform_indices = @transform_0, window_bounds = array<i64: 1, 1000, 128>}, {transform_indices = @transform_1, window_bounds = array<i64: 1, 1000, 128>}, {transform_indices = @transform_2, window_bounds = array<i64: 1, 1000, 128>}, {transform_indices = @transform_3, window_bounds = array<i64: 1, 1000, 128>}, {transform_indices = @transform_4, window_bounds = array<i64: 1, 1, 1, 1000>}, {pipeline_mode = #tpu.pipeline_mode<synchronous>, transform_indices = @transform_5, window_bounds = array<i64: 1, 256>}, {transform_indices = @transform_6, window_bounds = array<i64: 256, 128>}, {transform_indices = @transform_7, window_bounds = array<i64: 1, 1000, 128>}]} {
    %get3A = arith.constant 0 : index
    %get3A_0 = arith.constant 0 : index
    %get3A_1 = arith.constant 0 : index
    %get3A_2 = arith.constant 0 : index
    %get3A_3 = vector.load %arg7[%get3A, %get3A_0, %get3A_1, %get3A_2] : memref<1x1x1x1000xf32, #tpu.memory_space<vmem>>, vector<1x1x1x1000xf32>
    %get3A_4 = vector.shape_cast %get3A_3 : vector<1x1x1x1000xf32> to vector<1000xf32>
    %add3A = arith.constant 1.000000e+00 : f32
    %add3A_5 = vector.broadcast %add3A : f32 to vector<1000xf32>
    %add3A_6 = arith.addf %get3A_4, %add3A_5 : vector<1000xf32>
    %max3A = arith.constant 9.99999996E-13 : f32
    %max3A_7 = vector.broadcast %max3A : f32 to vector<1000xf32>
    %max3A_8 = arith.maximumf %add3A_6, %max3A_7 : vector<1000xf32>
    %rsqrt3A = math.rsqrt %max3A_8 : vector<1000xf32>
    %get3A_9 = arith.constant 0 : index
    %get3A_10 = arith.constant 0 : index
    %get3A_11 = arith.constant 0 : index
    %get3A_12 = vector.load %arg3[%get3A_9, %get3A_10, %get3A_11] : memref<1x1000x128xf32, #tpu.memory_space<vmem>>, vector<1x1000x128xf32>
    %get3A_13 = vector.shape_cast %get3A_12 : vector<1x1000x128xf32> to vector<1000x128xf32>
    %get3A_14 = arith.constant 0 : index
    %get3A_15 = arith.constant 0 : index
    %get3A_16 = arith.constant 0 : index
    %get3A_17 = vector.load %arg5[%get3A_14, %get3A_15, %get3A_16] : memref<1x1000x128xf32, #tpu.memory_space<vmem>>, vector<1x1000x128xf32>
    %get3A_18 = vector.shape_cast %get3A_17 : vector<1x1000x128xf32> to vector<1000x128xf32>
    %add3A_19 = arith.addf %get3A_13, %get3A_18 : vector<1000x128xf32>
    %get3A_20 = arith.constant 0 : index
    %get3A_21 = arith.constant 0 : index
    %get3A_22 = arith.constant 0 : index
    %get3A_23 = vector.load %arg4[%get3A_20, %get3A_21, %get3A_22] : memref<1x1000x128xf32, #tpu.memory_space<vmem>>, vector<1x1000x128xf32>
    %get3A_24 = vector.shape_cast %get3A_23 : vector<1x1000x128xf32> to vector<1000x128xf32>
    %get3A_25 = arith.constant 0 : index
    %get3A_26 = arith.constant 0 : index
    %get3A_27 = arith.constant 0 : index
    %get3A_28 = vector.load %arg6[%get3A_25, %get3A_26, %get3A_27] : memref<1x1000x128xf32, #tpu.memory_space<vmem>>, vector<1x1000x128xf32>
    %get3A_29 = vector.shape_cast %get3A_28 : vector<1x1000x128xf32> to vector<1000x128xf32>
    %add3A_30 = arith.addf %get3A_24, %get3A_29 : vector<1000x128xf32>
    %concatenate3A = tpu.concatenate %add3A_19, %add3A_30 in 1 : vector<1000x128xf32>, vector<1000x128xf32> -> vector<1000x256xf32>
    %broadcast_in_dim3A = vector.shape_cast %rsqrt3A : vector<1000xf32> to vector<1000x1xf32>
    %mul3A = vector.broadcast %broadcast_in_dim3A : vector<1000x1xf32> to vector<1000x256xf32>
    %mul3A_31 = arith.mulf %mul3A, %concatenate3A : vector<1000x256xf32>
    %get3A_32 = arith.constant 0 : index
    %get3A_33 = arith.constant 0 : index
    %get3A_34 = vector.load %arg8[%get3A_32, %get3A_33] : memref<1x256xf32, #tpu.memory_space<vmem>>, vector<1x256xf32>
    %get3A_35 = vector.shape_cast %get3A_34 : vector<1x256xf32> to vector<256xf32>
    %broadcast_in_dim3A_36 = vector.shape_cast %get3A_35 : vector<256xf32> to vector<1x256xf32>
    %add3A_37 = vector.broadcast %broadcast_in_dim3A_36 : vector<1x256xf32> to vector<1000x256xf32>
    %add3A_38 = arith.addf %mul3A_31, %add3A_37 : vector<1000x256xf32>
    %max3A_39 = arith.constant 0.000000e+00 : f32
    %max3A_40 = vector.broadcast %max3A_39 : f32 to vector<1000x256xf32>
    %max3A_41 = arith.maximumf %add3A_38, %max3A_40 : vector<1000x256xf32>
    %broadcast_in_dim3A_42 = vector.shape_cast %rsqrt3A : vector<1000xf32> to vector<1000x1xf32>
    %get3A_43 = arith.constant 0 : index
    %get3A_44 = arith.constant 0 : index
    %get3A_45 = vector.load %arg9[%get3A_43, %get3A_44] : memref<256x128xf32, #tpu.memory_space<vmem>>, vector<256x128xf32>
    %dot_general3A = arith.constant dense<0.000000e+00> : vector<1000x128xf32>
    %dot_general3A_46 = tpu.matmul %max3A_41, %get3A_45, %dot_general3A {dimension_numbers = #tpu.dot_dimension_numbers<[1], [0], [0], [1], [0, 0, 1, 1], [], []>, transpose_lhs_hint = false} : vector<1000x256xf32>, vector<256x128xf32>, vector<1000x128xf32> -> vector<1000x128xf32>
    %mul3A_47 = vector.broadcast %broadcast_in_dim3A_42 : vector<1000x1xf32> to vector<1000x128xf32>
    %mul3A_48 = arith.mulf %mul3A_47, %dot_general3A_46 : vector<1000x128xf32>
    %swap3A = arith.constant 0 : index
    %swap3A_49 = arith.constant 0 : index
    %swap3A_50 = arith.constant 0 : index
    %swap3A_51 = vector.load %arg10[%swap3A, %swap3A_49, %swap3A_50] : memref<1x1000x128xf32, #tpu.memory_space<vmem>>, vector<1x1000x128xf32>
    %swap3A_52 = vector.shape_cast %swap3A_51 : vector<1x1000x128xf32> to vector<1000x128xf32>
    %swap3A_53 = vector.shape_cast %mul3A_48 : vector<1000x128xf32> to vector<1x1000x128xf32>
    tpu.vector_store %arg10[%swap3A, %swap3A_49, %swap3A_50], %swap3A_53 {strides = array<i32>} : memref<1x1000x128xf32, #tpu.memory_space<vmem>>, vector<1x1000x128xf32>,
    return
  }
  func.func @transform_0(%arg0: i32, %arg1: i32, %arg2: i32) -> (i32, i32, i32) {
    %c0_i32 = arith.constant 0 : i32
    %c0_i32_0 = arith.constant 0 : i32
    return %arg0, %arg2, %c0_i32 : i32, i32, i32
  }
  func.func @transform_1(%arg0: i32, %arg1: i32, %arg2: i32) -> (i32, i32, i32) {
    %add3A = arith.constant 10 : i32
    %add3A_0 = arith.addi %add3A, %arg2 : i32
    %c0_i32 = arith.constant 0 : i32
    %c0_i32_1 = arith.constant 0 : i32
    return %arg0, %add3A_0, %c0_i32 : i32, i32, i32
  }
  func.func @transform_2(%arg0: i32, %arg1: i32, %arg2: i32) -> (i32, i32, i32) {
    %c0_i32 = arith.constant 0 : i32
    %c0_i32_0 = arith.constant 0 : i32
    return %arg0, %arg2, %c0_i32 : i32, i32, i32
  }
  func.func @transform_3(%arg0: i32, %arg1: i32, %arg2: i32) -> (i32, i32, i32) {
    %add3A = arith.constant 10 : i32
    %add3A_0 = arith.addi %add3A, %arg2 : i32
    %c0_i32 = arith.constant 0 : i32
    %c0_i32_1 = arith.constant 0 : i32
    return %arg0, %add3A_0, %c0_i32 : i32, i32, i32
  }
  func.func @transform_4(%arg0: i32, %arg1: i32, %arg2: i32) -> (i32, i32, i32, i32) {
    %c0_i32 = arith.constant 0 : i32
    %c0_i32_0 = arith.constant 0 : i32
    %c0_i32_1 = arith.constant 0 : i32
    return %arg0, %arg2, %c0_i32, %c0_i32_0 : i32, i32, i32, i32
  }
  func.func @transform_5(%arg0: i32, %arg1: i32, %arg2: i32) -> (i32, i32) {
    %c0_i32 = arith.constant 0 : i32
    %c0_i32_0 = arith.constant 0 : i32
    %c0_i32_1 = arith.constant 0 : i32
    return %c0_i32, %c0_i32_0 : i32, i32
  }
  func.func @transform_6(%arg0: i32, %arg1: i32, %arg2: i32) -> (i32, i32) {
    %c0_i32 = arith.constant 0 : i32
    %c0_i32_0 = arith.constant 0 : i32
    return %c0_i32, %arg1 : i32, i32
  }
  func.func @transform_7(%arg0: i32, %arg1: i32, %arg2: i32) -> (i32, i32, i32) {
    %mul3A = arith.constant 10 : i32
    %mul3A_0 = arith.muli %arg1, %mul3A : i32
    %add3A = arith.addi %mul3A_0, %arg2 : i32
    %c0_i32 = arith.constant 0 : i32
    %c0_i32_1 = arith.constant 0 : i32
    return %arg0, %add3A, %c0_i32 : i32, i32, i32
  }
}

module attributes {stable_mosaic.version = 14 : i64} {
  func.func @_k3_body(%arg0: i32, %arg1: i32, %arg2: memref<1x1000x128xf32, #tpu.memory_space<vmem>>, %arg3: memref<1x1000x128xf32, #tpu.memory_space<vmem>>, %arg4: memref<1x1000x128xf32, #tpu.memory_space<vmem>>, %arg5: memref<1x1000x128xf32, #tpu.memory_space<vmem>>, %arg6: memref<1x1x1x1000xf32, #tpu.memory_space<vmem>>, %arg7: memref<1x256xf32, #tpu.memory_space<vmem>>, %arg8: memref<1x1x1x1000xi32, #tpu.memory_space<vmem>>, %arg9: memref<1x512x384xf32, #tpu.memory_space<vmem>>) attributes {dimension_semantics = [#tpu.dimension_semantics<arbitrary>, #tpu.dimension_semantics<arbitrary>], iteration_bounds = array<i64: 2, 10>, scalar_prefetch = 0 : i64, scratch_operands = 0 : i64, tpu.core_type = #tpu.core_type<tc>, window_params = [{transform_indices = @transform_0, window_bounds = array<i64: 1, 1000, 128>}, {transform_indices = @transform_1, window_bounds = array<i64: 1, 1000, 128>}, {transform_indices = @transform_2, window_bounds = array<i64: 1, 1000, 128>}, {transform_indices = @transform_3, window_bounds = array<i64: 1, 1000, 128>}, {transform_indices = @transform_4, window_bounds = array<i64: 1, 1, 1, 1000>}, {pipeline_mode = #tpu.pipeline_mode<synchronous>, transform_indices = @transform_5, window_bounds = array<i64: 1, 256>}, {transform_indices = @transform_6, window_bounds = array<i64: 1, 1, 1, 1000>}, {transform_indices = @transform_7, window_bounds = array<i64: 1, 512, 384>}]} {
    %get3A = arith.constant 0 : index
    %get3A_0 = arith.constant 0 : index
    %get3A_1 = arith.constant 0 : index
    %get3A_2 = arith.constant 0 : index
    %get3A_3 = vector.load %arg6[%get3A, %get3A_0, %get3A_1, %get3A_2] : memref<1x1x1x1000xf32, #tpu.memory_space<vmem>>, vector<1x1x1x1000xf32>
    %get3A_4 = vector.shape_cast %get3A_3 : vector<1x1x1x1000xf32> to vector<1000xf32>
    %add3A = arith.constant 1.000000e+00 : f32
    %add3A_5 = vector.broadcast %add3A : f32 to vector<1000xf32>
    %add3A_6 = arith.addf %get3A_4, %add3A_5 : vector<1000xf32>
    %max3A = arith.constant 9.99999996E-13 : f32
    %max3A_7 = vector.broadcast %max3A : f32 to vector<1000xf32>
    %max3A_8 = arith.maximumf %add3A_6, %max3A_7 : vector<1000xf32>
    %rsqrt3A = math.rsqrt %max3A_8 : vector<1000xf32>
    %get3A_9 = arith.constant 0 : index
    %get3A_10 = arith.constant 0 : index
    %get3A_11 = arith.constant 0 : index
    %get3A_12 = vector.load %arg2[%get3A_9, %get3A_10, %get3A_11] : memref<1x1000x128xf32, #tpu.memory_space<vmem>>, vector<1x1000x128xf32>
    %get3A_13 = vector.shape_cast %get3A_12 : vector<1x1000x128xf32> to vector<1000x128xf32>
    %get3A_14 = arith.constant 0 : index
    %get3A_15 = arith.constant 0 : index
    %get3A_16 = arith.constant 0 : index
    %get3A_17 = vector.load %arg4[%get3A_14, %get3A_15, %get3A_16] : memref<1x1000x128xf32, #tpu.memory_space<vmem>>, vector<1x1000x128xf32>
    %get3A_18 = vector.shape_cast %get3A_17 : vector<1x1000x128xf32> to vector<1000x128xf32>
    %add3A_19 = arith.addf %get3A_13, %get3A_18 : vector<1000x128xf32>
    %get3A_20 = arith.constant 0 : index
    %get3A_21 = arith.constant 0 : index
    %get3A_22 = arith.constant 0 : index
    %get3A_23 = vector.load %arg3[%get3A_20, %get3A_21, %get3A_22] : memref<1x1000x128xf32, #tpu.memory_space<vmem>>, vector<1x1000x128xf32>
    %get3A_24 = vector.shape_cast %get3A_23 : vector<1x1000x128xf32> to vector<1000x128xf32>
    %get3A_25 = arith.constant 0 : index
    %get3A_26 = arith.constant 0 : index
    %get3A_27 = arith.constant 0 : index
    %get3A_28 = vector.load %arg5[%get3A_25, %get3A_26, %get3A_27] : memref<1x1000x128xf32, #tpu.memory_space<vmem>>, vector<1x1000x128xf32>
    %get3A_29 = vector.shape_cast %get3A_28 : vector<1x1000x128xf32> to vector<1000x128xf32>
    %add3A_30 = arith.addf %get3A_24, %get3A_29 : vector<1000x128xf32>
    %concatenate3A = tpu.concatenate %add3A_19, %add3A_30 in 1 : vector<1000x128xf32>, vector<1000x128xf32> -> vector<1000x256xf32>
    %broadcast_in_dim3A = vector.shape_cast %rsqrt3A : vector<1000xf32> to vector<1000x1xf32>
    %mul3A = vector.broadcast %broadcast_in_dim3A : vector<1000x1xf32> to vector<1000x256xf32>
    %mul3A_31 = arith.mulf %mul3A, %concatenate3A : vector<1000x256xf32>
    %get3A_32 = arith.constant 0 : index
    %get3A_33 = arith.constant 0 : index
    %get3A_34 = vector.load %arg7[%get3A_32, %get3A_33] : memref<1x256xf32, #tpu.memory_space<vmem>>, vector<1x256xf32>
    %get3A_35 = vector.shape_cast %get3A_34 : vector<1x256xf32> to vector<256xf32>
    %broadcast_in_dim3A_36 = vector.shape_cast %get3A_35 : vector<256xf32> to vector<1x256xf32>
    %add3A_37 = vector.broadcast %broadcast_in_dim3A_36 : vector<1x256xf32> to vector<1000x256xf32>
    %add3A_38 = arith.addf %mul3A_31, %add3A_37 : vector<1000x256xf32>
    %max3A_39 = arith.constant 0.000000e+00 : f32
    %max3A_40 = vector.broadcast %max3A_39 : f32 to vector<1000x256xf32>
    %max3A_41 = arith.maximumf %add3A_38, %max3A_40 : vector<1000x256xf32>
    %get3A_42 = arith.constant 0 : index
    %get3A_43 = arith.constant 0 : index
    %get3A_44 = arith.constant 0 : index
    %get3A_45 = arith.constant 0 : index
    %get3A_46 = vector.load %arg8[%get3A_42, %get3A_43, %get3A_44, %get3A_45] : memref<1x1x1x1000xi32, #tpu.memory_space<vmem>>, vector<1x1x1x1000xi32>
    %get3A_47 = vector.shape_cast %get3A_46 : vector<1x1x1x1000xi32> to vector<1000xi32>
    %iota3A = tpu.iota {dimensions = array<i32: 0>} : vector<512x1000xi32>
    %broadcast_in_dim3A_48 = vector.shape_cast %get3A_47 : vector<1000xi32> to vector<1x1000xi32>
    %eq3A = vector.broadcast %broadcast_in_dim3A_48 : vector<1x1000xi32> to vector<512x1000xi32>
    %eq3A_49 = arith.cmpi eq, %iota3A, %eq3A : vector<512x1000xi32>
    %convert_element_type3A = arith.extui %eq3A_49 : vector<512x1000xi1> to vector<512x1000xi32>
    %convert_element_type3A_50 = arith.sitofp %convert_element_type3A : vector<512x1000xi32> to vector<512x1000xf32>
    %dot_general3A = arith.constant dense<0.000000e+00> : vector<512x256xf32>
    %dot_general3A_51 = tpu.matmul %convert_element_type3A_50, %max3A_41, %dot_general3A {dimension_numbers = #tpu.dot_dimension_numbers<[1], [0], [0], [1], [0, 0, 1, 1], [], []>, transpose_lhs_hint = false} : vector<512x1000xf32>, vector<1000x256xf32>, vector<512x256xf32> -> vector<512x256xf32>
    %broadcast_in_dim3A_52 = arith.constant 1.000000e+00 : f32
    %broadcast_in_dim3A_53 = vector.broadcast %broadcast_in_dim3A_52 : f32 to vector<1000x128xf32>
    %dot_general3A_54 = arith.constant dense<0.000000e+00> : vector<512x128xf32>
    %dot_general3A_55 = tpu.matmul %convert_element_type3A_50, %broadcast_in_dim3A_53, %dot_general3A_54 {dimension_numbers = #tpu.dot_dimension_numbers<[1], [0], [0], [1], [0, 0, 1, 1], [], []>, transpose_lhs_hint = false} : vector<512x1000xf32>, vector<1000x128xf32>, vector<512x128xf32> -> vector<512x128xf32>
    %concatenate3A_56 = tpu.concatenate %dot_general3A_51, %dot_general3A_55 in 1 : vector<512x256xf32>, vector<512x128xf32> -> vector<512x384xf32>
    %eq3A_57 = arith.constant 0 : i32
    %eq3A_58 = arith.cmpi eq, %arg1, %eq3A_57 : i32
    %convert_element_type3A_59 = arith.extui %eq3A_58 : i1 to i32
    %cond3A = arith.constant 0 : i32
    %cond3A_60 = arith.cmpi ne, %convert_element_type3A_59, %cond3A : i32
    scf.if %cond3A_60 {
      %swap3A = arith.constant 0 : index
      %swap3A_65 = arith.constant 0 : index
      %swap3A_66 = arith.constant 0 : index
      %swap3A_67 = vector.load %arg9[%swap3A, %swap3A_65, %swap3A_66] : memref<1x512x384xf32, #tpu.memory_space<vmem>>, vector<1x512x384xf32>
      %swap3A_68 = vector.shape_cast %swap3A_67 : vector<1x512x384xf32> to vector<512x384xf32>
      %swap3A_69 = vector.shape_cast %concatenate3A_56 : vector<512x384xf32> to vector<1x512x384xf32>
      tpu.vector_store %arg9[%swap3A, %swap3A_65, %swap3A_66], %swap3A_69 {strides = array<i32>} : memref<1x512x384xf32, #tpu.memory_space<vmem>>, vector<1x512x384xf32>,
    } else {
    }
    %ne3A = arith.constant 0 : i32
    %ne3A_61 = arith.cmpi ne, %arg1, %ne3A : i32
    %convert_element_type3A_62 = arith.extui %ne3A_61 : i1 to i32
    %cond3A_63 = arith.constant 0 : i32
    %cond3A_64 = arith.cmpi ne, %convert_element_type3A_62, %cond3A_63 : i32
    scf.if %cond3A_64 {
      %get3A_65 = arith.constant 0 : index
      %get3A_66 = arith.constant 0 : index
      %get3A_67 = arith.constant 0 : index
      %get3A_68 = vector.load %arg9[%get3A_65, %get3A_66, %get3A_67] : memref<1x512x384xf32, #tpu.memory_space<vmem>>, vector<1x512x384xf32>
      %get3A_69 = vector.shape_cast %get3A_68 : vector<1x512x384xf32> to vector<512x384xf32>
      %add3A_70 = arith.addf %get3A_69, %concatenate3A_56 : vector<512x384xf32>
      %swap3A = arith.constant 0 : index
      %swap3A_71 = arith.constant 0 : index
      %swap3A_72 = arith.constant 0 : index
      %swap3A_73 = vector.load %arg9[%swap3A, %swap3A_71, %swap3A_72] : memref<1x512x384xf32, #tpu.memory_space<vmem>>, vector<1x512x384xf32>
      %swap3A_74 = vector.shape_cast %swap3A_73 : vector<1x512x384xf32> to vector<512x384xf32>
      %swap3A_75 = vector.shape_cast %add3A_70 : vector<512x384xf32> to vector<1x512x384xf32>
      tpu.vector_store %arg9[%swap3A, %swap3A_71, %swap3A_72], %swap3A_75 {strides = array<i32>} : memref<1x512x384xf32, #tpu.memory_space<vmem>>, vector<1x512x384xf32>,
    } else {
    }
    return
  }
  func.func @transform_0(%arg0: i32, %arg1: i32) -> (i32, i32, i32) {
    %c0_i32 = arith.constant 0 : i32
    %c0_i32_0 = arith.constant 0 : i32
    return %arg0, %arg1, %c0_i32 : i32, i32, i32
  }
  func.func @transform_1(%arg0: i32, %arg1: i32) -> (i32, i32, i32) {
    %add3A = arith.constant 10 : i32
    %add3A_0 = arith.addi %add3A, %arg1 : i32
    %c0_i32 = arith.constant 0 : i32
    %c0_i32_1 = arith.constant 0 : i32
    return %arg0, %add3A_0, %c0_i32 : i32, i32, i32
  }
  func.func @transform_2(%arg0: i32, %arg1: i32) -> (i32, i32, i32) {
    %c0_i32 = arith.constant 0 : i32
    %c0_i32_0 = arith.constant 0 : i32
    return %arg0, %arg1, %c0_i32 : i32, i32, i32
  }
  func.func @transform_3(%arg0: i32, %arg1: i32) -> (i32, i32, i32) {
    %add3A = arith.constant 10 : i32
    %add3A_0 = arith.addi %add3A, %arg1 : i32
    %c0_i32 = arith.constant 0 : i32
    %c0_i32_1 = arith.constant 0 : i32
    return %arg0, %add3A_0, %c0_i32 : i32, i32, i32
  }
  func.func @transform_4(%arg0: i32, %arg1: i32) -> (i32, i32, i32, i32) {
    %c0_i32 = arith.constant 0 : i32
    %c0_i32_0 = arith.constant 0 : i32
    %c0_i32_1 = arith.constant 0 : i32
    return %arg0, %arg1, %c0_i32, %c0_i32_0 : i32, i32, i32, i32
  }
  func.func @transform_5(%arg0: i32, %arg1: i32) -> (i32, i32) {
    %c0_i32 = arith.constant 0 : i32
    %c0_i32_0 = arith.constant 0 : i32
    %c0_i32_1 = arith.constant 0 : i32
    return %c0_i32, %c0_i32_0 : i32, i32
  }
  func.func @transform_6(%arg0: i32, %arg1: i32) -> (i32, i32, i32, i32) {
    %c0_i32 = arith.constant 0 : i32
    %c0_i32_0 = arith.constant 0 : i32
    %c0_i32_1 = arith.constant 0 : i32
    return %arg0, %arg1, %c0_i32, %c0_i32_0 : i32, i32, i32, i32
  }
  func.func @transform_7(%arg0: i32, %arg1: i32) -> (i32, i32, i32) {
    %c0_i32 = arith.constant 0 : i32
    %c0_i32_0 = arith.constant 0 : i32
    %c0_i32_1 = arith.constant 0 : i32
    return %arg0, %c0_i32, %c0_i32_0 : i32, i32, i32
  }
}

module attributes {stable_mosaic.version = 14 : i64} {
  func.func @_k4_body(%arg0: memref<2x512x384xf32, #tpu.memory_space<vmem>>, %arg1: memref<2x512x128xf32, #tpu.memory_space<vmem>>, %arg2: memref<256x256xf32, #tpu.memory_space<vmem>>, %arg3: memref<1x256xf32, #tpu.memory_space<vmem>>, %arg4: memref<128x256xf32, #tpu.memory_space<vmem>>, %arg5: memref<1x256xf32, #tpu.memory_space<vmem>>, %arg6: memref<256x256xf32, #tpu.memory_space<vmem>>, %arg7: memref<1x256xf32, #tpu.memory_space<vmem>>, %arg8: memref<512x512xf32, #tpu.memory_space<vmem>>, %arg9: memref<1x512xf32, #tpu.memory_space<vmem>>, %arg10: memref<512x512xf32, #tpu.memory_space<vmem>>, %arg11: memref<1x512xf32, #tpu.memory_space<vmem>>, %arg12: memref<512x128xf32, #tpu.memory_space<vmem>>, %arg13: memref<1x128xf32, #tpu.memory_space<vmem>>, %arg14: memref<512x128xf32, #tpu.memory_space<vmem>>) attributes {dimension_semantics = [], scalar_prefetch = 0 : i64, scratch_operands = 0 : i64, tpu.core_type = #tpu.core_type<tc>} {
    %get3A = arith.constant 0 : index
    %get3A_0 = arith.constant 0 : index
    %get3A_1 = arith.constant 0 : index
    %get3A_2 = vector.load %arg0[%get3A, %get3A_0, %get3A_1] : memref<2x512x384xf32, #tpu.memory_space<vmem>>, vector<1x512x384xf32>
    %get3A_3 = vector.shape_cast %get3A_2 : vector<1x512x384xf32> to vector<512x384xf32>
    %slice3A = vector.extract_strided_slice %get3A_3 {offsets = [0, 0], sizes = [512, 256], strides = [1, 1]} : vector<512x384xf32> to vector<512x256xf32>
    %slice3A_4 = vector.extract_strided_slice %get3A_3 {offsets = [0, 256], sizes = [512, 1], strides = [1, 1]} : vector<512x384xf32> to vector<512x1xf32>
    %max3A = arith.constant 1.000000e+00 : f32
    %max3A_5 = vector.broadcast %max3A : f32 to vector<512x1xf32>
    %max3A_6 = arith.maximumf %slice3A_4, %max3A_5 : vector<512x1xf32>
    %div3A = vector.broadcast %max3A_6 : vector<512x1xf32> to vector<512x256xf32>
    %div3A_7 = arith.divf %slice3A, %div3A : vector<512x256xf32>
    %get3A_8 = arith.constant 0 : index
    %get3A_9 = arith.constant 0 : index
    %get3A_10 = vector.load %arg2[%get3A_8, %get3A_9] : memref<256x256xf32, #tpu.memory_space<vmem>>, vector<256x256xf32>
    %dot_general3A = arith.constant dense<0.000000e+00> : vector<512x256xf32>
    %dot_general3A_11 = tpu.matmul %div3A_7, %get3A_10, %dot_general3A {dimension_numbers = #tpu.dot_dimension_numbers<[1], [0], [0], [1], [0, 0, 1, 1], [], []>, transpose_lhs_hint = false} : vector<512x256xf32>, vector<256x256xf32>, vector<512x256xf32> -> vector<512x256xf32>
    %get3A_12 = arith.constant 0 : index
    %get3A_13 = arith.constant 0 : index
    %get3A_14 = vector.load %arg3[%get3A_12, %get3A_13] : memref<1x256xf32, #tpu.memory_space<vmem>>, vector<1x256xf32>
    %get3A_15 = vector.shape_cast %get3A_14 : vector<1x256xf32> to vector<256xf32>
    %broadcast_in_dim3A = vector.shape_cast %get3A_15 : vector<256xf32> to vector<1x256xf32>
    %add3A = vector.broadcast %broadcast_in_dim3A : vector<1x256xf32> to vector<512x256xf32>
    %add3A_16 = arith.addf %dot_general3A_11, %add3A : vector<512x256xf32>
    %get3A_17 = arith.constant 0 : index
    %get3A_18 = arith.constant 0 : index
    %get3A_19 = arith.constant 0 : index
    %get3A_20 = vector.load %arg1[%get3A_17, %get3A_18, %get3A_19] : memref<2x512x128xf32, #tpu.memory_space<vmem>>, vector<1x512x128xf32>
    %get3A_21 = vector.shape_cast %get3A_20 : vector<1x512x128xf32> to vector<512x128xf32>
    %max3A_22 = arith.constant 0.000000e+00 : f32
    %max3A_23 = vector.broadcast %max3A_22 : f32 to vector<512x128xf32>
    %max3A_24 = arith.maximumf %get3A_21, %max3A_23 : vector<512x128xf32>
    %get3A_25 = arith.constant 0 : index
    %get3A_26 = arith.constant 0 : index
    %get3A_27 = vector.load %arg4[%get3A_25, %get3A_26] : memref<128x256xf32, #tpu.memory_space<vmem>>, vector<128x256xf32>
    %dot_general3A_28 = arith.constant dense<0.000000e+00> : vector<512x256xf32>
    %dot_general3A_29 = tpu.matmul %max3A_24, %get3A_27, %dot_general3A_28 {dimension_numbers = #tpu.dot_dimension_numbers<[1], [0], [0], [1], [0, 0, 1, 1], [], []>, transpose_lhs_hint = false} : vector<512x128xf32>, vector<128x256xf32>, vector<512x256xf32> -> vector<512x256xf32>
    %get3A_30 = arith.constant 0 : index
    %get3A_31 = arith.constant 0 : index
    %get3A_32 = vector.load %arg5[%get3A_30, %get3A_31] : memref<1x256xf32, #tpu.memory_space<vmem>>, vector<1x256xf32>
    %get3A_33 = vector.shape_cast %get3A_32 : vector<1x256xf32> to vector<256xf32>
    %broadcast_in_dim3A_34 = vector.shape_cast %get3A_33 : vector<256xf32> to vector<1x256xf32>
    %add3A_35 = vector.broadcast %broadcast_in_dim3A_34 : vector<1x256xf32> to vector<512x256xf32>
    %add3A_36 = arith.addf %dot_general3A_29, %add3A_35 : vector<512x256xf32>
    %max3A_37 = arith.constant 0.000000e+00 : f32
    %max3A_38 = vector.broadcast %max3A_37 : f32 to vector<512x256xf32>
    %max3A_39 = arith.maximumf %add3A_36, %max3A_38 : vector<512x256xf32>
    %get3A_40 = arith.constant 0 : index
    %get3A_41 = arith.constant 0 : index
    %get3A_42 = vector.load %arg6[%get3A_40, %get3A_41] : memref<256x256xf32, #tpu.memory_space<vmem>>, vector<256x256xf32>
    %dot_general3A_43 = arith.constant dense<0.000000e+00> : vector<512x256xf32>
    %dot_general3A_44 = tpu.matmul %max3A_39, %get3A_42, %dot_general3A_43 {dimension_numbers = #tpu.dot_dimension_numbers<[1], [0], [0], [1], [0, 0, 1, 1], [], []>, transpose_lhs_hint = false} : vector<512x256xf32>, vector<256x256xf32>, vector<512x256xf32> -> vector<512x256xf32>
    %get3A_45 = arith.constant 0 : index
    %get3A_46 = arith.constant 0 : index
    %get3A_47 = vector.load %arg7[%get3A_45, %get3A_46] : memref<1x256xf32, #tpu.memory_space<vmem>>, vector<1x256xf32>
    %get3A_48 = vector.shape_cast %get3A_47 : vector<1x256xf32> to vector<256xf32>
    %broadcast_in_dim3A_49 = vector.shape_cast %get3A_48 : vector<256xf32> to vector<1x256xf32>
    %add3A_50 = vector.broadcast %broadcast_in_dim3A_49 : vector<1x256xf32> to vector<512x256xf32>
    %add3A_51 = arith.addf %dot_general3A_44, %add3A_50 : vector<512x256xf32>
    %max3A_52 = arith.constant 0.000000e+00 : f32
    %max3A_53 = vector.broadcast %max3A_52 : f32 to vector<512x256xf32>
    %max3A_54 = arith.maximumf %add3A_51, %max3A_53 : vector<512x256xf32>
    %concatenate3A = tpu.concatenate %add3A_16, %max3A_54 in 1 : vector<512x256xf32>, vector<512x256xf32> -> vector<512x512xf32>
    %get3A_55 = arith.constant 1 : index
    %get3A_56 = arith.constant 0 : index
    %get3A_57 = arith.constant 0 : index
    %get3A_58 = vector.load %arg0[%get3A_55, %get3A_56, %get3A_57] : memref<2x512x384xf32, #tpu.memory_space<vmem>>, vector<1x512x384xf32>
    %get3A_59 = vector.shape_cast %get3A_58 : vector<1x512x384xf32> to vector<512x384xf32>
    %slice3A_60 = vector.extract_strided_slice %get3A_59 {offsets = [0, 0], sizes = [512, 256], strides = [1, 1]} : vector<512x384xf32> to vector<512x256xf32>
    %slice3A_61 = vector.extract_strided_slice %get3A_59 {offsets = [0, 256], sizes = [512, 1], strides = [1, 1]} : vector<512x384xf32> to vector<512x1xf32>
    %max3A_62 = arith.constant 1.000000e+00 : f32
    %max3A_63 = vector.broadcast %max3A_62 : f32 to vector<512x1xf32>
    %max3A_64 = arith.maximumf %slice3A_61, %max3A_63 : vector<512x1xf32>
    %div3A_65 = vector.broadcast %max3A_64 : vector<512x1xf32> to vector<512x256xf32>
    %div3A_66 = arith.divf %slice3A_60, %div3A_65 : vector<512x256xf32>
    %get3A_67 = arith.constant 0 : index
    %get3A_68 = arith.constant 0 : index
    %get3A_69 = vector.load %arg2[%get3A_67, %get3A_68] : memref<256x256xf32, #tpu.memory_space<vmem>>, vector<256x256xf32>
    %dot_general3A_70 = arith.constant dense<0.000000e+00> : vector<512x256xf32>
    %dot_general3A_71 = tpu.matmul %div3A_66, %get3A_69, %dot_general3A_70 {dimension_numbers = #tpu.dot_dimension_numbers<[1], [0], [0], [1], [0, 0, 1, 1], [], []>, transpose_lhs_hint = false} : vector<512x256xf32>, vector<256x256xf32>, vector<512x256xf32> -> vector<512x256xf32>
    %get3A_72 = arith.constant 0 : index
    %get3A_73 = arith.constant 0 : index
    %get3A_74 = vector.load %arg3[%get3A_72, %get3A_73] : memref<1x256xf32, #tpu.memory_space<vmem>>, vector<1x256xf32>
    %get3A_75 = vector.shape_cast %get3A_74 : vector<1x256xf32> to vector<256xf32>
    %broadcast_in_dim3A_76 = vector.shape_cast %get3A_75 : vector<256xf32> to vector<1x256xf32>
    %add3A_77 = vector.broadcast %broadcast_in_dim3A_76 : vector<1x256xf32> to vector<512x256xf32>
    %add3A_78 = arith.addf %dot_general3A_71, %add3A_77 : vector<512x256xf32>
    %get3A_79 = arith.constant 1 : index
    %get3A_80 = arith.constant 0 : index
    %get3A_81 = arith.constant 0 : index
    %get3A_82 = vector.load %arg1[%get3A_79, %get3A_80, %get3A_81] : memref<2x512x128xf32, #tpu.memory_space<vmem>>, vector<1x512x128xf32>
    %get3A_83 = vector.shape_cast %get3A_82 : vector<1x512x128xf32> to vector<512x128xf32>
    %max3A_84 = arith.constant 0.000000e+00 : f32
    %max3A_85 = vector.broadcast %max3A_84 : f32 to vector<512x128xf32>
    %max3A_86 = arith.maximumf %get3A_83, %max3A_85 : vector<512x128xf32>
    %get3A_87 = arith.constant 0 : index
    %get3A_88 = arith.constant 0 : index
    %get3A_89 = vector.load %arg4[%get3A_87, %get3A_88] : memref<128x256xf32, #tpu.memory_space<vmem>>, vector<128x256xf32>
    %dot_general3A_90 = arith.constant dense<0.000000e+00> : vector<512x256xf32>
    %dot_general3A_91 = tpu.matmul %max3A_86, %get3A_89, %dot_general3A_90 {dimension_numbers = #tpu.dot_dimension_numbers<[1], [0], [0], [1], [0, 0, 1, 1], [], []>, transpose_lhs_hint = false} : vector<512x128xf32>, vector<128x256xf32>, vector<512x256xf32> -> vector<512x256xf32>
    %get3A_92 = arith.constant 0 : index
    %get3A_93 = arith.constant 0 : index
    %get3A_94 = vector.load %arg5[%get3A_92, %get3A_93] : memref<1x256xf32, #tpu.memory_space<vmem>>, vector<1x256xf32>
    %get3A_95 = vector.shape_cast %get3A_94 : vector<1x256xf32> to vector<256xf32>
    %broadcast_in_dim3A_96 = vector.shape_cast %get3A_95 : vector<256xf32> to vector<1x256xf32>
    %add3A_97 = vector.broadcast %broadcast_in_dim3A_96 : vector<1x256xf32> to vector<512x256xf32>
    %add3A_98 = arith.addf %dot_general3A_91, %add3A_97 : vector<512x256xf32>
    %max3A_99 = arith.constant 0.000000e+00 : f32
    %max3A_100 = vector.broadcast %max3A_99 : f32 to vector<512x256xf32>
    %max3A_101 = arith.maximumf %add3A_98, %max3A_100 : vector<512x256xf32>
    %get3A_102 = arith.constant 0 : index
    %get3A_103 = arith.constant 0 : index
    %get3A_104 = vector.load %arg6[%get3A_102, %get3A_103] : memref<256x256xf32, #tpu.memory_space<vmem>>, vector<256x256xf32>
    %dot_general3A_105 = arith.constant dense<0.000000e+00> : vector<512x256xf32>
    %dot_general3A_106 = tpu.matmul %max3A_101, %get3A_104, %dot_general3A_105 {dimension_numbers = #tpu.dot_dimension_numbers<[1], [0], [0], [1], [0, 0, 1, 1], [], []>, transpose_lhs_hint = false} : vector<512x256xf32>, vector<256x256xf32>, vector<512x256xf32> -> vector<512x256xf32>
    %get3A_107 = arith.constant 0 : index
    %get3A_108 = arith.constant 0 : index
    %get3A_109 = vector.load %arg7[%get3A_107, %get3A_108] : memref<1x256xf32, #tpu.memory_space<vmem>>, vector<1x256xf32>
    %get3A_110 = vector.shape_cast %get3A_109 : vector<1x256xf32> to vector<256xf32>
    %broadcast_in_dim3A_111 = vector.shape_cast %get3A_110 : vector<256xf32> to vector<1x256xf32>
    %add3A_112 = vector.broadcast %broadcast_in_dim3A_111 : vector<1x256xf32> to vector<512x256xf32>
    %add3A_113 = arith.addf %dot_general3A_106, %add3A_112 : vector<512x256xf32>
    %max3A_114 = arith.constant 0.000000e+00 : f32
    %max3A_115 = vector.broadcast %max3A_114 : f32 to vector<512x256xf32>
    %max3A_116 = arith.maximumf %add3A_113, %max3A_115 : vector<512x256xf32>
    %concatenate3A_117 = tpu.concatenate %add3A_78, %max3A_116 in 1 : vector<512x256xf32>, vector<512x256xf32> -> vector<512x512xf32>
    %add3A_118 = arith.addf %concatenate3A, %concatenate3A_117 : vector<512x512xf32>
    %get3A_119 = arith.constant 0 : index
    %get3A_120 = arith.constant 0 : index
    %get3A_121 = vector.load %arg8[%get3A_119, %get3A_120] : memref<512x512xf32, #tpu.memory_space<vmem>>, vector<512x512xf32>
    %dot_general3A_122 = arith.constant dense<0.000000e+00> : vector<512x512xf32>
    %dot_general3A_123 = tpu.matmul %add3A_118, %get3A_121, %dot_general3A_122 {dimension_numbers = #tpu.dot_dimension_numbers<[1], [0], [0], [1], [0, 0, 1, 1], [], []>, transpose_lhs_hint = false} : vector<512x512xf32>, vector<512x512xf32>, vector<512x512xf32> -> vector<512x512xf32>
    %get3A_124 = arith.constant 0 : index
    %get3A_125 = arith.constant 0 : index
    %get3A_126 = vector.load %arg9[%get3A_124, %get3A_125] : memref<1x512xf32, #tpu.memory_space<vmem>>, vector<1x512xf32>
    %get3A_127 = vector.shape_cast %get3A_126 : vector<1x512xf32> to vector<512xf32>
    %broadcast_in_dim3A_128 = vector.shape_cast %get3A_127 : vector<512xf32> to vector<1x512xf32>
    %add3A_129 = vector.broadcast %broadcast_in_dim3A_128 : vector<1x512xf32> to vector<512x512xf32>
    %add3A_130 = arith.addf %dot_general3A_123, %add3A_129 : vector<512x512xf32>
    %max3A_131 = arith.constant 0.000000e+00 : f32
    %max3A_132 = vector.broadcast %max3A_131 : f32 to vector<512x512xf32>
    %max3A_133 = arith.maximumf %add3A_130, %max3A_132 : vector<512x512xf32>
    %get3A_134 = arith.constant 0 : index
    %get3A_135 = arith.constant 0 : index
    %get3A_136 = vector.load %arg10[%get3A_134, %get3A_135] : memref<512x512xf32, #tpu.memory_space<vmem>>, vector<512x512xf32>
    %dot_general3A_137 = arith.constant dense<0.000000e+00> : vector<512x512xf32>
    %dot_general3A_138 = tpu.matmul %max3A_133, %get3A_136, %dot_general3A_137 {dimension_numbers = #tpu.dot_dimension_numbers<[1], [0], [0], [1], [0, 0, 1, 1], [], []>, transpose_lhs_hint = false} : vector<512x512xf32>, vector<512x512xf32>, vector<512x512xf32> -> vector<512x512xf32>
    %get3A_139 = arith.constant 0 : index
    %get3A_140 = arith.constant 0 : index
    %get3A_141 = vector.load %arg11[%get3A_139, %get3A_140] : memref<1x512xf32, #tpu.memory_space<vmem>>, vector<1x512xf32>
    %get3A_142 = vector.shape_cast %get3A_141 : vector<1x512xf32> to vector<512xf32>
    %broadcast_in_dim3A_143 = vector.shape_cast %get3A_142 : vector<512xf32> to vector<1x512xf32>
    %add3A_144 = vector.broadcast %broadcast_in_dim3A_143 : vector<1x512xf32> to vector<512x512xf32>
    %add3A_145 = arith.addf %dot_general3A_138, %add3A_144 : vector<512x512xf32>
    %max3A_146 = arith.constant 0.000000e+00 : f32
    %max3A_147 = vector.broadcast %max3A_146 : f32 to vector<512x512xf32>
    %max3A_148 = arith.maximumf %add3A_145, %max3A_147 : vector<512x512xf32>
    %get3A_149 = arith.constant 0 : index
    %get3A_150 = arith.constant 0 : index
    %get3A_151 = vector.load %arg12[%get3A_149, %get3A_150] : memref<512x128xf32, #tpu.memory_space<vmem>>, vector<512x128xf32>
    %dot_general3A_152 = arith.constant dense<0.000000e+00> : vector<512x128xf32>
    %dot_general3A_153 = tpu.matmul %max3A_148, %get3A_151, %dot_general3A_152 {dimension_numbers = #tpu.dot_dimension_numbers<[1], [0], [0], [1], [0, 0, 1, 1], [], []>, transpose_lhs_hint = false} : vector<512x512xf32>, vector<512x128xf32>, vector<512x128xf32> -> vector<512x128xf32>
    %get3A_154 = arith.constant 0 : index
    %get3A_155 = arith.constant 0 : index
    %get3A_156 = vector.load %arg13[%get3A_154, %get3A_155] : memref<1x128xf32, #tpu.memory_space<vmem>>, vector<1x128xf32>
    %get3A_157 = vector.shape_cast %get3A_156 : vector<1x128xf32> to vector<128xf32>
    %broadcast_in_dim3A_158 = vector.shape_cast %get3A_157 : vector<128xf32> to vector<1x128xf32>
    %add3A_159 = vector.broadcast %broadcast_in_dim3A_158 : vector<1x128xf32> to vector<512x128xf32>
    %add3A_160 = arith.addf %dot_general3A_153, %add3A_159 : vector<512x128xf32>
    %swap3A = arith.constant 0 : index
    %swap3A_161 = arith.constant 0 : index
    %swap3A_162 = vector.load %arg14[%swap3A, %swap3A_161] : memref<512x128xf32, #tpu.memory_space<vmem>>, vector<512x128xf32>
    tpu.vector_store %arg14[%swap3A, %swap3A_161], %add3A_160 {strides = array<i32>} : memref<512x128xf32, #tpu.memory_space<vmem>>, vector<512x128xf32>,
    return
  }
}

</mosaic_0001>

<sc_bundles>
// kernel: kernel.11.cloned.1.call-start
scs
__scs_entry_jumppad:
0x0: {  	(pc) =	sbr.rel $0x88, $3  }
0x1: {  	(tag) =	ssettag $0x0;
	lr =	simm.s32 $0x1  }
0x2: {  	[smem:$0x3F87] =	sst lr;
	_ =	strace $0xD0000000  }
0x3: {  	_ = 	snop  }
0x4: {  	_ = 	snop  }
0x5: {  	_ = 	snop  }
0x6: {  	_ = 	snop  }
0x7: {  	_ = 	snop  }
__scs_overlays_trampoline_lowered:
0x8: {  	[smem:$0x3F96] =	sst s0  }
0x9: {  	[smem:$0x3F97] =	sst s1  }
0xa: {  	[smem:$0x3F98] =	sst s2  }
0xb: {  	[smem:$0x3F99] =	sst s3  }
0xc: {  	[smem:$0x3F9A] =	sst s4  }
0xd: {  	[smem:$0x3F9B] =	sst s5  }
0xe: {  	[smem:$0x3F9C] =	sst s6  }
0xf: {  	[smem:$0x3F9D] =	sst s7  }
0x10: {  	[smem:$0x3F9E] =	sst s8  }
0x11: {  	[smem:$0x3F9F] =	sst s9;
	s0 =	simm.s32 @!p0 $0x0  }
0x12: {  	s1 =	sld [smem:$0x3F85];
	s0 =	simm.s32 @p0 $0x1  }
0x13: {  	[smem:$0x3FA0] =	sst s0;
	s0 =	simm.s32 @!p1 $0x0  }
0x14: {  	s2 =	sld [smem:$0x3F84];
	s0 =	simm.s32 @p1 $0x1  }
0x15: {  	[smem:$0x3FA1] =	sst s0;
	s0 =	simm.s32 @!p2 $0x0  }
0x16: {  	s3 =	sld [smem:$0x3FDB];
	s0 =	simm.s32 @p2 $0x1  }
0x17: {  	s4 =	simm.s32 $0x1BF5;
	[smem:$0x3FA3] =	sst s0  }
0x18: {  	s0 =	sld [smem:$0x3F86];
	_ =	swait.ge [sflag:s4], $0x0  }
0x19: {  	s7 =	sld [smem:$0x3F87]  }
0x1a: {  	s8 =	sadd.s32 $0xFFFFE003, lr  }
0x1b: {  	s9 =	sadd.s32 $0xFFFFFEF7, lr;
	s5 =	simm.s32 $0xFFFFFFFF;
	p2 =	slt.u32 s8, $0xFFFFF086  }
0x1c: {  	p1 =	slt.u32 s9, $0xF7A;
	s5 =	simm.s32 @!p2 $0x0  }
0x1d: {  	s5 =	simm.s32 @p1 $0x1;
	p0 =	seq.s32 s7, s2  }
0x1e: {  	s7 =	smul.u32 @!p0 $0xF7A, s2;
	p2 =	seq.s32 @!p0 s5, $0x0  }
0x1f: {  	s9 =	smul.u32 $0xF7A, s1;
	s8 =	simm.s32 @!p0 $0x1BF5;
	p2 =	por !p2, p0  }
0x20: {  	[sflag:s8] =	ssyncset.s32 @!p0 $0xFFFFF086;
	s6 =	sadd.s32 @!p0 s3, s7;
	s7 =	simm.s32 @!p0 $0x108  }
0x21: {  	s3 =	sadd.s32 s3, s9;
	s6 =	sadd.s32 @!p0 $0x88, s6;
	s7 =	simm.s32 @p2 $0x1082  }
0x22: {  	[simem:s7], [sflag:s8] =	dma.local @!p0 [hbm:s6], $0xF7A  }
0x23: {  	s9 =	sor.u32 $0xD0000000, s2;
	s6 =	simm.s32 $0x108;
	_ =	swait.ge @!p0 [sflag:s8], $0x0  }
0x24: {  	s3 =	sadd.s32 $0x88, s3;
	s6 =	simm.s32 @!p1 $0x1082;
	[sflag:s4] =	ssyncset.s32 $0xFFFFF086  }
0x25: {  	[simem:s6], [sflag:s4] =	dma.local [hbm:s3], $0xF7A  }
0x26: {  	[smem:$0x3F87] =	sst s1;
	(tag) =	ssettag s2;
	_ =	strace s9  }
0x27: {  	s1 =	sld [smem:$0x3F97]  }
0x28: {  	s2 =	sld [smem:$0x3F98]  }
0x29: {  	s4 =	sld [smem:$0x3F9A]  }
0x2a: {  	p0 =	seq.s32 s5, $0x0;
	s5 =	sld [smem:$0x3F9B]  }
0x2b: {  	s6 =	sld [smem:$0x3F9C]  }
0x2c: {  	s7 =	sld [smem:$0x3F9D]  }
0x2d: {  	s3 =	simm.s32 $0x108;
	s8 =	sld [smem:$0x3F9E]  }
0x2e: {  	s3 =	simm.s32 @!p0 $0x1082;
	s9 =	sld [smem:$0x3F9F]  }
0x2f: {  	lr =	sadd.s32 s0, s3;
	s0 =	sld [smem:$0x3F96]  }
0x30: {  	s3 =	sld [smem:$0x3F99]  }
0x31: {  	[smem:$0x3FA2] =	sst s10  }
0x32: {  	s10 =	sld [smem:$0x3FA0];
	_ =	sdelay $0x3  }
0x33: {  	p0 =	seq.s32 s10, $0x1;
	s10 =	sld [smem:$0x3FA2];
	_ =	sdelay $0x3  }
0x34: {  	[smem:$0x3FA2] =	sst s10  }
0x35: {  	s10 =	sld [smem:$0x3FA1];
	_ =	sdelay $0x3  }
0x36: {  	p1 =	seq.s32 s10, $0x1;
	s10 =	sld [smem:$0x3FA2];
	_ =	sdelay $0x3  }
0x37: {  	[smem:$0x3FA2] =	sst s10  }
0x38: {  	s10 =	sld [smem:$0x3FA3]  }
0x39: {  	_ = 	snop;
	(pc) =	sbr.ind lr, $3  }
0x3a: {  	_ = 	snop  }
0x3b: {  	_ = 	snop  }
0x3c: {  	p2 =	seq.s32 s10, $0x1;
	s10 =	sld [smem:$0x3FA2]  }
0x3d: {  	_ =	shalt  }
0x3e: {  	_ =	shalt  }
0x3f: {  	_ =	shalt  }
0x40: {  	_ =	shalt  }
0x41: {  	_ =	shalt  }
0x42: {  	_ =	shalt  }
0x43: {  	_ =	shalt  }
0x44: {  	_ =	shalt  }
0x45: {  	_ =	shalt  }
0x46: {  	_ =	shalt  }
0x47: {  	_ =	shalt  }
0x48: {  	_ =	shalt  }
0x49: {  	_ =	shalt  }
0x4a: {  	_ =	shalt  }
0x4b: {  	_ =	shalt  }
0x4c: {  	_ =	shalt  }
0x4d: {  	_ =	shalt  }
0x4e: {  	_ =	shalt  }
0x4f: {  	_ =	shalt  }
0x50: {  	_ =	shalt  }
0x51: {  	_ =	shalt  }
0x52: {  	_ =	shalt  }
0x53: {  	_ =	shalt  }
0x54: {  	_ =	shalt  }
0x55: {  	_ =	shalt  }
0x56: {  	_ =	shalt  }
0x57: {  	_ =	shalt  }
0x58: {  	_ =	shalt  }
0x59: {  	_ =	shalt  }
0x5a: {  	_ =	shalt  }
0x5b: {  	_ =	shalt  }
0x5c: {  	_ =	shalt  }
0x5d: {  	_ =	shalt  }
0x5e: {  	_ =	shalt  }
0x5f: {  	_ =	shalt  }
0x60: {  	_ =	shalt  }
0x61: {  	_ =	shalt  }
0x62: {  	_ =	shalt  }
0x63: {  	_ =	shalt  }
0x64: {  	_ =	shalt  }
0x65: {  	_ =	shalt  }
0x66: {  	_ =	shalt  }
0x67: {  	_ =	shalt  }
0x68: {  	_ =	shalt  }
0x69: {  	_ =	shalt  }
0x6a: {  	_ =	shalt  }
0x6b: {  	_ =	shalt  }
0x6c: {  	_ =	shalt  }
0x6d: {  	_ =	shalt  }
0x6e: {  	_ =	shalt  }
0x6f: {  	_ =	shalt  }
0x70: {  	_ =	shalt  }
0x71: {  	_ =	shalt  }
0x72: {  	_ =	shalt  }
0x73: {  	_ =	shalt  }
0x74: {  	_ =	shalt  }
0x75: {  	_ =	shalt  }
0x76: {  	_ =	shalt  }
0x77: {  	_ =	shalt  }
0x78: {  	_ =	shalt  }
0x79: {  	_ =	shalt  }
0x7a: {  	_ =	shalt  }
0x7b: {  	_ =	shalt  }
0x7c: {  	_ =	shalt  }
0x7d: {  	_ =	shalt  }
0x7e: {  	_ =	shalt  }
0x7f: {  	_ =	shalt  }
0x80: {  	_ =	shalt  }
0x81: {  	_ =	shalt  }
0x82: {  	_ =	shalt  }
0x83: {  	_ =	shalt  }
0x84: {  	_ =	shalt  }
0x85: {  	_ =	shalt  }
0x86: {  	_ =	shalt  }
0x87: {  	_ =	shalt  }
.Lfunc_end0:
.L_simem_size_0:
called_computation_lowered:
.L_overlay_start_0:
0x88: {  	s2 =	sld [smem:$0x3FD9]  }
0x89: {  	s3 =	sld [smem:$0x3FFE];
	_ =	sdelay $0x1  }
0x8a: {  	s1 =	srdreg.scid  }
0x8b: {  	s0 =	sand.u32 $0x1, s1  }
0x8c: {  	s17 =	sshll.u32 s0, $0xA;
	s2 =	sadd.s32 s3, s2  }
0x8d: {  	s2 =	sadd.s32 s2, s17  }
0x8e: {  	[smem:$0x3FAE] =	sst s2  }
0x8f: {  	_ = 	snop  }
0x90: {  	s2 =	sld [smem:$0x3FBA]  }
0x91: {  	s18 =	sld [smem:$0x3FD0];
	(tm) =	ssettm $0x1  }
0x92: {  	s4 =	sld [smem:$0x3FFB];
	_ =	sdelay $0x3  }
0x93: {  	_ =	strace s4  }
0x94: {  	s4 =	sld [smem:$0x3FFC];
	_ =	sdelay $0x3  }
0x95: {  	_ =	strace s4  }
0x96: {  	s4 =	sld [smem:$0x3FFD];
	_ =	sdelay $0x3  }
0x97: {  	_ =	strace s4  }
0x98: {  	_ =	strace $0x8FFFFFFF  }
0x99: {  	s19 =	sld [smem:$0x3FDB];
	_ =	sdelay $0x1  }
0x9a: {  	s5 =	simm.s32 $_scs_section_size  }
0x9b: {  	s6 =	simm.s32 $_size__tile_overlayer_lowered;
	s7 =	simm.s32 $_tile_overlayer_lowered  }
0x9c: {  	s22 =	simm.s32 $0x1BFF;
	s21 =	sshll.u32 s7, $0x1;
	s4 =	sadd.s32 s5, s19  }
0x9d: {  	s8 =	simm.s32 $0x0;
	s20 =	sshll.u32 s6, $0x1;
	s6 =	sadd.s32 s21, s4  }
0x9e: {  	[timem:s8], [sflag:s22] =	dma.local [hbm:s6], s20  }
0x9f: {  	_ =	swait.ge [sflag:s22], s20  }
0xa0: {  	s5 =	ssub.s32 $0x0, s20;
	[sflag:s22] =	ssyncset.done $0x0  }
0xa1: {  	[sflag:s22] =	ssyncadd.s32 s5;
	_ =	sdelay $0x1  }
0xa2: {  	s23 =	simm.s32 $0x1B8B  }
0xa3: {  	_ =	swait.ge [sflag:s23], $0x1  }
0xa4: {  	[sflag:s23] =	ssyncset.done $0x0  }
0xa5: {  	s25 =	simm.s32 $0x1B8E;
	s24 =	sld [smem:$0x3FFE];
	[sflag:s23] =	ssyncadd.s32 $0xFFFFFFFF  }
0xa6: {  	s26 =	simm.s32 $execute0_lowered;
	[smem:$0x3FD2] =	sst s25  }
0xa7: {  	s6 =	sshll.u32 s26, $0x1;
	_ =	strace $0x80000046;
	[dreg:$0x1] =	wrdreg $0xFFFFFFFF  }
0xa8: {  	s28 =	simm.s32 $_size_execute0_lowered;
	s4 =	sadd.s32 s4, s6;
	[dreg:$0x0] =	wrdreg $0x0  }
0xa9: {  	s6 =	sshll.u32 s28, $0x1;
	[dreg:$0x2] =	wrdreg s4  }
0xaa: {  	[dreg:$0x3] =	wrdreg s6  }
0xab: {  	[dreg:$0x4] =	wrdreg $0xC0  }
0xac: {  	_ =	task [dreg:s8], $0x5FFFF  }
0xad: {  	[dreg:$0x1] =	wrdreg $0xFFFFFFFF  }
0xae: {  	[dreg:$0x0] =	wrdreg $0x60  }
0xaf: {  	[dreg:$0x2] =	wrdreg s24  }
0xb0: {  	[dreg:$0x3] =	wrdreg s18  }
0xb1: {  	[dreg:$0x4] =	wrdreg s2  }
0xb2: {  	[dreg:$0x5] =	wrdreg $0x39000  }
0xb3: {  	[dreg:$0x6] =	wrdreg $0x9  }
0xb4: {  	_ =	task.clear_ibuf [dreg:s8], $0x7FFFF;
	_ =	strace $0x90000046  }
0xb5: {  	s29 =	simm.s32 $0x9;
	_ =	strace $0x80000048  }
0xb6: {  	_ =	swait.ge [sflag:s29], $0x1  }
0xb7: {  	[sflag:s29] =	ssyncadd.s32 $0xFFFFFFFF  }
0xb8: {  	_ =	strace $0x90000048  }
0xb9: {  	_ =	sfence  }
0xba: {  	s30 =	sld [smem:$0x0];
	_ =	sdelay $0x2  }
0xbb: {  	s31 =	sshll.u32 s1, $0xD;
	s1 =	sshrl.u32 s1, $0x2  }
0xbc: {  	s3 =	sand.u32 $0x4000, s31;
	s1 =	sadd.s32 s1, s30  }
0xbd: {  	s0 =	sor.u32 s3, s0;
	s1 =	sshll.u32 s1, $0x11  }
0xbe: {  	s0 =	sor.u32 s1, s0  }
0xbf: {  	s0 =	sadd.s32 $0x8F2B, s0  }
0xc0: {  	[sflag:s0] =	ssyncadd.remote.s32 $0x1  }
0xc1: {  	_ =	sfence.sel $0xFFFF  }
0xc2: {  	[dreg:$0x0] =	wrdreg $0xFFFFFFFF;
	(pc) =	sbr.abs _section_cstart, $3  }
0xc3: {  	[dreg:$0x1] =	wrdreg $0xFFFFFFFF  }
0xc4: {  	_ =	task.clear_ibuf [dreg:s8], $0x2FFFF;
	_ =	strace $0x9FFFFFFF  }
0xc5: {  	(tm) =	ssettm $0x7FFFFFFF  }
tec
execute0_lowered:
.L_overlay_start_1:
0x0: {  	(tag) =	ssettag $0x1  }
0x1: {  	s7 =	rddreg [dreg:$0x0]  }
0x2: {  	s1 =	rddreg [dreg:$0x1]  }
0x3: {  	s2 =	rddreg [dreg:$0x2]  }
0x4: {  	s3 =	rddreg [dreg:$0x3]  }
0x5: {  	s4 =	srdreg.scid;
	s0 =	rddreg [dreg:$0x4]  }
0x6: {  	s5 =	simm.s32 $0x0;
	s16 =	simm.s32 $0x50;
	s17 =	simm.s32 $0x2880  }
0x7: {  	s18 =	simm.s32 $0x20;
	s19 =	simm.s32 $0x2900;
	s8 =	sand.u32 $0x1, s4  }
0x8: {  	s20 =	simm.s32 $0x1;
	s4 =	stileid.u32;
	s6 =	smul.u32 $0x4E200, s8  }
0x9: {  	s21 =	simm.s32 $0x0;
	[smem:$0x7FF] =	sst s5;
	s9 =	smul.u32 $0x4E20, s4  }
0xa: {  	_ =	strace $0x80000047;
	s10 =	sshll.u32 s8, $0x9;
	s29 =	smul.u32 $0x27100, s8  }
0xb: {  	s11 =	sshll.u32 s4, $0x5;
	s12 =	smul.u32 $0x3E80, s4;
	s8 =	ssub.s32 $0x2, s8  }
0xc: {  	s30 =	smul.u32 $0x7D000, s4;
	p0 =	sgt.u32 s4, $0x9;
	s28 =	sor.u32 s11, s10  }
0xd: {  	s14 =	sshrl.u32 s8, $0x1;
	s6 =	sadd.s32 s9, s6;
	s11 =	sshrl.u32 s28, $0x3  }
0xe: {  	s10 =	sadd.s32 s12, s29;
	s9 =	sshll.u32 s28, $0x4;
	s14 =	ssub.s32 s8, s14  }
0xf: {  	s31 =	sshrl.u32 s30, $0x2;
	s12 =	sshll.u32 @!p0 s4, $0x6;
	s6 =	sshrl.u32 s6, $0x3  }
0x10: {  	s11 =	sadd.s32 s11, s7;
	s10 =	sadd.s32 s10, s7;
	s9 =	sadd.s32 s9, s7  }
0x11: {  	s15 =	sadd.s32 s31, s3;
	s12 =	sor.u32 @!p0 $0x1C02, s12;
	s13 =	sadd.s32 s6, s7  }
0x12: {  	s6 =	sadd.s32 $0x3EE00, s7;
	s7 =	sadd.s32 $0x42E00, s10;
	s8 =	sadd.s32 $0x3EC00, s11  }
0x13: {  	s9 =	sadd.s32 $0x91000, s9;
	s10 =	smax.u32 s14, $0x1;
	s14 =	simm.s32 $0x80  }
0x14: {  	s11 =	sadd.s32 $0x2B200, s13;
	s13 =	sshrl.u32 @!p0 s15, $0x3;
	s15 =	simm.s32 $0x2  }
.LBB2_1:
0x15: {  	[spmem:s13], [sflag:s12] =	dma.local @!p0 [hbm:s6], $0x3E80  }
0x16: {  	s22 =	simm.s32 @!p0 $0x2  }
0x17: {  	_ =	swait.ge @!p0 [sflag:s22], $0x3E80  }
0x18: {  	[sflag:s22] =	ssyncset.done @!p0 $0x0  }
0x19: {  	[sflag:s22] =	ssyncadd.s32 @!p0 $0xFFFFC180  }
0x1a: {  	[tilespmem:s14], [sflag:$0x2] =	stream.linear.gather [hbm4b:s1+s5], $0x2800, $0x38;
	[tilespmem:$0x17180] =	vst v63  }
0x1b: {  	_ =	swait.ge [sflag:s15], $0x2800  }
0x1c: {  	[sflag:s15] =	ssyncset.done $0x0  }
0x1d: {  	[sflag:s15] =	ssyncadd.s32 $0xFFFFD800  }
0x1e: {  	s31 =	sadd.s32 $0x0, s11;
	[bflag:$0x0] =	sbarrier.arrive $0xFFFF  }
0x1f: {  	[tilespmem:s5], [sflag:$0x2] =	stream.linear.gather [hbm4b:s31+s5], $0x50, $0x38;
	[tilespmem:$0x17180] =	vst v63  }
0x20: {  	_ =	swait.ge [sflag:s15], $0x50  }
0x21: {  	[sflag:s15] =	ssyncset.done $0x0  }
0x22: {  	[sflag:s15] =	ssyncadd.s32 $0xFFFFFFB0  }
0x23: {  	[spmem:s3] =	stream.indirect.scatter.add.f32 [tilespmem:s14], [sflag:$0x2], $0x80, s5, s16, $0xb8;
	[tilespmem:$0x17180] =	vst v63  }
0x24: {  	_ =	swait.ge [sflag:s15], $0x2800  }
0x25: {  	s23 =	simm.s32 $0x14;
	s22 =	simm.s32 $0xA;
	[sflag:s15] =	ssyncset.done $0x0  }
.LBB2_2:
0x26: {  	s24 =	sadd.s32 s22, s11  }
0x27: {  	[sflag:s15] =	ssyncadd.s32 $0xFFFFD800;
	s22 =	smov.u32 s23;
	s25 =	sadd.s32 $0xA, s23  }
0x28: {  	[tilespmem:s5], [sflag:$0x2] =	stream.linear.gather [hbm4b:s24+s5], $0x50, $0x38;
	[tilespmem:$0x17180] =	vst v63  }
0x29: {  	p1 =	sne.s32 s23, $0x9BA;
	_ =	swait.ge [sflag:s15], $0x50  }
.Ltmp0:
0x2a: {  	[sflag:s15] =	ssyncset.done $0x0;
	(pc) =	sbr.rel @p1 .LBB2_2-.Ltmp0, $4  }
0x2b: {  	[sflag:s15] =	ssyncadd.s32 $0xFFFFFFB0  }
0x2c: {  	[spmem:s3] =	stream.indirect.scatter.add.f32 [tilespmem:s14], [sflag:$0x2], $0x80, s5, s16, $0xb8;
	[tilespmem:$0x17180] =	vst v63  }
0x2d: {  	_ =	swait.ge [sflag:s15], $0x2800  }
0x2e: {  	s23 =	smov.u32 s25;
	[sflag:s15] =	ssyncset.done $0x0  }
0x2f: {  	s22 =	sadd.s32 s22, s11;
	[sflag:s15] =	ssyncadd.s32 $0xFFFFD800  }
0x30: {  	[tilespmem:s5], [sflag:$0x2] =	stream.linear.gather [hbm4b:s22+s5], $0x50, $0x38;
	[tilespmem:$0x17180] =	vst v63  }
0x31: {  	_ =	swait.ge [sflag:s15], $0x50  }
0x32: {  	[sflag:s15] =	ssyncset.done $0x0  }
0x33: {  	[sflag:s15] =	ssyncadd.s32 $0xFFFFFFB0  }
0x34: {  	[spmem:s3] =	stream.indirect.scatter.add.f32 [tilespmem:s14], [sflag:$0x2], $0x80, s5, s16, $0xb8;
	[tilespmem:$0x17180] =	vst v63  }
0x35: {  	_ =	swait.ge [sflag:s15], $0x2800  }
0x36: {  	[sflag:s15] =	ssyncset.done $0x0  }
0x37: {  	[sflag:s15] =	ssyncadd.s32 $0xFFFFD800  }
0x38: {  	s22 =	simm.s32 @!p0 $0x2;
	[bflag:$0x0] =	sbarrier.arrive $0xFFFF  }
0x39: {  	[hbm:s7], [sflag:s12] =	dma.local @!p0 [spmem:s13], $0x3E80  }
0x3a: {  	_ =	swait.ge @!p0 [sflag:s22], $0x3E80  }
0x3b: {  	[sflag:s22] =	ssyncset.done @!p0 $0x0  }
0x3c: {  	[sflag:s22] =	ssyncadd.s32 @!p0 $0xFFFFC180  }
0x3d: {  	[tilespmem:s17], [sflag:$0x2] =	stream.linear.gather [hbm4b:s8+s5], $0x20, $0x38;
	[tilespmem:$0x17180] =	vst v63  }
0x3e: {  	_ =	swait.ge [sflag:s15], $0x20  }
0x3f: {  	[sflag:s15] =	ssyncset.done $0x0  }
0x40: {  	[sflag:s15] =	ssyncadd.s32 $0xFFFFFFE0  }
0x41: {  	[tilespmem:s19], [sflag:$0x1] =	stream.indirect.gather [hbm4b:s2+s18], $0x80, s17, s18, $0xb8;
	[tilespmem:$0x17180] =	vst v63  }
0x42: {  	s21 =	sadd.s32 $0x1, s21;
	_ =	swait.ge [sflag:s20], $0x1000  }
0x43: {  	p1 =	sne.s32 s21, s10;
	[sflag:s20] =	ssyncset.done $0x0  }
.Ltmp1:
0x44: {  	[sflag:s20] =	ssyncadd.s32 $0xFFFFF000;
	(pc) =	sbr.rel @p1 .LBB2_1-.Ltmp1, $4  }
0x45: {  	[hbm4b:s9+s5] =	stream.linear.scatter [tilespmem:s19], [sflag:$0x2], $0x1000, $0x38;
	[tilespmem:$0x17180] =	vst v63  }
0x46: {  	_ =	swait.ge [sflag:s15], $0x1000  }
0x47: {  	[sflag:s15] =	ssyncset.done $0x0  }
0x48: {  	[sflag:s15] =	ssyncadd.s32 $0xFFFFF000  }
0x49: {  	_ =	sfence.sel $0x180000  }
0x4a: {  	[bflag:$0x0] =	sbarrier.arrive $0xFFFF  }
0x4b: {  	p0 =	sne.s32 s4, $0x0;
	_ =	strace $0x90000047  }
0x4c: {  	s0 =	sadd.s32 @!p0 $0x100000, s0;
	[bflag:$0x2] =	sbarrier.arrive $0xFFFF  }
0x4d: {  	[sflag:s0] =	ssyncadd.tile.s32 @!p0 $0x1;
	_ =	shalt  }
.Lfunc_end2:
_tile_overlayer_lowered:
.L_overlay_start_2:
0x4e: {  	(tag) =	ssettag $0x2  }
0x4f: {  	s0 =	rddreg [dreg:$0x0];
	s2 =	stileid.u32  }
0x50: {  	s1 =	rddreg [dreg:$0x1];
	p0 =	sne.s32 s2, $0x0  }
0x51: {  	s3 =	rddreg [dreg:$0x2];
	[bflag:$0x3] =	sbarrier.arrive $0xFFFF;
	s2 =	simm.s32 @!p0 $0x1C02  }
0x52: {  	[timem:s3], [sflag:s2] =	dma.local @!p0 [hbm:s0], s1  }
0x53: {  	s0 =	simm.s32 @!p0 $0x2  }
0x54: {  	_ =	swait.ge @!p0 [sflag:s0], s1  }
0x55: {  	s1 =	ssub.s32 @!p0 $0x0, s1;
	[sflag:s0] =	ssyncset.done @!p0 $0x0  }
0x56: {  	[sflag:s0] =	ssyncadd.s32 @!p0 s1  }
0x57: {  	[bflag:$0x3] =	sbarrier.arrive $0xFFFF  }
0x58: {  	_ =	shalt  }

// kernel: kernel.14.cloned.1.call-start
scs
__scs_entry_jumppad:
0x0: {  	(pc) =	sbr.rel $0x88, $3  }
0x1: {  	(tag) =	ssettag $0x0;
	lr =	simm.s32 $0x1  }
0x2: {  	[smem:$0x3F87] =	sst lr;
	_ =	strace $0xD0000000  }
0x3: {  	_ = 	snop  }
0x4: {  	_ = 	snop  }
0x5: {  	_ = 	snop  }
0x6: {  	_ = 	snop  }
0x7: {  	_ = 	snop  }
__scs_overlays_trampoline_lowered:
0x8: {  	[smem:$0x3F96] =	sst s0  }
0x9: {  	[smem:$0x3F97] =	sst s1  }
0xa: {  	[smem:$0x3F98] =	sst s2  }
0xb: {  	[smem:$0x3F99] =	sst s3  }
0xc: {  	[smem:$0x3F9A] =	sst s4  }
0xd: {  	[smem:$0x3F9B] =	sst s5  }
0xe: {  	[smem:$0x3F9C] =	sst s6  }
0xf: {  	[smem:$0x3F9D] =	sst s7  }
0x10: {  	[smem:$0x3F9E] =	sst s8  }
0x11: {  	[smem:$0x3F9F] =	sst s9;
	s0 =	simm.s32 @!p0 $0x0  }
0x12: {  	s1 =	sld [smem:$0x3F85];
	s0 =	simm.s32 @p0 $0x1  }
0x13: {  	[smem:$0x3FA0] =	sst s0;
	s0 =	simm.s32 @!p1 $0x0  }
0x14: {  	s2 =	sld [smem:$0x3F84];
	s0 =	simm.s32 @p1 $0x1  }
0x15: {  	[smem:$0x3FA1] =	sst s0;
	s0 =	simm.s32 @!p2 $0x0  }
0x16: {  	s3 =	sld [smem:$0x3FDB];
	s0 =	simm.s32 @p2 $0x1  }
0x17: {  	s4 =	simm.s32 $0x1BF5;
	[smem:$0x3FA3] =	sst s0  }
0x18: {  	s0 =	sld [smem:$0x3F86];
	_ =	swait.ge [sflag:s4], $0x0  }
0x19: {  	s7 =	sld [smem:$0x3F87]  }
0x1a: {  	s8 =	sadd.s32 $0xFFFFE003, lr  }
0x1b: {  	s9 =	sadd.s32 $0xFFFFFEF7, lr;
	s5 =	simm.s32 $0xFFFFFFFF;
	p2 =	slt.u32 s8, $0xFFFFF086  }
0x1c: {  	p1 =	slt.u32 s9, $0xF7A;
	s5 =	simm.s32 @!p2 $0x0  }
0x1d: {  	s5 =	simm.s32 @p1 $0x1;
	p0 =	seq.s32 s7, s2  }
0x1e: {  	s7 =	smul.u32 @!p0 $0xF7A, s2;
	p2 =	seq.s32 @!p0 s5, $0x0  }
0x1f: {  	s9 =	smul.u32 $0xF7A, s1;
	s8 =	simm.s32 @!p0 $0x1BF5;
	p2 =	por !p2, p0  }
0x20: {  	[sflag:s8] =	ssyncset.s32 @!p0 $0xFFFFF086;
	s6 =	sadd.s32 @!p0 s3, s7;
	s7 =	simm.s32 @!p0 $0x108  }
0x21: {  	s3 =	sadd.s32 s3, s9;
	s6 =	sadd.s32 @!p0 $0x88, s6;
	s7 =	simm.s32 @p2 $0x1082  }
0x22: {  	[simem:s7], [sflag:s8] =	dma.local @!p0 [hbm:s6], $0xF7A  }
0x23: {  	s9 =	sor.u32 $0xD0000000, s2;
	s6 =	simm.s32 $0x108;
	_ =	swait.ge @!p0 [sflag:s8], $0x0  }
0x24: {  	s3 =	sadd.s32 $0x88, s3;
	s6 =	simm.s32 @!p1 $0x1082;
	[sflag:s4] =	ssyncset.s32 $0xFFFFF086  }
0x25: {  	[simem:s6], [sflag:s4] =	dma.local [hbm:s3], $0xF7A  }
0x26: {  	[smem:$0x3F87] =	sst s1;
	(tag) =	ssettag s2;
	_ =	strace s9  }
0x27: {  	s1 =	sld [smem:$0x3F97]  }
0x28: {  	s2 =	sld [smem:$0x3F98]  }
0x29: {  	s4 =	sld [smem:$0x3F9A]  }
0x2a: {  	p0 =	seq.s32 s5, $0x0;
	s5 =	sld [smem:$0x3F9B]  }
0x2b: {  	s6 =	sld [smem:$0x3F9C]  }
0x2c: {  	s7 =	sld [smem:$0x3F9D]  }
0x2d: {  	s3 =	simm.s32 $0x108;
	s8 =	sld [smem:$0x3F9E]  }
0x2e: {  	s3 =	simm.s32 @!p0 $0x1082;
	s9 =	sld [smem:$0x3F9F]  }
0x2f: {  	lr =	sadd.s32 s0, s3;
	s0 =	sld [smem:$0x3F96]  }
0x30: {  	s3 =	sld [smem:$0x3F99]  }
0x31: {  	[smem:$0x3FA2] =	sst s10  }
0x32: {  	s10 =	sld [smem:$0x3FA0];
	_ =	sdelay $0x3  }
0x33: {  	p0 =	seq.s32 s10, $0x1;
	s10 =	sld [smem:$0x3FA2];
	_ =	sdelay $0x3  }
0x34: {  	[smem:$0x3FA2] =	sst s10  }
0x35: {  	s10 =	sld [smem:$0x3FA1];
	_ =	sdelay $0x3  }
0x36: {  	p1 =	seq.s32 s10, $0x1;
	s10 =	sld [smem:$0x3FA2];
	_ =	sdelay $0x3  }
0x37: {  	[smem:$0x3FA2] =	sst s10  }
0x38: {  	s10 =	sld [smem:$0x3FA3]  }
0x39: {  	_ = 	snop;
	(pc) =	sbr.ind lr, $3  }
0x3a: {  	_ = 	snop  }
0x3b: {  	_ = 	snop  }
0x3c: {  	p2 =	seq.s32 s10, $0x1;
	s10 =	sld [smem:$0x3FA2]  }
0x3d: {  	_ =	shalt  }
0x3e: {  	_ =	shalt  }
0x3f: {  	_ =	shalt  }
0x40: {  	_ =	shalt  }
0x41: {  	_ =	shalt  }
0x42: {  	_ =	shalt  }
0x43: {  	_ =	shalt  }
0x44: {  	_ =	shalt  }
0x45: {  	_ =	shalt  }
0x46: {  	_ =	shalt  }
0x47: {  	_ =	shalt  }
0x48: {  	_ =	shalt  }
0x49: {  	_ =	shalt  }
0x4a: {  	_ =	shalt  }
0x4b: {  	_ =	shalt  }
0x4c: {  	_ =	shalt  }
0x4d: {  	_ =	shalt  }
0x4e: {  	_ =	shalt  }
0x4f: {  	_ =	shalt  }
0x50: {  	_ =	shalt  }
0x51: {  	_ =	shalt  }
0x52: {  	_ =	shalt  }
0x53: {  	_ =	shalt  }
0x54: {  	_ =	shalt  }
0x55: {  	_ =	shalt  }
0x56: {  	_ =	shalt  }
0x57: {  	_ =	shalt  }
0x58: {  	_ =	shalt  }
0x59: {  	_ =	shalt  }
0x5a: {  	_ =	shalt  }
0x5b: {  	_ =	shalt  }
0x5c: {  	_ =	shalt  }
0x5d: {  	_ =	shalt  }
0x5e: {  	_ =	shalt  }
0x5f: {  	_ =	shalt  }
0x60: {  	_ =	shalt  }
0x61: {  	_ =	shalt  }
0x62: {  	_ =	shalt  }
0x63: {  	_ =	shalt  }
0x64: {  	_ =	shalt  }
0x65: {  	_ =	shalt  }
0x66: {  	_ =	shalt  }
0x67: {  	_ =	shalt  }
0x68: {  	_ =	shalt  }
0x69: {  	_ =	shalt  }
0x6a: {  	_ =	shalt  }
0x6b: {  	_ =	shalt  }
0x6c: {  	_ =	shalt  }
0x6d: {  	_ =	shalt  }
0x6e: {  	_ =	shalt  }
0x6f: {  	_ =	shalt  }
0x70: {  	_ =	shalt  }
0x71: {  	_ =	shalt  }
0x72: {  	_ =	shalt  }
0x73: {  	_ =	shalt  }
0x74: {  	_ =	shalt  }
0x75: {  	_ =	shalt  }
0x76: {  	_ =	shalt  }
0x77: {  	_ =	shalt  }
0x78: {  	_ =	shalt  }
0x79: {  	_ =	shalt  }
0x7a: {  	_ =	shalt  }
0x7b: {  	_ =	shalt  }
0x7c: {  	_ =	shalt  }
0x7d: {  	_ =	shalt  }
0x7e: {  	_ =	shalt  }
0x7f: {  	_ =	shalt  }
0x80: {  	_ =	shalt  }
0x81: {  	_ =	shalt  }
0x82: {  	_ =	shalt  }
0x83: {  	_ =	shalt  }
0x84: {  	_ =	shalt  }
0x85: {  	_ =	shalt  }
0x86: {  	_ =	shalt  }
0x87: {  	_ =	shalt  }
.Lfunc_end0:
.L_simem_size_0:
called_computation.1_lowered:
.L_overlay_start_0:
0x88: {  	s2 =	sld [smem:$0x3FD9]  }
0x89: {  	s3 =	sld [smem:$0x3FFE];
	_ =	sdelay $0x1  }
0x8a: {  	s1 =	srdreg.scid  }
0x8b: {  	s0 =	sand.u32 $0x1, s1  }
0x8c: {  	s16 =	sshll.u32 s0, $0xA;
	s2 =	sadd.s32 s3, s2  }
0x8d: {  	s2 =	sadd.s32 s2, s16  }
0x8e: {  	[smem:$0x3FAE] =	sst s2  }
0x8f: {  	_ = 	snop  }
0x90: {  	(tm) =	ssettm $0x1  }
0x91: {  	s17 =	sld [smem:$0x3FFB];
	_ =	sdelay $0x3  }
0x92: {  	_ =	strace s17  }
0x93: {  	s2 =	sld [smem:$0x3FFC];
	_ =	sdelay $0x3  }
0x94: {  	_ =	strace s2  }
0x95: {  	s2 =	sld [smem:$0x3FFD];
	_ =	sdelay $0x3  }
0x96: {  	_ =	strace s2  }
0x97: {  	_ =	strace $0x8FFFFFFF  }
0x98: {  	s18 =	sld [smem:$0x3FDB];
	_ =	sdelay $0x1  }
0x99: {  	s19 =	simm.s32 $_scs_section_size  }
0x9a: {  	s4 =	simm.s32 $_size__tile_overlayer_lowered;
	s5 =	simm.s32 $_tile_overlayer_lowered  }
0x9b: {  	s22 =	simm.s32 $0x1BFF;
	s21 =	sshll.u32 s5, $0x1;
	s2 =	sadd.s32 s19, s18  }
0x9c: {  	s6 =	simm.s32 $0x0;
	s20 =	sshll.u32 s4, $0x1;
	s4 =	sadd.s32 s21, s2  }
0x9d: {  	[timem:s6], [sflag:s22] =	dma.local [hbm:s4], s20  }
0x9e: {  	_ =	swait.ge [sflag:s22], s20  }
0x9f: {  	s3 =	ssub.s32 $0x0, s20;
	[sflag:s22] =	ssyncset.done $0x0  }
0xa0: {  	[sflag:s22] =	ssyncadd.s32 s3;
	_ =	sdelay $0x1  }
0xa1: {  	s23 =	simm.s32 $0x1B8B  }
0xa2: {  	_ =	swait.ge [sflag:s23], $0x1  }
0xa3: {  	[sflag:s23] =	ssyncset.done $0x0  }
0xa4: {  	s25 =	simm.s32 $0x1B8E;
	s24 =	sld [smem:$0x3FFE];
	[sflag:s23] =	ssyncadd.s32 $0xFFFFFFFF  }
0xa5: {  	s26 =	simm.s32 $execute0_lowered;
	[smem:$0x3FD2] =	sst s25  }
0xa6: {  	s4 =	sshll.u32 s26, $0x1;
	_ =	strace $0x80000049;
	[dreg:$0x1] =	wrdreg $0xFFFFFFFF  }
0xa7: {  	s28 =	simm.s32 $_size_execute0_lowered;
	s2 =	sadd.s32 s2, s4;
	[dreg:$0x0] =	wrdreg $0x0  }
0xa8: {  	s4 =	sshll.u32 s28, $0x1;
	[dreg:$0x2] =	wrdreg s2  }
0xa9: {  	[dreg:$0x3] =	wrdreg s4  }
0xaa: {  	[dreg:$0x4] =	wrdreg $0xC0  }
0xab: {  	_ =	task [dreg:s6], $0x5FFFF  }
0xac: {  	[dreg:$0x1] =	wrdreg $0xFFFFFFFF  }
0xad: {  	[dreg:$0x0] =	wrdreg $0x60  }
0xae: {  	[dreg:$0x2] =	wrdreg s24  }
0xaf: {  	[dreg:$0x3] =	wrdreg $0x29800  }
0xb0: {  	[dreg:$0x4] =	wrdreg $0x9  }
0xb1: {  	_ =	task.clear_ibuf [dreg:s6], $0x5FFFF;
	_ =	strace $0x90000049  }
0xb2: {  	s29 =	simm.s32 $0x9;
	_ =	strace $0x8000004B  }
0xb3: {  	_ =	swait.ge [sflag:s29], $0x1  }
0xb4: {  	[sflag:s29] =	ssyncadd.s32 $0xFFFFFFFF  }
0xb5: {  	_ =	strace $0x9000004B  }
0xb6: {  	_ =	sfence  }
0xb7: {  	s30 =	sld [smem:$0x0];
	_ =	sdelay $0x2  }
0xb8: {  	s31 =	sshll.u32 s1, $0xD;
	s1 =	sshrl.u32 s1, $0x2  }
0xb9: {  	s3 =	sand.u32 $0x4000, s31;
	s1 =	sadd.s32 s1, s30  }
0xba: {  	s0 =	sor.u32 s3, s0;
	s1 =	sshll.u32 s1, $0x11  }
0xbb: {  	s0 =	sor.u32 s1, s0  }
0xbc: {  	s0 =	sadd.s32 $0x8F2B, s0  }
0xbd: {  	[sflag:s0] =	ssyncadd.remote.s32 $0x1  }
0xbe: {  	_ =	sfence.sel $0xFFFF  }
0xbf: {  	[dreg:$0x0] =	wrdreg $0xFFFFFFFF;
	(pc) =	sbr.abs _section_cstart, $3  }
0xc0: {  	[dreg:$0x1] =	wrdreg $0xFFFFFFFF  }
0xc1: {  	_ =	task.clear_ibuf [dreg:s6], $0x2FFFF;
	_ =	strace $0x9FFFFFFF  }
0xc2: {  	(tm) =	ssettm $0x7FFFFFFF  }
0xc3: {  	_ =	shalt  }
tec
execute0_lowered:
.L_overlay_start_1:
0x0: {  	(tag) =	ssettag $0x1  }
0x1: {  	s6 =	rddreg [dreg:$0x0]  }
0x2: {  	s2 =	rddreg [dreg:$0x1]  }
0x3: {  	s0 =	rddreg [dreg:$0x2]  }
0x4: {  	s1 =	stileid.u32;
	s4 =	srdreg.scid;
	s3 =	simm.s32 $0x0  }
0x5: {  	s12 =	simm.s32 $0x2;
	s13 =	simm.s32 $0x100;
	s14 =	simm.s32 $0x50  }
0x6: {  	s15 =	simm.s32 $0x80;
	s17 =	simm.s32 $0x1;
	s5 =	smul.u32 $0x9C4, s1  }
0x7: {  	s18 =	simm.s32 $0x0;
	s7 =	sand.u32 $0x1, s4;
	s8 =	smul.u32 $0x3E8, s1  }
0x8: {  	[smem:$0x7FF] =	sst s3;
	s4 =	sadd.s32 $0x42E00, s6;
	s10 =	smul.u32 $0x7D000, s1  }
0x9: {  	p0 =	sgt.u32 s1, $0x9;
	s16 =	smul.u32 $0x2710, s7;
	_ =	strace $0x8000004A  }
0xa: {  	s7 =	ssub.s32 $0x2, s7;
	s9 =	sadd.s32 s5, s6;
	s5 =	sadd.s32 $0x3EE00, s6  }
0xb: {  	s11 =	sshrl.u32 s7, $0x1;
	s10 =	sshrl.u32 s10, $0x2;
	s8 =	sadd.s32 s8, s16  }
0xc: {  	s7 =	ssub.s32 s7, s11;
	s11 =	sadd.s32 s10, s2;
	s10 =	sshll.u32 @!p0 s1, $0x6  }
0xd: {  	v0 =	vmov s16;
	s16 =	simm.s32 $0x180;
	s8 =	sshll.u32 s8, $0x4;
	s7 =	smax.u32 s7, $0x1  }
0xe: {  	s10 =	sor.u32 @!p0 $0x1C02, s10;
	s11 =	sshrl.u32 @!p0 s11, $0x3;
	s6 =	sadd.s32 s8, s6  }
0xf: {  	s8 =	sadd.s32 $0x21400, s9;
	s9 =	sadd.s32 $0x3A00, s9;
	s6 =	sadd.s32 $0x17F600, s6  }
.LBB2_1:
0x10: {  	[spmem:s11], [sflag:s10] =	dma.local @!p0 [hbm:s5], $0x3E80  }
0x11: {  	s19 =	simm.s32 @!p0 $0x2  }
0x12: {  	_ =	swait.ge @!p0 [sflag:s19], $0x3E80  }
0x13: {  	[sflag:s19] =	ssyncset.done @!p0 $0x0  }
0x14: {  	[sflag:s19] =	ssyncadd.s32 @!p0 $0xFFFFC180  }
0x15: {  	s30 =	sadd.s32 $0x0, s9;
	[bflag:$0x0] =	sbarrier.arrive $0xFFFF  }
0x16: {  	[tilespmem:s3], [sflag:$0x2] =	stream.linear.gather [hbm4b:s30+s3], $0x50, $0x38;
	[tilespmem:$0x16200] =	vst v63  }
0x17: {  	_ =	swait.ge [sflag:s12], $0x50  }
0x18: {  	[sflag:s12] =	ssyncset.done $0x0  }
0x19: {  	s31 =	sadd.s32 $0x0, s8;
	[sflag:s12] =	ssyncadd.s32 $0xFFFFFFB0  }
0x1a: {  	[tilespmem:s13], [sflag:$0x2] =	stream.linear.gather [hbm4b:s31+s3], $0x50, $0x38;
	[tilespmem:$0x16200] =	vst v63  }
0x1b: {  	_ =	swait.ge [sflag:s12], $0x50  }
0x1c: {  	[sflag:s12] =	ssyncset.done $0x0  }
0x1d: {  	[sflag:s12] =	ssyncadd.s32 $0xFFFFFFB0  }
0x1e: {  	v1 =	vld [tilespmem:$0x40]  }
0x1f: {  	v2 =	vld [tilespmem:$0x20]  }
0x20: {  	v3 =	vld [tilespmem:$0x30]  }
0x21: {  	v4 =	vld [tilespmem:$0x10]  }
0x22: {  	v5 =	vld [tilespmem:$0x0]  }
0x23: {  	v1 =	vadd.s32 v0, v1  }
0x24: {  	v2 =	vadd.s32 v0, v2;
	[tilespmem:$0xC0] =	vst v1  }
0x25: {  	[tilespmem:$0xA0] =	vst v2;
	v1 =	vadd.s32 v0, v3  }
0x26: {  	v2 =	vadd.s32 v0, v4;
	[tilespmem:$0xB0] =	vst v1  }
0x27: {  	v1 =	vadd.s32 v0, v5;
	[tilespmem:$0x90] =	vst v2  }
0x28: {  	[tilespmem:$0x80] =	vst v1  }
0x29: {  	[tilespmem:s16], [sflag:$0x1] =	stream.indirect.gather [hbm4b:s4+s14], $0x80, s15, s14, $0xb8;
	[tilespmem:$0x16200] =	vst v63  }
0x2a: {  	_ =	swait.ge [sflag:s17], $0x2800  }
0x2b: {  	s19 =	simm.s32 $0xA;
	[sflag:s17] =	ssyncset.done $0x0  }
.LBB2_2:
0x2c: {  	p1 =	sne.s32 s19, $0x9BA  }
0x2d: {  	[sflag:s17] =	ssyncadd.s32 $0xFFFFD800;
	s20 =	smov.u32 s19;
	s19 =	sadd.s32 $0xA, s19  }
0x2e: {  	[spmem:s2] =	stream.indirect.scatter.add.f32 [tilespmem:s16], [sflag:$0x2], $0x80, s13, s14, $0xb8;
	[tilespmem:$0x16200] =	vst v63  }
0x2f: {  	_ =	swait.ge [sflag:s12], $0x2800  }
0x30: {  	[sflag:s12] =	ssyncset.done $0x0  }
0x31: {  	s21 =	sadd.s32 s20, s9;
	[sflag:s12] =	ssyncadd.s32 $0xFFFFD800  }
0x32: {  	[tilespmem:s3], [sflag:$0x2] =	stream.linear.gather [hbm4b:s21+s3], $0x50, $0x38;
	[tilespmem:$0x16200] =	vst v63  }
0x33: {  	_ =	swait.ge [sflag:s12], $0x50  }
0x34: {  	[sflag:s12] =	ssyncset.done $0x0  }
0x35: {  	s20 =	sadd.s32 s20, s8;
	[sflag:s12] =	ssyncadd.s32 $0xFFFFFFB0  }
0x36: {  	[tilespmem:s13], [sflag:$0x2] =	stream.linear.gather [hbm4b:s20+s3], $0x50, $0x38;
	[tilespmem:$0x16200] =	vst v63  }
0x37: {  	_ =	swait.ge [sflag:s12], $0x50  }
0x38: {  	[sflag:s12] =	ssyncset.done $0x0  }
0x39: {  	[sflag:s12] =	ssyncadd.s32 $0xFFFFFFB0  }
0x3a: {  	v1 =	vld [tilespmem:$0x40]  }
0x3b: {  	v2 =	vld [tilespmem:$0x20]  }
0x3c: {  	v3 =	vld [tilespmem:$0x30]  }
0x3d: {  	v4 =	vld [tilespmem:$0x10]  }
0x3e: {  	v5 =	vld [tilespmem:$0x0]  }
0x3f: {  	v1 =	vadd.s32 v0, v1  }
0x40: {  	v2 =	vadd.s32 v0, v2;
	[tilespmem:$0xC0] =	vst v1  }
0x41: {  	[tilespmem:$0xA0] =	vst v2;
	v1 =	vadd.s32 v0, v3  }
0x42: {  	v2 =	vadd.s32 v0, v4;
	[tilespmem:$0xB0] =	vst v1  }
.Ltmp0:
0x43: {  	v1 =	vadd.s32 v0, v5;
	[tilespmem:$0x90] =	vst v2;
	(pc) =	sbr.rel @p1 .LBB2_2-.Ltmp0, $4  }
0x44: {  	[tilespmem:$0x80] =	vst v1  }
0x45: {  	[tilespmem:s16], [sflag:$0x1] =	stream.indirect.gather [hbm4b:s4+s14], $0x80, s15, s14, $0xb8;
	[tilespmem:$0x16200] =	vst v63  }
0x46: {  	_ =	swait.ge [sflag:s17], $0x2800  }
0x47: {  	[sflag:s17] =	ssyncset.done $0x0  }
0x48: {  	[sflag:s17] =	ssyncadd.s32 $0xFFFFD800  }
0x49: {  	[spmem:s2] =	stream.indirect.scatter.add.f32 [tilespmem:s16], [sflag:$0x2], $0x80, s13, s14, $0xb8;
	[tilespmem:$0x16200] =	vst v63  }
0x4a: {  	_ =	swait.ge [sflag:s12], $0x2800  }
0x4b: {  	s18 =	sadd.s32 $0x1, s18;
	[sflag:s12] =	ssyncset.done $0x0  }
0x4c: {  	p1 =	sne.s32 s18, s7;
	[sflag:s12] =	ssyncadd.s32 $0xFFFFD800  }
.Ltmp1:
0x4d: {  	s19 =	simm.s32 @!p0 $0x2;
	[bflag:$0x0] =	sbarrier.arrive $0xFFFF;
	(pc) =	sbr.rel @p1 .LBB2_1-.Ltmp1, $4  }
0x4e: {  	[hbm:s6], [sflag:s10] =	dma.local @!p0 [spmem:s11], $0x3E80  }
0x4f: {  	_ =	swait.ge @!p0 [sflag:s19], $0x3E80  }
0x50: {  	[sflag:s19] =	ssyncset.done @!p0 $0x0  }
0x51: {  	[sflag:s19] =	ssyncadd.s32 @!p0 $0xFFFFC180  }
0x52: {  	_ =	sfence.sel $0x180000  }
0x53: {  	[bflag:$0x0] =	sbarrier.arrive $0xFFFF  }
0x54: {  	p0 =	sne.s32 s1, $0x0;
	_ =	strace $0x9000004A  }
0x55: {  	s0 =	sadd.s32 @!p0 $0x100000, s0;
	[bflag:$0x2] =	sbarrier.arrive $0xFFFF  }
0x56: {  	[sflag:s0] =	ssyncadd.tile.s32 @!p0 $0x1;
	_ =	shalt  }
.Lfunc_end2:
_tile_overlayer_lowered:
.L_overlay_start_2:
0x57: {  	(tag) =	ssettag $0x2  }
0x58: {  	s0 =	rddreg [dreg:$0x0];
	s2 =	stileid.u32  }
0x59: {  	s1 =	rddreg [dreg:$0x1];
	p0 =	sne.s32 s2, $0x0  }
0x5a: {  	s3 =	rddreg [dreg:$0x2];
	[bflag:$0x3] =	sbarrier.arrive $0xFFFF;
	s2 =	simm.s32 @!p0 $0x1C02  }
0x5b: {  	[timem:s3], [sflag:s2] =	dma.local @!p0 [hbm:s0], s1  }
0x5c: {  	s0 =	simm.s32 @!p0 $0x2  }
0x5d: {  	_ =	swait.ge @!p0 [sflag:s0], s1  }
0x5e: {  	s1 =	ssub.s32 @!p0 $0x0, s1;
	[sflag:s0] =	ssyncset.done @!p0 $0x0  }
0x5f: {  	[sflag:s0] =	ssyncadd.s32 @!p0 s1  }
0x60: {  	[bflag:$0x3] =	sbarrier.arrive $0xFFFF  }
0x61: {  	_ =	shalt  }

// kernel: kernel.17.cloned.1.call-start
scs
__scs_entry_jumppad:
0x0: {  	(pc) =	sbr.rel $0x88, $3  }
0x1: {  	(tag) =	ssettag $0x0;
	lr =	simm.s32 $0x1  }
0x2: {  	[smem:$0x3F87] =	sst lr;
	_ =	strace $0xD0000000  }
0x3: {  	_ = 	snop  }
0x4: {  	_ = 	snop  }
0x5: {  	_ = 	snop  }
0x6: {  	_ = 	snop  }
0x7: {  	_ = 	snop  }
__scs_overlays_trampoline_lowered:
0x8: {  	[smem:$0x3F96] =	sst s0  }
0x9: {  	[smem:$0x3F97] =	sst s1  }
0xa: {  	[smem:$0x3F98] =	sst s2  }
0xb: {  	[smem:$0x3F99] =	sst s3  }
0xc: {  	[smem:$0x3F9A] =	sst s4  }
0xd: {  	[smem:$0x3F9B] =	sst s5  }
0xe: {  	[smem:$0x3F9C] =	sst s6  }
0xf: {  	[smem:$0x3F9D] =	sst s7  }
0x10: {  	[smem:$0x3F9E] =	sst s8  }
0x11: {  	[smem:$0x3F9F] =	sst s9;
	s0 =	simm.s32 @!p0 $0x0  }
0x12: {  	s1 =	sld [smem:$0x3F85];
	s0 =	simm.s32 @p0 $0x1  }
0x13: {  	[smem:$0x3FA0] =	sst s0;
	s0 =	simm.s32 @!p1 $0x0  }
0x14: {  	s2 =	sld [smem:$0x3F84];
	s0 =	simm.s32 @p1 $0x1  }
0x15: {  	[smem:$0x3FA1] =	sst s0;
	s0 =	simm.s32 @!p2 $0x0  }
0x16: {  	s3 =	sld [smem:$0x3FDB];
	s0 =	simm.s32 @p2 $0x1  }
0x17: {  	s4 =	simm.s32 $0x1BF5;
	[smem:$0x3FA3] =	sst s0  }
0x18: {  	s0 =	sld [smem:$0x3F86];
	_ =	swait.ge [sflag:s4], $0x0  }
0x19: {  	s7 =	sld [smem:$0x3F87]  }
0x1a: {  	s8 =	sadd.s32 $0xFFFFE003, lr  }
0x1b: {  	s9 =	sadd.s32 $0xFFFFFEF7, lr;
	s5 =	simm.s32 $0xFFFFFFFF;
	p2 =	slt.u32 s8, $0xFFFFF086  }
0x1c: {  	p1 =	slt.u32 s9, $0xF7A;
	s5 =	simm.s32 @!p2 $0x0  }
0x1d: {  	s5 =	simm.s32 @p1 $0x1;
	p0 =	seq.s32 s7, s2  }
0x1e: {  	s7 =	smul.u32 @!p0 $0xF7A, s2;
	p2 =	seq.s32 @!p0 s5, $0x0  }
0x1f: {  	s9 =	smul.u32 $0xF7A, s1;
	s8 =	simm.s32 @!p0 $0x1BF5;
	p2 =	por !p2, p0  }
0x20: {  	[sflag:s8] =	ssyncset.s32 @!p0 $0xFFFFF086;
	s6 =	sadd.s32 @!p0 s3, s7;
	s7 =	simm.s32 @!p0 $0x108  }
0x21: {  	s3 =	sadd.s32 s3, s9;
	s6 =	sadd.s32 @!p0 $0x88, s6;
	s7 =	simm.s32 @p2 $0x1082  }
0x22: {  	[simem:s7], [sflag:s8] =	dma.local @!p0 [hbm:s6], $0xF7A  }
0x23: {  	s9 =	sor.u32 $0xD0000000, s2;
	s6 =	simm.s32 $0x108;
	_ =	swait.ge @!p0 [sflag:s8], $0x0  }
0x24: {  	s3 =	sadd.s32 $0x88, s3;
	s6 =	simm.s32 @!p1 $0x1082;
	[sflag:s4] =	ssyncset.s32 $0xFFFFF086  }
0x25: {  	[simem:s6], [sflag:s4] =	dma.local [hbm:s3], $0xF7A  }
0x26: {  	[smem:$0x3F87] =	sst s1;
	(tag) =	ssettag s2;
	_ =	strace s9  }
0x27: {  	s1 =	sld [smem:$0x3F97]  }
0x28: {  	s2 =	sld [smem:$0x3F98]  }
0x29: {  	s4 =	sld [smem:$0x3F9A]  }
0x2a: {  	p0 =	seq.s32 s5, $0x0;
	s5 =	sld [smem:$0x3F9B]  }
0x2b: {  	s6 =	sld [smem:$0x3F9C]  }
0x2c: {  	s7 =	sld [smem:$0x3F9D]  }
0x2d: {  	s3 =	simm.s32 $0x108;
	s8 =	sld [smem:$0x3F9E]  }
0x2e: {  	s3 =	simm.s32 @!p0 $0x1082;
	s9 =	sld [smem:$0x3F9F]  }
0x2f: {  	lr =	sadd.s32 s0, s3;
	s0 =	sld [smem:$0x3F96]  }
0x30: {  	s3 =	sld [smem:$0x3F99]  }
0x31: {  	[smem:$0x3FA2] =	sst s10  }
0x32: {  	s10 =	sld [smem:$0x3FA0];
	_ =	sdelay $0x3  }
0x33: {  	p0 =	seq.s32 s10, $0x1;
	s10 =	sld [smem:$0x3FA2];
	_ =	sdelay $0x3  }
0x34: {  	[smem:$0x3FA2] =	sst s10  }
0x35: {  	s10 =	sld [smem:$0x3FA1];
	_ =	sdelay $0x3  }
0x36: {  	p1 =	seq.s32 s10, $0x1;
	s10 =	sld [smem:$0x3FA2];
	_ =	sdelay $0x3  }
0x37: {  	[smem:$0x3FA2] =	sst s10  }
0x38: {  	s10 =	sld [smem:$0x3FA3]  }
0x39: {  	_ = 	snop;
	(pc) =	sbr.ind lr, $3  }
0x3a: {  	_ = 	snop  }
0x3b: {  	_ = 	snop  }
0x3c: {  	p2 =	seq.s32 s10, $0x1;
	s10 =	sld [smem:$0x3FA2]  }
0x3d: {  	_ =	shalt  }
0x3e: {  	_ =	shalt  }
0x3f: {  	_ =	shalt  }
0x40: {  	_ =	shalt  }
0x41: {  	_ =	shalt  }
0x42: {  	_ =	shalt  }
0x43: {  	_ =	shalt  }
0x44: {  	_ =	shalt  }
0x45: {  	_ =	shalt  }
0x46: {  	_ =	shalt  }
0x47: {  	_ =	shalt  }
0x48: {  	_ =	shalt  }
0x49: {  	_ =	shalt  }
0x4a: {  	_ =	shalt  }
0x4b: {  	_ =	shalt  }
0x4c: {  	_ =	shalt  }
0x4d: {  	_ =	shalt  }
0x4e: {  	_ =	shalt  }
0x4f: {  	_ =	shalt  }
0x50: {  	_ =	shalt  }
0x51: {  	_ =	shalt  }
0x52: {  	_ =	shalt  }
0x53: {  	_ =	shalt  }
0x54: {  	_ =	shalt  }
0x55: {  	_ =	shalt  }
0x56: {  	_ =	shalt  }
0x57: {  	_ =	shalt  }
0x58: {  	_ =	shalt  }
0x59: {  	_ =	shalt  }
0x5a: {  	_ =	shalt  }
0x5b: {  	_ =	shalt  }
0x5c: {  	_ =	shalt  }
0x5d: {  	_ =	shalt  }
0x5e: {  	_ =	shalt  }
0x5f: {  	_ =	shalt  }
0x60: {  	_ =	shalt  }
0x61: {  	_ =	shalt  }
0x62: {  	_ =	shalt  }
0x63: {  	_ =	shalt  }
0x64: {  	_ =	shalt  }
0x65: {  	_ =	shalt  }
0x66: {  	_ =	shalt  }
0x67: {  	_ =	shalt  }
0x68: {  	_ =	shalt  }
0x69: {  	_ =	shalt  }
0x6a: {  	_ =	shalt  }
0x6b: {  	_ =	shalt  }
0x6c: {  	_ =	shalt  }
0x6d: {  	_ =	shalt  }
0x6e: {  	_ =	shalt  }
0x6f: {  	_ =	shalt  }
0x70: {  	_ =	shalt  }
0x71: {  	_ =	shalt  }
0x72: {  	_ =	shalt  }
0x73: {  	_ =	shalt  }
0x74: {  	_ =	shalt  }
0x75: {  	_ =	shalt  }
0x76: {  	_ =	shalt  }
0x77: {  	_ =	shalt  }
0x78: {  	_ =	shalt  }
0x79: {  	_ =	shalt  }
0x7a: {  	_ =	shalt  }
0x7b: {  	_ =	shalt  }
0x7c: {  	_ =	shalt  }
0x7d: {  	_ =	shalt  }
0x7e: {  	_ =	shalt  }
0x7f: {  	_ =	shalt  }
0x80: {  	_ =	shalt  }
0x81: {  	_ =	shalt  }
0x82: {  	_ =	shalt  }
0x83: {  	_ =	shalt  }
0x84: {  	_ =	shalt  }
0x85: {  	_ =	shalt  }
0x86: {  	_ =	shalt  }
0x87: {  	_ =	shalt  }
.Lfunc_end0:
.L_simem_size_0:
called_computation.2_lowered:
.L_overlay_start_0:
0x88: {  	s2 =	sld [smem:$0x3FD9]  }
0x89: {  	s3 =	sld [smem:$0x3FFE];
	_ =	sdelay $0x1  }
0x8a: {  	s1 =	srdreg.scid  }
0x8b: {  	s0 =	sand.u32 $0x1, s1  }
0x8c: {  	s17 =	sshll.u32 s0, $0xA;
	s2 =	sadd.s32 s3, s2  }
0x8d: {  	s2 =	sadd.s32 s2, s17  }
0x8e: {  	[smem:$0x3FAE] =	sst s2  }
0x8f: {  	_ = 	snop  }
0x90: {  	(tm) =	ssettm $0x1  }
0x91: {  	s18 =	sld [smem:$0x3FFB];
	_ =	sdelay $0x3  }
0x92: {  	_ =	strace s18  }
0x93: {  	s2 =	sld [smem:$0x3FFC];
	_ =	sdelay $0x3  }
0x94: {  	_ =	strace s2  }
0x95: {  	s2 =	sld [smem:$0x3FFD];
	_ =	sdelay $0x3  }
0x96: {  	_ =	strace s2  }
0x97: {  	_ =	strace $0x8FFFFFFF  }
0x98: {  	s19 =	sld [smem:$0x3FDB];
	_ =	sdelay $0x1  }
0x99: {  	s20 =	simm.s32 $_scs_section_size  }
0x9a: {  	s4 =	simm.s32 $_size__tile_overlayer_lowered;
	s5 =	simm.s32 $_tile_overlayer_lowered  }
0x9b: {  	s6 =	simm.s32 $0x1BFF;
	s21 =	sshll.u32 s5, $0x1;
	s3 =	sadd.s32 s20, s19  }
0x9c: {  	s22 =	simm.s32 $0x0;
	s4 =	sshll.u32 s4, $0x1;
	s5 =	sadd.s32 s21, s3  }
0x9d: {  	[timem:s22], [sflag:s6] =	dma.local [hbm:s5], s4  }
0x9e: {  	_ =	swait.ge [sflag:s6], s4  }
0x9f: {  	s4 =	ssub.s32 $0x0, s4;
	[sflag:s6] =	ssyncset.done $0x0  }
0xa0: {  	[sflag:s6] =	ssyncadd.s32 s4;
	_ =	sdelay $0x1  }
0xa1: {  	s23 =	simm.s32 $0x1B8B  }
0xa2: {  	_ =	swait.ge [sflag:s23], $0x1  }
0xa3: {  	[sflag:s23] =	ssyncset.done $0x0  }
0xa4: {  	[sflag:s23] =	ssyncadd.s32 $0xFFFFFFFF  }
0xa5: {  	s4 =	sld [smem:$0x0]  }
0xa6: {  	s5 =	sand.u32 $0xFFFFFFFE, s1  }
0xa7: {  	p0 =	sne.s32 s1, s5  }
0xa8: {  	s5 =	sshll.u32 @p0 s5, $0xE  }
0xa9: {  	s5 =	sadd.s32 @p0 $0x11B8D, s5;
	s6 =	sshll.u32 @p0 s4, $0x11  }
0xaa: {  	s5 =	sor.u32 @p0 s6, s5  }
0xab: {  	[sflag:s5] =	ssyncadd.remote.s32 @p0 $0x1;
	_ =	sdelay $0x1  }
0xac: {  	s5 =	simm.s32 @p0 $0x1B8D  }
0xad: {  	_ =	swait.eq @p0 [sflag:s5], $0x1  }
0xae: {  	[sflag:s5] =	ssyncadd.s32 @p0 $0xFFFFFFFF  }
0xaf: {  	s6 =	sshll.u32 @!p0 s1, $0xE  }
0xb0: {  	s6 =	sor.u32 @!p0 $0x4000, s6;
	s5 =	simm.s32 @!p0 $0x1B8D  }
0xb1: {  	s4 =	sshll.u32 @!p0 s4, $0x11;
	s6 =	sadd.s32 @!p0 $0x11B8D, s6;
	_ =	swait.eq @!p0 [sflag:s5], $0x1  }
0xb2: {  	s4 =	sor.u32 @!p0 s4, s6;
	[sflag:s5] =	ssyncadd.s32 @!p0 $0xFFFFFFFF  }
0xb3: {  	s25 =	simm.s32 $0x1B8E;
	s24 =	sld [smem:$0x3FFE];
	[sflag:s4] =	ssyncadd.remote.s32 @!p0 $0x1  }
0xb4: {  	s26 =	simm.s32 $execute0_lowered;
	[smem:$0x3FD2] =	sst s25  }
0xb5: {  	s5 =	sshll.u32 s26, $0x1;
	_ =	strace $0x8000004C;
	[dreg:$0x1] =	wrdreg $0xFFFFFFFF  }
0xb6: {  	s28 =	simm.s32 $_size_execute0_lowered;
	s3 =	sadd.s32 s3, s5;
	[dreg:$0x0] =	wrdreg $0x0  }
0xb7: {  	s5 =	sshll.u32 s28, $0x1;
	[dreg:$0x2] =	wrdreg s3  }
0xb8: {  	[dreg:$0x3] =	wrdreg s5  }
0xb9: {  	[dreg:$0x4] =	wrdreg $0xC0  }
0xba: {  	_ =	task [dreg:s22], $0x5FFFF  }
0xbb: {  	[dreg:$0x1] =	wrdreg $0xFFFFFFFF  }
0xbc: {  	[dreg:$0x0] =	wrdreg $0x60  }
0xbd: {  	[dreg:$0x2] =	wrdreg s24  }
0xbe: {  	[dreg:$0x3] =	wrdreg $0x29800  }
0xbf: {  	[dreg:$0x4] =	wrdreg $0xA  }
0xc0: {  	_ =	task.clear_ibuf [dreg:s22], $0x5FFFF;
	_ =	strace $0x9000004C  }
0xc1: {  	s29 =	simm.s32 $0xA;
	_ =	strace $0x8000004E  }
0xc2: {  	_ =	swait.ge [sflag:s29], $0x1  }
0xc3: {  	[sflag:s29] =	ssyncadd.s32 $0xFFFFFFFF  }
0xc4: {  	_ =	strace $0x9000004E  }
0xc5: {  	_ =	sfence  }
0xc6: {  	s30 =	sld [smem:$0x0];
	_ =	sdelay $0x2  }
0xc7: {  	s31 =	sshll.u32 s1, $0xD;
	s1 =	sshrl.u32 s1, $0x2  }
0xc8: {  	s4 =	sand.u32 $0x4000, s31;
	s1 =	sadd.s32 s1, s30  }
0xc9: {  	s0 =	sor.u32 s4, s0;
	s1 =	sshll.u32 s1, $0x11  }
0xca: {  	s0 =	sor.u32 s1, s0  }
0xcb: {  	s0 =	sadd.s32 $0x8F2B, s0  }
0xcc: {  	[sflag:s0] =	ssyncadd.remote.s32 $0x1  }
0xcd: {  	_ =	sfence.sel $0xFFFF  }
0xce: {  	[dreg:$0x0] =	wrdreg $0xFFFFFFFF;
	(pc) =	sbr.abs _section_cstart, $3  }
0xcf: {  	[dreg:$0x1] =	wrdreg $0xFFFFFFFF  }
0xd0: {  	_ =	task.clear_ibuf [dreg:s22], $0x2FFFF;
	_ =	strace $0x9FFFFFFF  }
0xd1: {  	(tm) =	ssettm $0x7FFFFFFF  }
tec
execute0_lowered:
.L_overlay_start_1:
0x0: {  	(tag) =	ssettag $0x1  }
0x1: {  	s6 =	rddreg [dreg:$0x0]  }
0x2: {  	s2 =	rddreg [dreg:$0x1]  }
0x3: {  	s0 =	rddreg [dreg:$0x2]  }
0x4: {  	s1 =	stileid.u32;
	s4 =	srdreg.scid;
	s3 =	simm.s32 $0x0  }
0x5: {  	s12 =	simm.s32 $0x2;
	s13 =	simm.s32 $0x100;
	s14 =	simm.s32 $0x50  }
0x6: {  	s15 =	simm.s32 $0x80;
	s17 =	simm.s32 $0x1;
	s5 =	smul.u32 $0x9C4, s1  }
0x7: {  	s18 =	simm.s32 $0x0;
	s7 =	sand.u32 $0x1, s4;
	s8 =	smul.u32 $0x3E8, s1  }
0x8: {  	[smem:$0x7FF] =	sst s3;
	s4 =	sadd.s32 $0x131400, s6;
	s10 =	smul.u32 $0x7D000, s1  }
0x9: {  	p0 =	sgt.u32 s1, $0x9;
	s16 =	smul.u32 $0x2710, s7;
	_ =	strace $0x8000004D  }
0xa: {  	s7 =	ssub.s32 $0x2, s7;
	s9 =	sadd.s32 s5, s6;
	s5 =	sadd.s32 $0x3EE00, s6  }
0xb: {  	s11 =	sshrl.u32 s7, $0x1;
	s10 =	sshrl.u32 s10, $0x2;
	s8 =	sadd.s32 s8, s16  }
0xc: {  	s7 =	ssub.s32 s7, s11;
	s11 =	sadd.s32 s10, s2;
	s10 =	sshll.u32 @!p0 s1, $0x6  }
0xd: {  	v0 =	vmov s16;
	s16 =	simm.s32 $0x180;
	s8 =	sshll.u32 s8, $0x4;
	s7 =	smax.u32 s7, $0x1  }
0xe: {  	s10 =	sor.u32 @!p0 $0x1C02, s10;
	s11 =	sshrl.u32 @!p0 s11, $0x3;
	s6 =	sadd.s32 s8, s6  }
0xf: {  	s8 =	sadd.s32 $0x17600, s9;
	s9 =	sadd.s32 $0xD800, s9;
	s6 =	sadd.s32 $0x1CD800, s6  }
.LBB2_1:
0x10: {  	[spmem:s11], [sflag:s10] =	dma.local @!p0 [hbm:s5], $0x3E80  }
0x11: {  	s19 =	simm.s32 @!p0 $0x2  }
0x12: {  	_ =	swait.ge @!p0 [sflag:s19], $0x3E80  }
0x13: {  	[sflag:s19] =	ssyncset.done @!p0 $0x0  }
0x14: {  	[sflag:s19] =	ssyncadd.s32 @!p0 $0xFFFFC180  }
0x15: {  	s30 =	sadd.s32 $0x0, s9;
	[bflag:$0x0] =	sbarrier.arrive $0xFFFF  }
0x16: {  	[tilespmem:s3], [sflag:$0x2] =	stream.linear.gather [hbm4b:s30+s3], $0x50, $0x38;
	[tilespmem:$0x16200] =	vst v63  }
0x17: {  	_ =	swait.ge [sflag:s12], $0x50  }
0x18: {  	[sflag:s12] =	ssyncset.done $0x0  }
0x19: {  	s31 =	sadd.s32 $0x0, s8;
	[sflag:s12] =	ssyncadd.s32 $0xFFFFFFB0  }
0x1a: {  	[tilespmem:s13], [sflag:$0x2] =	stream.linear.gather [hbm4b:s31+s3], $0x50, $0x38;
	[tilespmem:$0x16200] =	vst v63  }
0x1b: {  	_ =	swait.ge [sflag:s12], $0x50  }
0x1c: {  	[sflag:s12] =	ssyncset.done $0x0  }
0x1d: {  	[sflag:s12] =	ssyncadd.s32 $0xFFFFFFB0  }
0x1e: {  	v1 =	vld [tilespmem:$0x40]  }
0x1f: {  	v2 =	vld [tilespmem:$0x20]  }
0x20: {  	v3 =	vld [tilespmem:$0x30]  }
0x21: {  	v4 =	vld [tilespmem:$0x10]  }
0x22: {  	v5 =	vld [tilespmem:$0x0]  }
0x23: {  	v1 =	vadd.s32 v0, v1  }
0x24: {  	v2 =	vadd.s32 v0, v2;
	[tilespmem:$0xC0] =	vst v1  }
0x25: {  	[tilespmem:$0xA0] =	vst v2;
	v1 =	vadd.s32 v0, v3  }
0x26: {  	v2 =	vadd.s32 v0, v4;
	[tilespmem:$0xB0] =	vst v1  }
0x27: {  	v1 =	vadd.s32 v0, v5;
	[tilespmem:$0x90] =	vst v2  }
0x28: {  	[tilespmem:$0x80] =	vst v1  }
0x29: {  	[tilespmem:s16], [sflag:$0x1] =	stream.indirect.gather [hbm4b:s4+s14], $0x80, s15, s14, $0xb8;
	[tilespmem:$0x16200] =	vst v63  }
0x2a: {  	_ =	swait.ge [sflag:s17], $0x2800  }
0x2b: {  	s19 =	simm.s32 $0xA;
	[sflag:s17] =	ssyncset.done $0x0  }
.LBB2_2:
0x2c: {  	p1 =	sne.s32 s19, $0x9BA  }
0x2d: {  	[sflag:s17] =	ssyncadd.s32 $0xFFFFD800;
	s20 =	smov.u32 s19;
	s19 =	sadd.s32 $0xA, s19  }
0x2e: {  	[spmem:s2] =	stream.indirect.scatter.add.f32 [tilespmem:s16], [sflag:$0x2], $0x80, s13, s14, $0xb8;
	[tilespmem:$0x16200] =	vst v63  }
0x2f: {  	_ =	swait.ge [sflag:s12], $0x2800  }
0x30: {  	[sflag:s12] =	ssyncset.done $0x0  }
0x31: {  	s21 =	sadd.s32 s20, s9;
	[sflag:s12] =	ssyncadd.s32 $0xFFFFD800  }
0x32: {  	[tilespmem:s3], [sflag:$0x2] =	stream.linear.gather [hbm4b:s21+s3], $0x50, $0x38;
	[tilespmem:$0x16200] =	vst v63  }
0x33: {  	_ =	swait.ge [sflag:s12], $0x50  }
0x34: {  	[sflag:s12] =	ssyncset.done $0x0  }
0x35: {  	s20 =	sadd.s32 s20, s8;
	[sflag:s12] =	ssyncadd.s32 $0xFFFFFFB0  }
0x36: {  	[tilespmem:s13], [sflag:$0x2] =	stream.linear.gather [hbm4b:s20+s3], $0x50, $0x38;
	[tilespmem:$0x16200] =	vst v63  }
0x37: {  	_ =	swait.ge [sflag:s12], $0x50  }
0x38: {  	[sflag:s12] =	ssyncset.done $0x0  }
0x39: {  	[sflag:s12] =	ssyncadd.s32 $0xFFFFFFB0  }
0x3a: {  	v1 =	vld [tilespmem:$0x40]  }
0x3b: {  	v2 =	vld [tilespmem:$0x20]  }
0x3c: {  	v3 =	vld [tilespmem:$0x30]  }
0x3d: {  	v4 =	vld [tilespmem:$0x10]  }
0x3e: {  	v5 =	vld [tilespmem:$0x0]  }
0x3f: {  	v1 =	vadd.s32 v0, v1  }
0x40: {  	v2 =	vadd.s32 v0, v2;
	[tilespmem:$0xC0] =	vst v1  }
0x41: {  	[tilespmem:$0xA0] =	vst v2;
	v1 =	vadd.s32 v0, v3  }
0x42: {  	v2 =	vadd.s32 v0, v4;
	[tilespmem:$0xB0] =	vst v1  }
.Ltmp0:
0x43: {  	v1 =	vadd.s32 v0, v5;
	[tilespmem:$0x90] =	vst v2;
	(pc) =	sbr.rel @p1 .LBB2_2-.Ltmp0, $4  }
0x44: {  	[tilespmem:$0x80] =	vst v1  }
0x45: {  	[tilespmem:s16], [sflag:$0x1] =	stream.indirect.gather [hbm4b:s4+s14], $0x80, s15, s14, $0xb8;
	[tilespmem:$0x16200] =	vst v63  }
0x46: {  	_ =	swait.ge [sflag:s17], $0x2800  }
0x47: {  	[sflag:s17] =	ssyncset.done $0x0  }
0x48: {  	[sflag:s17] =	ssyncadd.s32 $0xFFFFD800  }
0x49: {  	[spmem:s2] =	stream.indirect.scatter.add.f32 [tilespmem:s16], [sflag:$0x2], $0x80, s13, s14, $0xb8;
	[tilespmem:$0x16200] =	vst v63  }
0x4a: {  	_ =	swait.ge [sflag:s12], $0x2800  }
0x4b: {  	s18 =	sadd.s32 $0x1, s18;
	[sflag:s12] =	ssyncset.done $0x0  }
0x4c: {  	p1 =	sne.s32 s18, s7;
	[sflag:s12] =	ssyncadd.s32 $0xFFFFD800  }
.Ltmp1:
0x4d: {  	s19 =	simm.s32 @!p0 $0x2;
	[bflag:$0x0] =	sbarrier.arrive $0xFFFF;
	(pc) =	sbr.rel @p1 .LBB2_1-.Ltmp1, $4  }
0x4e: {  	[hbm:s6], [sflag:s10] =	dma.local @!p0 [spmem:s11], $0x3E80  }
0x4f: {  	_ =	swait.ge @!p0 [sflag:s19], $0x3E80  }
0x50: {  	[sflag:s19] =	ssyncset.done @!p0 $0x0  }
0x51: {  	[sflag:s19] =	ssyncadd.s32 @!p0 $0xFFFFC180  }
0x52: {  	_ =	sfence.sel $0x180000  }
0x53: {  	[bflag:$0x0] =	sbarrier.arrive $0xFFFF  }
0x54: {  	p0 =	sne.s32 s1, $0x0;
	_ =	strace $0x9000004D  }
0x55: {  	s0 =	sadd.s32 @!p0 $0x100000, s0;
	[bflag:$0x2] =	sbarrier.arrive $0xFFFF  }
0x56: {  	[sflag:s0] =	ssyncadd.tile.s32 @!p0 $0x1;
	_ =	shalt  }
.Lfunc_end2:
_tile_overlayer_lowered:
.L_overlay_start_2:
0x57: {  	(tag) =	ssettag $0x2  }
0x58: {  	s0 =	rddreg [dreg:$0x0];
	s2 =	stileid.u32  }
0x59: {  	s1 =	rddreg [dreg:$0x1];
	p0 =	sne.s32 s2, $0x0  }
0x5a: {  	s3 =	rddreg [dreg:$0x2];
	[bflag:$0x3] =	sbarrier.arrive $0xFFFF;
	s2 =	simm.s32 @!p0 $0x1C02  }
0x5b: {  	[timem:s3], [sflag:s2] =	dma.local @!p0 [hbm:s0], s1  }
0x5c: {  	s0 =	simm.s32 @!p0 $0x2  }
0x5d: {  	_ =	swait.ge @!p0 [sflag:s0], s1  }
0x5e: {  	s1 =	ssub.s32 @!p0 $0x0, s1;
	[sflag:s0] =	ssyncset.done @!p0 $0x0  }
0x5f: {  	[sflag:s0] =	ssyncadd.s32 @!p0 s1  }
0x60: {  	[bflag:$0x3] =	sbarrier.arrive $0xFFFF  }
0x61: {  	_ =	shalt  }

// kernel: kernel.20.cloned.1.call-start
scs
__scs_entry_jumppad:
0x0: {  	(pc) =	sbr.rel $0x88, $3  }
0x1: {  	(tag) =	ssettag $0x0;
	lr =	simm.s32 $0x1  }
0x2: {  	[smem:$0x3F87] =	sst lr;
	_ =	strace $0xD0000000  }
0x3: {  	_ = 	snop  }
0x4: {  	_ = 	snop  }
0x5: {  	_ = 	snop  }
0x6: {  	_ = 	snop  }
0x7: {  	_ = 	snop  }
__scs_overlays_trampoline_lowered:
0x8: {  	[smem:$0x3F96] =	sst s0  }
0x9: {  	[smem:$0x3F97] =	sst s1  }
0xa: {  	[smem:$0x3F98] =	sst s2  }
0xb: {  	[smem:$0x3F99] =	sst s3  }
0xc: {  	[smem:$0x3F9A] =	sst s4  }
0xd: {  	[smem:$0x3F9B] =	sst s5  }
0xe: {  	[smem:$0x3F9C] =	sst s6  }
0xf: {  	[smem:$0x3F9D] =	sst s7  }
0x10: {  	[smem:$0x3F9E] =	sst s8  }
0x11: {  	[smem:$0x3F9F] =	sst s9;
	s0 =	simm.s32 @!p0 $0x0  }
0x12: {  	s1 =	sld [smem:$0x3F85];
	s0 =	simm.s32 @p0 $0x1  }
0x13: {  	[smem:$0x3FA0] =	sst s0;
	s0 =	simm.s32 @!p1 $0x0  }
0x14: {  	s2 =	sld [smem:$0x3F84];
	s0 =	simm.s32 @p1 $0x1  }
0x15: {  	[smem:$0x3FA1] =	sst s0;
	s0 =	simm.s32 @!p2 $0x0  }
0x16: {  	s3 =	sld [smem:$0x3FDB];
	s0 =	simm.s32 @p2 $0x1  }
0x17: {  	s4 =	simm.s32 $0x1BF5;
	[smem:$0x3FA3] =	sst s0  }
0x18: {  	s0 =	sld [smem:$0x3F86];
	_ =	swait.ge [sflag:s4], $0x0  }
0x19: {  	s7 =	sld [smem:$0x3F87]  }
0x1a: {  	s8 =	sadd.s32 $0xFFFFE003, lr  }
0x1b: {  	s9 =	sadd.s32 $0xFFFFFEF7, lr;
	s5 =	simm.s32 $0xFFFFFFFF;
	p2 =	slt.u32 s8, $0xFFFFF086  }
0x1c: {  	p1 =	slt.u32 s9, $0xF7A;
	s5 =	simm.s32 @!p2 $0x0  }
0x1d: {  	s5 =	simm.s32 @p1 $0x1;
	p0 =	seq.s32 s7, s2  }
0x1e: {  	s7 =	smul.u32 @!p0 $0xF7A, s2;
	p2 =	seq.s32 @!p0 s5, $0x0  }
0x1f: {  	s9 =	smul.u32 $0xF7A, s1;
	s8 =	simm.s32 @!p0 $0x1BF5;
	p2 =	por !p2, p0  }
0x20: {  	[sflag:s8] =	ssyncset.s32 @!p0 $0xFFFFF086;
	s6 =	sadd.s32 @!p0 s3, s7;
	s7 =	simm.s32 @!p0 $0x108  }
0x21: {  	s3 =	sadd.s32 s3, s9;
	s6 =	sadd.s32 @!p0 $0x88, s6;
	s7 =	simm.s32 @p2 $0x1082  }
0x22: {  	[simem:s7], [sflag:s8] =	dma.local @!p0 [hbm:s6], $0xF7A  }
0x23: {  	s9 =	sor.u32 $0xD0000000, s2;
	s6 =	simm.s32 $0x108;
	_ =	swait.ge @!p0 [sflag:s8], $0x0  }
0x24: {  	s3 =	sadd.s32 $0x88, s3;
	s6 =	simm.s32 @!p1 $0x1082;
	[sflag:s4] =	ssyncset.s32 $0xFFFFF086  }
0x25: {  	[simem:s6], [sflag:s4] =	dma.local [hbm:s3], $0xF7A  }
0x26: {  	[smem:$0x3F87] =	sst s1;
	(tag) =	ssettag s2;
	_ =	strace s9  }
0x27: {  	s1 =	sld [smem:$0x3F97]  }
0x28: {  	s2 =	sld [smem:$0x3F98]  }
0x29: {  	s4 =	sld [smem:$0x3F9A]  }
0x2a: {  	p0 =	seq.s32 s5, $0x0;
	s5 =	sld [smem:$0x3F9B]  }
0x2b: {  	s6 =	sld [smem:$0x3F9C]  }
0x2c: {  	s7 =	sld [smem:$0x3F9D]  }
0x2d: {  	s3 =	simm.s32 $0x108;
	s8 =	sld [smem:$0x3F9E]  }
0x2e: {  	s3 =	simm.s32 @!p0 $0x1082;
	s9 =	sld [smem:$0x3F9F]  }
0x2f: {  	lr =	sadd.s32 s0, s3;
	s0 =	sld [smem:$0x3F96]  }
0x30: {  	s3 =	sld [smem:$0x3F99]  }
0x31: {  	[smem:$0x3FA2] =	sst s10  }
0x32: {  	s10 =	sld [smem:$0x3FA0];
	_ =	sdelay $0x3  }
0x33: {  	p0 =	seq.s32 s10, $0x1;
	s10 =	sld [smem:$0x3FA2];
	_ =	sdelay $0x3  }
0x34: {  	[smem:$0x3FA2] =	sst s10  }
0x35: {  	s10 =	sld [smem:$0x3FA1];
	_ =	sdelay $0x3  }
0x36: {  	p1 =	seq.s32 s10, $0x1;
	s10 =	sld [smem:$0x3FA2];
	_ =	sdelay $0x3  }
0x37: {  	[smem:$0x3FA2] =	sst s10  }
0x38: {  	s10 =	sld [smem:$0x3FA3]  }
0x39: {  	_ = 	snop;
	(pc) =	sbr.ind lr, $3  }
0x3a: {  	_ = 	snop  }
0x3b: {  	_ = 	snop  }
0x3c: {  	p2 =	seq.s32 s10, $0x1;
	s10 =	sld [smem:$0x3FA2]  }
0x3d: {  	_ =	shalt  }
0x3e: {  	_ =	shalt  }
0x3f: {  	_ =	shalt  }
0x40: {  	_ =	shalt  }
0x41: {  	_ =	shalt  }
0x42: {  	_ =	shalt  }
0x43: {  	_ =	shalt  }
0x44: {  	_ =	shalt  }
0x45: {  	_ =	shalt  }
0x46: {  	_ =	shalt  }
0x47: {  	_ =	shalt  }
0x48: {  	_ =	shalt  }
0x49: {  	_ =	shalt  }
0x4a: {  	_ =	shalt  }
0x4b: {  	_ =	shalt  }
0x4c: {  	_ =	shalt  }
0x4d: {  	_ =	shalt  }
0x4e: {  	_ =	shalt  }
0x4f: {  	_ =	shalt  }
0x50: {  	_ =	shalt  }
0x51: {  	_ =	shalt  }
0x52: {  	_ =	shalt  }
0x53: {  	_ =	shalt  }
0x54: {  	_ =	shalt  }
0x55: {  	_ =	shalt  }
0x56: {  	_ =	shalt  }
0x57: {  	_ =	shalt  }
0x58: {  	_ =	shalt  }
0x59: {  	_ =	shalt  }
0x5a: {  	_ =	shalt  }
0x5b: {  	_ =	shalt  }
0x5c: {  	_ =	shalt  }
0x5d: {  	_ =	shalt  }
0x5e: {  	_ =	shalt  }
0x5f: {  	_ =	shalt  }
0x60: {  	_ =	shalt  }
0x61: {  	_ =	shalt  }
0x62: {  	_ =	shalt  }
0x63: {  	_ =	shalt  }
0x64: {  	_ =	shalt  }
0x65: {  	_ =	shalt  }
0x66: {  	_ =	shalt  }
0x67: {  	_ =	shalt  }
0x68: {  	_ =	shalt  }
0x69: {  	_ =	shalt  }
0x6a: {  	_ =	shalt  }
0x6b: {  	_ =	shalt  }
0x6c: {  	_ =	shalt  }
0x6d: {  	_ =	shalt  }
0x6e: {  	_ =	shalt  }
0x6f: {  	_ =	shalt  }
0x70: {  	_ =	shalt  }
0x71: {  	_ =	shalt  }
0x72: {  	_ =	shalt  }
0x73: {  	_ =	shalt  }
0x74: {  	_ =	shalt  }
0x75: {  	_ =	shalt  }
0x76: {  	_ =	shalt  }
0x77: {  	_ =	shalt  }
0x78: {  	_ =	shalt  }
0x79: {  	_ =	shalt  }
0x7a: {  	_ =	shalt  }
0x7b: {  	_ =	shalt  }
0x7c: {  	_ =	shalt  }
0x7d: {  	_ =	shalt  }
0x7e: {  	_ =	shalt  }
0x7f: {  	_ =	shalt  }
0x80: {  	_ =	shalt  }
0x81: {  	_ =	shalt  }
0x82: {  	_ =	shalt  }
0x83: {  	_ =	shalt  }
0x84: {  	_ =	shalt  }
0x85: {  	_ =	shalt  }
0x86: {  	_ =	shalt  }
0x87: {  	_ =	shalt  }
.Lfunc_end0:
.L_simem_size_0:
called_computation.3_lowered:
.L_overlay_start_0:
0x88: {  	s2 =	sld [smem:$0x3FD9]  }
0x89: {  	s3 =	sld [smem:$0x3FFE];
	_ =	sdelay $0x1  }
0x8a: {  	s1 =	srdreg.scid  }
0x8b: {  	s0 =	sand.u32 $0x1, s1  }
0x8c: {  	s16 =	sshll.u32 s0, $0xA;
	s2 =	sadd.s32 s3, s2  }
0x8d: {  	s2 =	sadd.s32 s2, s16  }
0x8e: {  	[smem:$0x3FAE] =	sst s2  }
0x8f: {  	_ = 	snop  }
0x90: {  	(tm) =	ssettm $0x1  }
0x91: {  	s17 =	sld [smem:$0x3FFB];
	_ =	sdelay $0x3  }
0x92: {  	_ =	strace s17  }
0x93: {  	s2 =	sld [smem:$0x3FFC];
	_ =	sdelay $0x3  }
0x94: {  	_ =	strace s2  }
0x95: {  	s2 =	sld [smem:$0x3FFD];
	_ =	sdelay $0x3  }
0x96: {  	_ =	strace s2  }
0x97: {  	_ =	strace $0x8FFFFFFF  }
0x98: {  	s18 =	sld [smem:$0x3FDB];
	_ =	sdelay $0x1  }
0x99: {  	s19 =	simm.s32 $_scs_section_size  }
0x9a: {  	s4 =	simm.s32 $_size__tile_overlayer_lowered;
	s5 =	simm.s32 $_tile_overlayer_lowered  }
0x9b: {  	s22 =	simm.s32 $0x1BFF;
	s21 =	sshll.u32 s5, $0x1;
	s2 =	sadd.s32 s19, s18  }
0x9c: {  	s6 =	simm.s32 $0x0;
	s20 =	sshll.u32 s4, $0x1;
	s4 =	sadd.s32 s21, s2  }
0x9d: {  	[timem:s6], [sflag:s22] =	dma.local [hbm:s4], s20  }
0x9e: {  	_ =	swait.ge [sflag:s22], s20  }
0x9f: {  	s3 =	ssub.s32 $0x0, s20;
	[sflag:s22] =	ssyncset.done $0x0  }
0xa0: {  	[sflag:s22] =	ssyncadd.s32 s3;
	_ =	sdelay $0x1  }
0xa1: {  	s23 =	simm.s32 $0x1B8B  }
0xa2: {  	_ =	swait.ge [sflag:s23], $0x1  }
0xa3: {  	[sflag:s23] =	ssyncset.done $0x0  }
0xa4: {  	s25 =	simm.s32 $0x1B8E;
	s24 =	sld [smem:$0x3FFE];
	[sflag:s23] =	ssyncadd.s32 $0xFFFFFFFF  }
0xa5: {  	s26 =	simm.s32 $execute0_lowered;
	[smem:$0x3FD2] =	sst s25  }
0xa6: {  	s4 =	sshll.u32 s26, $0x1;
	_ =	strace $0x8000004F;
	[dreg:$0x1] =	wrdreg $0xFFFFFFFF  }
0xa7: {  	s28 =	simm.s32 $_size_execute0_lowered;
	s2 =	sadd.s32 s2, s4;
	[dreg:$0x0] =	wrdreg $0x0  }
0xa8: {  	s4 =	sshll.u32 s28, $0x1;
	[dreg:$0x2] =	wrdreg s2  }
0xa9: {  	[dreg:$0x3] =	wrdreg s4  }
0xaa: {  	[dreg:$0x4] =	wrdreg $0xC0  }
0xab: {  	_ =	task [dreg:s6], $0x5FFFF  }
0xac: {  	[dreg:$0x1] =	wrdreg $0xFFFFFFFF  }
0xad: {  	[dreg:$0x0] =	wrdreg $0x60  }
0xae: {  	[dreg:$0x2] =	wrdreg s24  }
0xaf: {  	[dreg:$0x3] =	wrdreg $0x29800  }
0xb0: {  	[dreg:$0x4] =	wrdreg $0x9  }
0xb1: {  	_ =	task.clear_ibuf [dreg:s6], $0x5FFFF;
	_ =	strace $0x9000004F  }
0xb2: {  	s29 =	simm.s32 $0x9;
	_ =	strace $0x80000051  }
0xb3: {  	_ =	swait.ge [sflag:s29], $0x1  }
0xb4: {  	[sflag:s29] =	ssyncadd.s32 $0xFFFFFFFF  }
0xb5: {  	_ =	strace $0x90000051  }
0xb6: {  	_ =	sfence  }
0xb7: {  	s30 =	sld [smem:$0x0];
	_ =	sdelay $0x2  }
0xb8: {  	s31 =	sshll.u32 s1, $0xD;
	s1 =	sshrl.u32 s1, $0x2  }
0xb9: {  	s3 =	sand.u32 $0x4000, s31;
	s1 =	sadd.s32 s1, s30  }
0xba: {  	s0 =	sor.u32 s3, s0;
	s1 =	sshll.u32 s1, $0x11  }
0xbb: {  	s0 =	sor.u32 s1, s0  }
0xbc: {  	s0 =	sadd.s32 $0x8F2B, s0  }
0xbd: {  	[sflag:s0] =	ssyncadd.remote.s32 $0x1  }
0xbe: {  	_ =	sfence.sel $0xFFFF  }
0xbf: {  	[dreg:$0x0] =	wrdreg $0xFFFFFFFF;
	(pc) =	sbr.abs _section_cstart, $3  }
0xc0: {  	[dreg:$0x1] =	wrdreg $0xFFFFFFFF  }
0xc1: {  	_ =	task.clear_ibuf [dreg:s6], $0x2FFFF;
	_ =	strace $0x9FFFFFFF  }
0xc2: {  	(tm) =	ssettm $0x7FFFFFFF  }
0xc3: {  	_ =	shalt  }
tec
execute0_lowered:
.L_overlay_start_1:
0x0: {  	(tag) =	ssettag $0x1  }
0x1: {  	s6 =	rddreg [dreg:$0x0]  }
0x2: {  	s2 =	rddreg [dreg:$0x1]  }
0x3: {  	s0 =	rddreg [dreg:$0x2]  }
0x4: {  	s1 =	stileid.u32;
	s4 =	srdreg.scid;
	s3 =	simm.s32 $0x0  }
0x5: {  	s12 =	simm.s32 $0x2;
	s13 =	simm.s32 $0x100;
	s14 =	simm.s32 $0x50  }
0x6: {  	s15 =	simm.s32 $0x80;
	s17 =	simm.s32 $0x1;
	s5 =	smul.u32 $0x9C4, s1  }
0x7: {  	s18 =	simm.s32 $0x0;
	s7 =	sand.u32 $0x1, s4;
	s8 =	smul.u32 $0x3E8, s1  }
0x8: {  	[smem:$0x7FF] =	sst s3;
	s4 =	sadd.s32 $0x42E00, s6;
	s10 =	smul.u32 $0x7D000, s1  }
0x9: {  	p0 =	sgt.u32 s1, $0x9;
	s16 =	smul.u32 $0x2710, s7;
	_ =	strace $0x80000050  }
0xa: {  	s7 =	ssub.s32 $0x2, s7;
	s9 =	sadd.s32 s5, s6;
	s5 =	sadd.s32 $0x3EE00, s6  }
0xb: {  	s11 =	sshrl.u32 s7, $0x1;
	s10 =	sshrl.u32 s10, $0x2;
	s8 =	sadd.s32 s8, s16  }
0xc: {  	s7 =	ssub.s32 s7, s11;
	s11 =	sadd.s32 s10, s2;
	s10 =	sshll.u32 @!p0 s1, $0x6  }
0xd: {  	v0 =	vmov s16;
	s16 =	simm.s32 $0x180;
	s8 =	sshll.u32 s8, $0x4;
	s7 =	smax.u32 s7, $0x1  }
0xe: {  	s10 =	sor.u32 @!p0 $0x1C02, s10;
	s11 =	sshrl.u32 @!p0 s11, $0x3;
	s6 =	sadd.s32 s8, s6  }
0xf: {  	s8 =	sadd.s32 $0x21400, s9;
	s9 =	sadd.s32 $0x3A00, s9;
	s6 =	sadd.s32 $0x17F600, s6  }
.LBB2_1:
0x10: {  	[spmem:s11], [sflag:s10] =	dma.local @!p0 [hbm:s5], $0x3E80  }
0x11: {  	s19 =	simm.s32 @!p0 $0x2  }
0x12: {  	_ =	swait.ge @!p0 [sflag:s19], $0x3E80  }
0x13: {  	[sflag:s19] =	ssyncset.done @!p0 $0x0  }
0x14: {  	[sflag:s19] =	ssyncadd.s32 @!p0 $0xFFFFC180  }
0x15: {  	s30 =	sadd.s32 $0x0, s9;
	[bflag:$0x0] =	sbarrier.arrive $0xFFFF  }
0x16: {  	[tilespmem:s3], [sflag:$0x2] =	stream.linear.gather [hbm4b:s30+s3], $0x50, $0x38;
	[tilespmem:$0x16200] =	vst v63  }
0x17: {  	_ =	swait.ge [sflag:s12], $0x50  }
0x18: {  	[sflag:s12] =	ssyncset.done $0x0  }
0x19: {  	s31 =	sadd.s32 $0x0, s8;
	[sflag:s12] =	ssyncadd.s32 $0xFFFFFFB0  }
0x1a: {  	[tilespmem:s13], [sflag:$0x2] =	stream.linear.gather [hbm4b:s31+s3], $0x50, $0x38;
	[tilespmem:$0x16200] =	vst v63  }
0x1b: {  	_ =	swait.ge [sflag:s12], $0x50  }
0x1c: {  	[sflag:s12] =	ssyncset.done $0x0  }
0x1d: {  	[sflag:s12] =	ssyncadd.s32 $0xFFFFFFB0  }
0x1e: {  	v1 =	vld [tilespmem:$0x40]  }
0x1f: {  	v2 =	vld [tilespmem:$0x20]  }
0x20: {  	v3 =	vld [tilespmem:$0x30]  }
0x21: {  	v4 =	vld [tilespmem:$0x10]  }
0x22: {  	v5 =	vld [tilespmem:$0x0]  }
0x23: {  	v1 =	vadd.s32 v0, v1  }
0x24: {  	v2 =	vadd.s32 v0, v2;
	[tilespmem:$0xC0] =	vst v1  }
0x25: {  	[tilespmem:$0xA0] =	vst v2;
	v1 =	vadd.s32 v0, v3  }
0x26: {  	v2 =	vadd.s32 v0, v4;
	[tilespmem:$0xB0] =	vst v1  }
0x27: {  	v1 =	vadd.s32 v0, v5;
	[tilespmem:$0x90] =	vst v2  }
0x28: {  	[tilespmem:$0x80] =	vst v1  }
0x29: {  	[tilespmem:s16], [sflag:$0x1] =	stream.indirect.gather [hbm4b:s4+s14], $0x80, s15, s14, $0xb8;
	[tilespmem:$0x16200] =	vst v63  }
0x2a: {  	_ =	swait.ge [sflag:s17], $0x2800  }
0x2b: {  	s19 =	simm.s32 $0xA;
	[sflag:s17] =	ssyncset.done $0x0  }
.LBB2_2:
0x2c: {  	p1 =	sne.s32 s19, $0x9BA  }
0x2d: {  	[sflag:s17] =	ssyncadd.s32 $0xFFFFD800;
	s20 =	smov.u32 s19;
	s19 =	sadd.s32 $0xA, s19  }
0x2e: {  	[spmem:s2] =	stream.indirect.scatter.add.f32 [tilespmem:s16], [sflag:$0x2], $0x80, s13, s14, $0xb8;
	[tilespmem:$0x16200] =	vst v63  }
0x2f: {  	_ =	swait.ge [sflag:s12], $0x2800  }
0x30: {  	[sflag:s12] =	ssyncset.done $0x0  }
0x31: {  	s21 =	sadd.s32 s20, s9;
	[sflag:s12] =	ssyncadd.s32 $0xFFFFD800  }
0x32: {  	[tilespmem:s3], [sflag:$0x2] =	stream.linear.gather [hbm4b:s21+s3], $0x50, $0x38;
	[tilespmem:$0x16200] =	vst v63  }
0x33: {  	_ =	swait.ge [sflag:s12], $0x50  }
0x34: {  	[sflag:s12] =	ssyncset.done $0x0  }
0x35: {  	s20 =	sadd.s32 s20, s8;
	[sflag:s12] =	ssyncadd.s32 $0xFFFFFFB0  }
0x36: {  	[tilespmem:s13], [sflag:$0x2] =	stream.linear.gather [hbm4b:s20+s3], $0x50, $0x38;
	[tilespmem:$0x16200] =	vst v63  }
0x37: {  	_ =	swait.ge [sflag:s12], $0x50  }
0x38: {  	[sflag:s12] =	ssyncset.done $0x0  }
0x39: {  	[sflag:s12] =	ssyncadd.s32 $0xFFFFFFB0  }
0x3a: {  	v1 =	vld [tilespmem:$0x40]  }
0x3b: {  	v2 =	vld [tilespmem:$0x20]  }
0x3c: {  	v3 =	vld [tilespmem:$0x30]  }
0x3d: {  	v4 =	vld [tilespmem:$0x10]  }
0x3e: {  	v5 =	vld [tilespmem:$0x0]  }
0x3f: {  	v1 =	vadd.s32 v0, v1  }
0x40: {  	v2 =	vadd.s32 v0, v2;
	[tilespmem:$0xC0] =	vst v1  }
0x41: {  	[tilespmem:$0xA0] =	vst v2;
	v1 =	vadd.s32 v0, v3  }
0x42: {  	v2 =	vadd.s32 v0, v4;
	[tilespmem:$0xB0] =	vst v1  }
.Ltmp0:
0x43: {  	v1 =	vadd.s32 v0, v5;
	[tilespmem:$0x90] =	vst v2;
	(pc) =	sbr.rel @p1 .LBB2_2-.Ltmp0, $4  }
0x44: {  	[tilespmem:$0x80] =	vst v1  }
0x45: {  	[tilespmem:s16], [sflag:$0x1] =	stream.indirect.gather [hbm4b:s4+s14], $0x80, s15, s14, $0xb8;
	[tilespmem:$0x16200] =	vst v63  }
0x46: {  	_ =	swait.ge [sflag:s17], $0x2800  }
0x47: {  	[sflag:s17] =	ssyncset.done $0x0  }
0x48: {  	[sflag:s17] =	ssyncadd.s32 $0xFFFFD800  }
0x49: {  	[spmem:s2] =	stream.indirect.scatter.add.f32 [tilespmem:s16], [sflag:$0x2], $0x80, s13, s14, $0xb8;
	[tilespmem:$0x16200] =	vst v63  }
0x4a: {  	_ =	swait.ge [sflag:s12], $0x2800  }
0x4b: {  	s18 =	sadd.s32 $0x1, s18;
	[sflag:s12] =	ssyncset.done $0x0  }
0x4c: {  	p1 =	sne.s32 s18, s7;
	[sflag:s12] =	ssyncadd.s32 $0xFFFFD800  }
.Ltmp1:
0x4d: {  	s19 =	simm.s32 @!p0 $0x2;
	[bflag:$0x0] =	sbarrier.arrive $0xFFFF;
	(pc) =	sbr.rel @p1 .LBB2_1-.Ltmp1, $4  }
0x4e: {  	[hbm:s6], [sflag:s10] =	dma.local @!p0 [spmem:s11], $0x3E80  }
0x4f: {  	_ =	swait.ge @!p0 [sflag:s19], $0x3E80  }
0x50: {  	[sflag:s19] =	ssyncset.done @!p0 $0x0  }
0x51: {  	[sflag:s19] =	ssyncadd.s32 @!p0 $0xFFFFC180  }
0x52: {  	_ =	sfence.sel $0x180000  }
0x53: {  	[bflag:$0x0] =	sbarrier.arrive $0xFFFF  }
0x54: {  	p0 =	sne.s32 s1, $0x0;
	_ =	strace $0x90000050  }
0x55: {  	s0 =	sadd.s32 @!p0 $0x100000, s0;
	[bflag:$0x2] =	sbarrier.arrive $0xFFFF  }
0x56: {  	[sflag:s0] =	ssyncadd.tile.s32 @!p0 $0x1;
	_ =	shalt  }
.Lfunc_end2:
_tile_overlayer_lowered:
.L_overlay_start_2:
0x57: {  	(tag) =	ssettag $0x2  }
0x58: {  	s0 =	rddreg [dreg:$0x0];
	s2 =	stileid.u32  }
0x59: {  	s1 =	rddreg [dreg:$0x1];
	p0 =	sne.s32 s2, $0x0  }
0x5a: {  	s3 =	rddreg [dreg:$0x2];
	[bflag:$0x3] =	sbarrier.arrive $0xFFFF;
	s2 =	simm.s32 @!p0 $0x1C02  }
0x5b: {  	[timem:s3], [sflag:s2] =	dma.local @!p0 [hbm:s0], s1  }
0x5c: {  	s0 =	simm.s32 @!p0 $0x2  }
0x5d: {  	_ =	swait.ge @!p0 [sflag:s0], s1  }
0x5e: {  	s1 =	ssub.s32 @!p0 $0x0, s1;
	[sflag:s0] =	ssyncset.done @!p0 $0x0  }
0x5f: {  	[sflag:s0] =	ssyncadd.s32 @!p0 s1  }
0x60: {  	[bflag:$0x3] =	sbarrier.arrive $0xFFFF  }
0x61: {  	_ =	shalt  }

// kernel: kernel.23.cloned.1.call-start
scs
__scs_entry_jumppad:
0x0: {  	(pc) =	sbr.rel $0x88, $3  }
0x1: {  	(tag) =	ssettag $0x0;
	lr =	simm.s32 $0x1  }
0x2: {  	[smem:$0x3F87] =	sst lr;
	_ =	strace $0xD0000000  }
0x3: {  	_ = 	snop  }
0x4: {  	_ = 	snop  }
0x5: {  	_ = 	snop  }
0x6: {  	_ = 	snop  }
0x7: {  	_ = 	snop  }
__scs_overlays_trampoline_lowered:
0x8: {  	[smem:$0x3F96] =	sst s0  }
0x9: {  	[smem:$0x3F97] =	sst s1  }
0xa: {  	[smem:$0x3F98] =	sst s2  }
0xb: {  	[smem:$0x3F99] =	sst s3  }
0xc: {  	[smem:$0x3F9A] =	sst s4  }
0xd: {  	[smem:$0x3F9B] =	sst s5  }
0xe: {  	[smem:$0x3F9C] =	sst s6  }
0xf: {  	[smem:$0x3F9D] =	sst s7  }
0x10: {  	[smem:$0x3F9E] =	sst s8  }
0x11: {  	[smem:$0x3F9F] =	sst s9;
	s0 =	simm.s32 @!p0 $0x0  }
0x12: {  	s1 =	sld [smem:$0x3F85];
	s0 =	simm.s32 @p0 $0x1  }
0x13: {  	[smem:$0x3FA0] =	sst s0;
	s0 =	simm.s32 @!p1 $0x0  }
0x14: {  	s2 =	sld [smem:$0x3F84];
	s0 =	simm.s32 @p1 $0x1  }
0x15: {  	[smem:$0x3FA1] =	sst s0;
	s0 =	simm.s32 @!p2 $0x0  }
0x16: {  	s3 =	sld [smem:$0x3FDB];
	s0 =	simm.s32 @p2 $0x1  }
0x17: {  	s4 =	simm.s32 $0x1BF5;
	[smem:$0x3FA3] =	sst s0  }
0x18: {  	s0 =	sld [smem:$0x3F86];
	_ =	swait.ge [sflag:s4], $0x0  }
0x19: {  	s7 =	sld [smem:$0x3F87]  }
0x1a: {  	s8 =	sadd.s32 $0xFFFFE003, lr  }
0x1b: {  	s9 =	sadd.s32 $0xFFFFFEF7, lr;
	s5 =	simm.s32 $0xFFFFFFFF;
	p2 =	slt.u32 s8, $0xFFFFF086  }
0x1c: {  	p1 =	slt.u32 s9, $0xF7A;
	s5 =	simm.s32 @!p2 $0x0  }
0x1d: {  	s5 =	simm.s32 @p1 $0x1;
	p0 =	seq.s32 s7, s2  }
0x1e: {  	s7 =	smul.u32 @!p0 $0xF7A, s2;
	p2 =	seq.s32 @!p0 s5, $0x0  }
0x1f: {  	s9 =	smul.u32 $0xF7A, s1;
	s8 =	simm.s32 @!p0 $0x1BF5;
	p2 =	por !p2, p0  }
0x20: {  	[sflag:s8] =	ssyncset.s32 @!p0 $0xFFFFF086;
	s6 =	sadd.s32 @!p0 s3, s7;
	s7 =	simm.s32 @!p0 $0x108  }
0x21: {  	s3 =	sadd.s32 s3, s9;
	s6 =	sadd.s32 @!p0 $0x88, s6;
	s7 =	simm.s32 @p2 $0x1082  }
0x22: {  	[simem:s7], [sflag:s8] =	dma.local @!p0 [hbm:s6], $0xF7A  }
0x23: {  	s9 =	sor.u32 $0xD0000000, s2;
	s6 =	simm.s32 $0x108;
	_ =	swait.ge @!p0 [sflag:s8], $0x0  }
0x24: {  	s3 =	sadd.s32 $0x88, s3;
	s6 =	simm.s32 @!p1 $0x1082;
	[sflag:s4] =	ssyncset.s32 $0xFFFFF086  }
0x25: {  	[simem:s6], [sflag:s4] =	dma.local [hbm:s3], $0xF7A  }
0x26: {  	[smem:$0x3F87] =	sst s1;
	(tag) =	ssettag s2;
	_ =	strace s9  }
0x27: {  	s1 =	sld [smem:$0x3F97]  }
0x28: {  	s2 =	sld [smem:$0x3F98]  }
0x29: {  	s4 =	sld [smem:$0x3F9A]  }
0x2a: {  	p0 =	seq.s32 s5, $0x0;
	s5 =	sld [smem:$0x3F9B]  }
0x2b: {  	s6 =	sld [smem:$0x3F9C]  }
0x2c: {  	s7 =	sld [smem:$0x3F9D]  }
0x2d: {  	s3 =	simm.s32 $0x108;
	s8 =	sld [smem:$0x3F9E]  }
0x2e: {  	s3 =	simm.s32 @!p0 $0x1082;
	s9 =	sld [smem:$0x3F9F]  }
0x2f: {  	lr =	sadd.s32 s0, s3;
	s0 =	sld [smem:$0x3F96]  }
0x30: {  	s3 =	sld [smem:$0x3F99]  }
0x31: {  	[smem:$0x3FA2] =	sst s10  }
0x32: {  	s10 =	sld [smem:$0x3FA0];
	_ =	sdelay $0x3  }
0x33: {  	p0 =	seq.s32 s10, $0x1;
	s10 =	sld [smem:$0x3FA2];
	_ =	sdelay $0x3  }
0x34: {  	[smem:$0x3FA2] =	sst s10  }
0x35: {  	s10 =	sld [smem:$0x3FA1];
	_ =	sdelay $0x3  }
0x36: {  	p1 =	seq.s32 s10, $0x1;
	s10 =	sld [smem:$0x3FA2];
	_ =	sdelay $0x3  }
0x37: {  	[smem:$0x3FA2] =	sst s10  }
0x38: {  	s10 =	sld [smem:$0x3FA3]  }
0x39: {  	_ = 	snop;
	(pc) =	sbr.ind lr, $3  }
0x3a: {  	_ = 	snop  }
0x3b: {  	_ = 	snop  }
0x3c: {  	p2 =	seq.s32 s10, $0x1;
	s10 =	sld [smem:$0x3FA2]  }
0x3d: {  	_ =	shalt  }
0x3e: {  	_ =	shalt  }
0x3f: {  	_ =	shalt  }
0x40: {  	_ =	shalt  }
0x41: {  	_ =	shalt  }
0x42: {  	_ =	shalt  }
0x43: {  	_ =	shalt  }
0x44: {  	_ =	shalt  }
0x45: {  	_ =	shalt  }
0x46: {  	_ =	shalt  }
0x47: {  	_ =	shalt  }
0x48: {  	_ =	shalt  }
0x49: {  	_ =	shalt  }
0x4a: {  	_ =	shalt  }
0x4b: {  	_ =	shalt  }
0x4c: {  	_ =	shalt  }
0x4d: {  	_ =	shalt  }
0x4e: {  	_ =	shalt  }
0x4f: {  	_ =	shalt  }
0x50: {  	_ =	shalt  }
0x51: {  	_ =	shalt  }
0x52: {  	_ =	shalt  }
0x53: {  	_ =	shalt  }
0x54: {  	_ =	shalt  }
0x55: {  	_ =	shalt  }
0x56: {  	_ =	shalt  }
0x57: {  	_ =	shalt  }
0x58: {  	_ =	shalt  }
0x59: {  	_ =	shalt  }
0x5a: {  	_ =	shalt  }
0x5b: {  	_ =	shalt  }
0x5c: {  	_ =	shalt  }
0x5d: {  	_ =	shalt  }
0x5e: {  	_ =	shalt  }
0x5f: {  	_ =	shalt  }
0x60: {  	_ =	shalt  }
0x61: {  	_ =	shalt  }
0x62: {  	_ =	shalt  }
0x63: {  	_ =	shalt  }
0x64: {  	_ =	shalt  }
0x65: {  	_ =	shalt  }
0x66: {  	_ =	shalt  }
0x67: {  	_ =	shalt  }
0x68: {  	_ =	shalt  }
0x69: {  	_ =	shalt  }
0x6a: {  	_ =	shalt  }
0x6b: {  	_ =	shalt  }
0x6c: {  	_ =	shalt  }
0x6d: {  	_ =	shalt  }
0x6e: {  	_ =	shalt  }
0x6f: {  	_ =	shalt  }
0x70: {  	_ =	shalt  }
0x71: {  	_ =	shalt  }
0x72: {  	_ =	shalt  }
0x73: {  	_ =	shalt  }
0x74: {  	_ =	shalt  }
0x75: {  	_ =	shalt  }
0x76: {  	_ =	shalt  }
0x77: {  	_ =	shalt  }
0x78: {  	_ =	shalt  }
0x79: {  	_ =	shalt  }
0x7a: {  	_ =	shalt  }
0x7b: {  	_ =	shalt  }
0x7c: {  	_ =	shalt  }
0x7d: {  	_ =	shalt  }
0x7e: {  	_ =	shalt  }
0x7f: {  	_ =	shalt  }
0x80: {  	_ =	shalt  }
0x81: {  	_ =	shalt  }
0x82: {  	_ =	shalt  }
0x83: {  	_ =	shalt  }
0x84: {  	_ =	shalt  }
0x85: {  	_ =	shalt  }
0x86: {  	_ =	shalt  }
0x87: {  	_ =	shalt  }
.Lfunc_end0:
.L_simem_size_0:
called_computation.4_lowered:
.L_overlay_start_0:
0x88: {  	s2 =	sld [smem:$0x3FD9]  }
0x89: {  	s3 =	sld [smem:$0x3FFE];
	_ =	sdelay $0x1  }
0x8a: {  	s1 =	srdreg.scid  }
0x8b: {  	s0 =	sand.u32 $0x1, s1  }
0x8c: {  	s17 =	sshll.u32 s0, $0xA;
	s2 =	sadd.s32 s3, s2  }
0x8d: {  	s2 =	sadd.s32 s2, s17  }
0x8e: {  	[smem:$0x3FAE] =	sst s2  }
0x8f: {  	_ = 	snop  }
0x90: {  	(tm) =	ssettm $0x1  }
0x91: {  	s18 =	sld [smem:$0x3FFB];
	_ =	sdelay $0x3  }
0x92: {  	_ =	strace s18  }
0x93: {  	s2 =	sld [smem:$0x3FFC];
	_ =	sdelay $0x3  }
0x94: {  	_ =	strace s2  }
0x95: {  	s2 =	sld [smem:$0x3FFD];
	_ =	sdelay $0x3  }
0x96: {  	_ =	strace s2  }
0x97: {  	_ =	strace $0x8FFFFFFF  }
0x98: {  	s19 =	sld [smem:$0x3FDB];
	_ =	sdelay $0x1  }
0x99: {  	s20 =	simm.s32 $_scs_section_size  }
0x9a: {  	s4 =	simm.s32 $_size__tile_overlayer_lowered;
	s5 =	simm.s32 $_tile_overlayer_lowered  }
0x9b: {  	s6 =	simm.s32 $0x1BFF;
	s21 =	sshll.u32 s5, $0x1;
	s3 =	sadd.s32 s20, s19  }
0x9c: {  	s22 =	simm.s32 $0x0;
	s4 =	sshll.u32 s4, $0x1;
	s5 =	sadd.s32 s21, s3  }
0x9d: {  	[timem:s22], [sflag:s6] =	dma.local [hbm:s5], s4  }
0x9e: {  	_ =	swait.ge [sflag:s6], s4  }
0x9f: {  	s4 =	ssub.s32 $0x0, s4;
	[sflag:s6] =	ssyncset.done $0x0  }
0xa0: {  	[sflag:s6] =	ssyncadd.s32 s4;
	_ =	sdelay $0x1  }
0xa1: {  	s23 =	simm.s32 $0x1B8B  }
0xa2: {  	_ =	swait.ge [sflag:s23], $0x1  }
0xa3: {  	[sflag:s23] =	ssyncset.done $0x0  }
0xa4: {  	[sflag:s23] =	ssyncadd.s32 $0xFFFFFFFF  }
0xa5: {  	s4 =	sld [smem:$0x0]  }
0xa6: {  	s5 =	sand.u32 $0xFFFFFFFE, s1  }
0xa7: {  	p0 =	sne.s32 s1, s5  }
0xa8: {  	s5 =	sshll.u32 @p0 s5, $0xE  }
0xa9: {  	s5 =	sadd.s32 @p0 $0x11B8D, s5;
	s6 =	sshll.u32 @p0 s4, $0x11  }
0xaa: {  	s5 =	sor.u32 @p0 s6, s5  }
0xab: {  	[sflag:s5] =	ssyncadd.remote.s32 @p0 $0x1;
	_ =	sdelay $0x1  }
0xac: {  	s5 =	simm.s32 @p0 $0x1B8D  }
0xad: {  	_ =	swait.eq @p0 [sflag:s5], $0x1  }
0xae: {  	[sflag:s5] =	ssyncadd.s32 @p0 $0xFFFFFFFF  }
0xaf: {  	s6 =	sshll.u32 @!p0 s1, $0xE  }
0xb0: {  	s6 =	sor.u32 @!p0 $0x4000, s6;
	s5 =	simm.s32 @!p0 $0x1B8D  }
0xb1: {  	s4 =	sshll.u32 @!p0 s4, $0x11;
	s6 =	sadd.s32 @!p0 $0x11B8D, s6;
	_ =	swait.eq @!p0 [sflag:s5], $0x1  }
0xb2: {  	s4 =	sor.u32 @!p0 s4, s6;
	[sflag:s5] =	ssyncadd.s32 @!p0 $0xFFFFFFFF  }
0xb3: {  	s25 =	simm.s32 $0x1B8E;
	s24 =	sld [smem:$0x3FFE];
	[sflag:s4] =	ssyncadd.remote.s32 @!p0 $0x1  }
0xb4: {  	s26 =	simm.s32 $execute0_lowered;
	[smem:$0x3FD2] =	sst s25  }
0xb5: {  	s5 =	sshll.u32 s26, $0x1;
	_ =	strace $0x80000052;
	[dreg:$0x1] =	wrdreg $0xFFFFFFFF  }
0xb6: {  	s28 =	simm.s32 $_size_execute0_lowered;
	s3 =	sadd.s32 s3, s5;
	[dreg:$0x0] =	wrdreg $0x0  }
0xb7: {  	s5 =	sshll.u32 s28, $0x1;
	[dreg:$0x2] =	wrdreg s3  }
0xb8: {  	[dreg:$0x3] =	wrdreg s5  }
0xb9: {  	[dreg:$0x4] =	wrdreg $0xC0  }
0xba: {  	_ =	task [dreg:s22], $0x5FFFF  }
0xbb: {  	[dreg:$0x1] =	wrdreg $0xFFFFFFFF  }
0xbc: {  	[dreg:$0x0] =	wrdreg $0x60  }
0xbd: {  	[dreg:$0x2] =	wrdreg s24  }
0xbe: {  	[dreg:$0x3] =	wrdreg $0x29800  }
0xbf: {  	[dreg:$0x4] =	wrdreg $0xA  }
0xc0: {  	_ =	task.clear_ibuf [dreg:s22], $0x5FFFF;
	_ =	strace $0x90000052  }
0xc1: {  	s29 =	simm.s32 $0xA;
	_ =	strace $0x80000054  }
0xc2: {  	_ =	swait.ge [sflag:s29], $0x1  }
0xc3: {  	[sflag:s29] =	ssyncadd.s32 $0xFFFFFFFF  }
0xc4: {  	_ =	strace $0x90000054  }
0xc5: {  	_ =	sfence  }
0xc6: {  	s30 =	sld [smem:$0x0];
	_ =	sdelay $0x2  }
0xc7: {  	s31 =	sshll.u32 s1, $0xD;
	s1 =	sshrl.u32 s1, $0x2  }
0xc8: {  	s4 =	sand.u32 $0x4000, s31;
	s1 =	sadd.s32 s1, s30  }
0xc9: {  	s0 =	sor.u32 s4, s0;
	s1 =	sshll.u32 s1, $0x11  }
0xca: {  	s0 =	sor.u32 s1, s0  }
0xcb: {  	s0 =	sadd.s32 $0x8F2B, s0  }
0xcc: {  	[sflag:s0] =	ssyncadd.remote.s32 $0x1  }
0xcd: {  	_ =	sfence.sel $0xFFFF  }
0xce: {  	[dreg:$0x0] =	wrdreg $0xFFFFFFFF;
	(pc) =	sbr.abs _section_cstart, $3  }
0xcf: {  	[dreg:$0x1] =	wrdreg $0xFFFFFFFF  }
0xd0: {  	_ =	task.clear_ibuf [dreg:s22], $0x2FFFF;
	_ =	strace $0x9FFFFFFF  }
0xd1: {  	(tm) =	ssettm $0x7FFFFFFF  }
tec
execute0_lowered:
.L_overlay_start_1:
0x0: {  	(tag) =	ssettag $0x1  }
0x1: {  	s6 =	rddreg [dreg:$0x0]  }
0x2: {  	s2 =	rddreg [dreg:$0x1]  }
0x3: {  	s0 =	rddreg [dreg:$0x2]  }
0x4: {  	s1 =	stileid.u32;
	s4 =	srdreg.scid;
	s3 =	simm.s32 $0x0  }
0x5: {  	s12 =	simm.s32 $0x2;
	s13 =	simm.s32 $0x100;
	s14 =	simm.s32 $0x50  }
0x6: {  	s15 =	simm.s32 $0x80;
	s17 =	simm.s32 $0x1;
	s5 =	smul.u32 $0x9C4, s1  }
0x7: {  	s18 =	simm.s32 $0x0;
	s7 =	sand.u32 $0x1, s4;
	s8 =	smul.u32 $0x3E8, s1  }
0x8: {  	[smem:$0x7FF] =	sst s3;
	s4 =	sadd.s32 $0x131400, s6;
	s10 =	smul.u32 $0x7D000, s1  }
0x9: {  	p0 =	sgt.u32 s1, $0x9;
	s16 =	smul.u32 $0x2710, s7;
	_ =	strace $0x80000053  }
0xa: {  	s7 =	ssub.s32 $0x2, s7;
	s9 =	sadd.s32 s5, s6;
	s5 =	sadd.s32 $0x3EE00, s6  }
0xb: {  	s11 =	sshrl.u32 s7, $0x1;
	s10 =	sshrl.u32 s10, $0x2;
	s8 =	sadd.s32 s8, s16  }
0xc: {  	s7 =	ssub.s32 s7, s11;
	s11 =	sadd.s32 s10, s2;
	s10 =	sshll.u32 @!p0 s1, $0x6  }
0xd: {  	v0 =	vmov s16;
	s16 =	simm.s32 $0x180;
	s8 =	sshll.u32 s8, $0x4;
	s7 =	smax.u32 s7, $0x1  }
0xe: {  	s10 =	sor.u32 @!p0 $0x1C02, s10;
	s11 =	sshrl.u32 @!p0 s11, $0x3;
	s6 =	sadd.s32 s8, s6  }
0xf: {  	s8 =	sadd.s32 $0x17600, s9;
	s9 =	sadd.s32 $0xD800, s9;
	s6 =	sadd.s32 $0x1CD800, s6  }
.LBB2_1:
0x10: {  	[spmem:s11], [sflag:s10] =	dma.local @!p0 [hbm:s5], $0x3E80  }
0x11: {  	s19 =	simm.s32 @!p0 $0x2  }
0x12: {  	_ =	swait.ge @!p0 [sflag:s19], $0x3E80  }
0x13: {  	[sflag:s19] =	ssyncset.done @!p0 $0x0  }
0x14: {  	[sflag:s19] =	ssyncadd.s32 @!p0 $0xFFFFC180  }
0x15: {  	s30 =	sadd.s32 $0x0, s9;
	[bflag:$0x0] =	sbarrier.arrive $0xFFFF  }
0x16: {  	[tilespmem:s3], [sflag:$0x2] =	stream.linear.gather [hbm4b:s30+s3], $0x50, $0x38;
	[tilespmem:$0x16200] =	vst v63  }
0x17: {  	_ =	swait.ge [sflag:s12], $0x50  }
0x18: {  	[sflag:s12] =	ssyncset.done $0x0  }
0x19: {  	s31 =	sadd.s32 $0x0, s8;
	[sflag:s12] =	ssyncadd.s32 $0xFFFFFFB0  }
0x1a: {  	[tilespmem:s13], [sflag:$0x2] =	stream.linear.gather [hbm4b:s31+s3], $0x50, $0x38;
	[tilespmem:$0x16200] =	vst v63  }
0x1b: {  	_ =	swait.ge [sflag:s12], $0x50  }
0x1c: {  	[sflag:s12] =	ssyncset.done $0x0  }
0x1d: {  	[sflag:s12] =	ssyncadd.s32 $0xFFFFFFB0  }
0x1e: {  	v1 =	vld [tilespmem:$0x40]  }
0x1f: {  	v2 =	vld [tilespmem:$0x20]  }
0x20: {  	v3 =	vld [tilespmem:$0x30]  }
0x21: {  	v4 =	vld [tilespmem:$0x10]  }
0x22: {  	v5 =	vld [tilespmem:$0x0]  }
0x23: {  	v1 =	vadd.s32 v0, v1  }
0x24: {  	v2 =	vadd.s32 v0, v2;
	[tilespmem:$0xC0] =	vst v1  }
0x25: {  	[tilespmem:$0xA0] =	vst v2;
	v1 =	vadd.s32 v0, v3  }
0x26: {  	v2 =	vadd.s32 v0, v4;
	[tilespmem:$0xB0] =	vst v1  }
0x27: {  	v1 =	vadd.s32 v0, v5;
	[tilespmem:$0x90] =	vst v2  }
0x28: {  	[tilespmem:$0x80] =	vst v1  }
0x29: {  	[tilespmem:s16], [sflag:$0x1] =	stream.indirect.gather [hbm4b:s4+s14], $0x80, s15, s14, $0xb8;
	[tilespmem:$0x16200] =	vst v63  }
0x2a: {  	_ =	swait.ge [sflag:s17], $0x2800  }
0x2b: {  	s19 =	simm.s32 $0xA;
	[sflag:s17] =	ssyncset.done $0x0  }
.LBB2_2:
0x2c: {  	p1 =	sne.s32 s19, $0x9BA  }
0x2d: {  	[sflag:s17] =	ssyncadd.s32 $0xFFFFD800;
	s20 =	smov.u32 s19;
	s19 =	sadd.s32 $0xA, s19  }
0x2e: {  	[spmem:s2] =	stream.indirect.scatter.add.f32 [tilespmem:s16], [sflag:$0x2], $0x80, s13, s14, $0xb8;
	[tilespmem:$0x16200] =	vst v63  }
0x2f: {  	_ =	swait.ge [sflag:s12], $0x2800  }
0x30: {  	[sflag:s12] =	ssyncset.done $0x0  }
0x31: {  	s21 =	sadd.s32 s20, s9;
	[sflag:s12] =	ssyncadd.s32 $0xFFFFD800  }
0x32: {  	[tilespmem:s3], [sflag:$0x2] =	stream.linear.gather [hbm4b:s21+s3], $0x50, $0x38;
	[tilespmem:$0x16200] =	vst v63  }
0x33: {  	_ =	swait.ge [sflag:s12], $0x50  }
0x34: {  	[sflag:s12] =	ssyncset.done $0x0  }
0x35: {  	s20 =	sadd.s32 s20, s8;
	[sflag:s12] =	ssyncadd.s32 $0xFFFFFFB0  }
0x36: {  	[tilespmem:s13], [sflag:$0x2] =	stream.linear.gather [hbm4b:s20+s3], $0x50, $0x38;
	[tilespmem:$0x16200] =	vst v63  }
0x37: {  	_ =	swait.ge [sflag:s12], $0x50  }
0x38: {  	[sflag:s12] =	ssyncset.done $0x0  }
0x39: {  	[sflag:s12] =	ssyncadd.s32 $0xFFFFFFB0  }
0x3a: {  	v1 =	vld [tilespmem:$0x40]  }
0x3b: {  	v2 =	vld [tilespmem:$0x20]  }
0x3c: {  	v3 =	vld [tilespmem:$0x30]  }
0x3d: {  	v4 =	vld [tilespmem:$0x10]  }
0x3e: {  	v5 =	vld [tilespmem:$0x0]  }
0x3f: {  	v1 =	vadd.s32 v0, v1  }
0x40: {  	v2 =	vadd.s32 v0, v2;
	[tilespmem:$0xC0] =	vst v1  }
0x41: {  	[tilespmem:$0xA0] =	vst v2;
	v1 =	vadd.s32 v0, v3  }
0x42: {  	v2 =	vadd.s32 v0, v4;
	[tilespmem:$0xB0] =	vst v1  }
.Ltmp0:
0x43: {  	v1 =	vadd.s32 v0, v5;
	[tilespmem:$0x90] =	vst v2;
	(pc) =	sbr.rel @p1 .LBB2_2-.Ltmp0, $4  }
0x44: {  	[tilespmem:$0x80] =	vst v1  }
0x45: {  	[tilespmem:s16], [sflag:$0x1] =	stream.indirect.gather [hbm4b:s4+s14], $0x80, s15, s14, $0xb8;
	[tilespmem:$0x16200] =	vst v63  }
0x46: {  	_ =	swait.ge [sflag:s17], $0x2800  }
0x47: {  	[sflag:s17] =	ssyncset.done $0x0  }
0x48: {  	[sflag:s17] =	ssyncadd.s32 $0xFFFFD800  }
0x49: {  	[spmem:s2] =	stream.indirect.scatter.add.f32 [tilespmem:s16], [sflag:$0x2], $0x80, s13, s14, $0xb8;
	[tilespmem:$0x16200] =	vst v63  }
0x4a: {  	_ =	swait.ge [sflag:s12], $0x2800  }
0x4b: {  	s18 =	sadd.s32 $0x1, s18;
	[sflag:s12] =	ssyncset.done $0x0  }
0x4c: {  	p1 =	sne.s32 s18, s7;
	[sflag:s12] =	ssyncadd.s32 $0xFFFFD800  }
.Ltmp1:
0x4d: {  	s19 =	simm.s32 @!p0 $0x2;
	[bflag:$0x0] =	sbarrier.arrive $0xFFFF;
	(pc) =	sbr.rel @p1 .LBB2_1-.Ltmp1, $4  }
0x4e: {  	[hbm:s6], [sflag:s10] =	dma.local @!p0 [spmem:s11], $0x3E80  }
0x4f: {  	_ =	swait.ge @!p0 [sflag:s19], $0x3E80  }
0x50: {  	[sflag:s19] =	ssyncset.done @!p0 $0x0  }
0x51: {  	[sflag:s19] =	ssyncadd.s32 @!p0 $0xFFFFC180  }
0x52: {  	_ =	sfence.sel $0x180000  }
0x53: {  	[bflag:$0x0] =	sbarrier.arrive $0xFFFF  }
0x54: {  	p0 =	sne.s32 s1, $0x0;
	_ =	strace $0x90000053  }
0x55: {  	s0 =	sadd.s32 @!p0 $0x100000, s0;
	[bflag:$0x2] =	sbarrier.arrive $0xFFFF  }
0x56: {  	[sflag:s0] =	ssyncadd.tile.s32 @!p0 $0x1;
	_ =	shalt  }
.Lfunc_end2:
_tile_overlayer_lowered:
.L_overlay_start_2:
0x57: {  	(tag) =	ssettag $0x2  }
0x58: {  	s0 =	rddreg [dreg:$0x0];
	s2 =	stileid.u32  }
0x59: {  	s1 =	rddreg [dreg:$0x1];
	p0 =	sne.s32 s2, $0x0  }
0x5a: {  	s3 =	rddreg [dreg:$0x2];
	[bflag:$0x3] =	sbarrier.arrive $0xFFFF;
	s2 =	simm.s32 @!p0 $0x1C02  }
0x5b: {  	[timem:s3], [sflag:s2] =	dma.local @!p0 [hbm:s0], s1  }
0x5c: {  	s0 =	simm.s32 @!p0 $0x2  }
0x5d: {  	_ =	swait.ge @!p0 [sflag:s0], s1  }
0x5e: {  	s1 =	ssub.s32 @!p0 $0x0, s1;
	[sflag:s0] =	ssyncset.done @!p0 $0x0  }
0x5f: {  	[sflag:s0] =	ssyncadd.s32 @!p0 s1  }
0x60: {  	[bflag:$0x3] =	sbarrier.arrive $0xFFFF  }
0x61: {  	_ =	shalt  }

</sc_bundles>
